<compile_context>
chip_gen: v7x
topology: tpu7x:2x2x1
jax: 0.10.2.dev20260603
libtpu: 0.0.44.dev20260713+nightly
codegen_flags: <defaults>
</compile_context>

<pallas_src>
import functools

import jax
import jax.numpy as jnp
from jax import lax
from jax.experimental import pallas as pl
from jax.experimental.pallas import tpu as pltpu
from jax.experimental.pallas import tpu_sc as plsc

N = 10000
NP = 10240
E = 160000
EP = 163840
NG = 64
NTILE = 16
EPT = EP // NTILE
NROW = NP // NTILE
CHUNK = 160
N_CH = EPT // CHUNK
HALF = 128

_SC_MESH = dict(core_axis_name="c", subcore_axis_name="s")


def _make_deg():
    mesh = plsc.VectorSubcoreMesh(**_SC_MESH)

    @functools.partial(
        pl.kernel, mesh=mesh,
        out_type=jax.ShapeDtypeStruct((NP,), jnp.float32),
        scratch_types=[
            pltpu.VMEM_SHARED((NP,), jnp.float32),
            pltpu.VMEM((EPT,), jnp.int32),
            pltpu.VMEM((EPT,), jnp.float32),
            pltpu.VMEM((NROW,), jnp.float32),
        ],
    )
    def deg_k(dst_hbm, ones_hbm, deg_out, acc_sh, dst_v, ones_v, blk_v):
        c = lax.axis_index("c")
        s = lax.axis_index("s")
        pltpu.sync_copy(dst_hbm.at[pl.ds(s * EPT, EPT)], dst_v)
        pltpu.sync_copy(ones_hbm, ones_v)

        def zero_blk(i, carry):
            blk_v[pl.ds(i * 16, 16)] = jnp.zeros((16,), jnp.float32)
            return carry
        lax.fori_loop(0, NROW // 16, zero_blk, 0)
        pltpu.sync_copy(blk_v, acc_sh.at[pl.ds(s * NROW, NROW)])
        plsc.subcore_barrier()
        pltpu.sync_copy(ones_v, acc_sh.at[dst_v], add=True)
        plsc.subcore_barrier()

        @pl.when(c == 0)
        def _():
            pltpu.sync_copy(acc_sh.at[pl.ds(s * NROW, NROW)],
                            deg_out.at[pl.ds(s * NROW, NROW)])

    return deg_k


def _make_agg():
    mesh = plsc.VectorSubcoreMesh(**_SC_MESH)

    @functools.partial(
        pl.kernel, mesh=mesh,
        out_type=(jax.ShapeDtypeStruct((NP, HALF), jnp.float32),
                  jax.ShapeDtypeStruct((NP, HALF), jnp.float32)),
        scratch_types=[
            pltpu.VMEM_SHARED((NP, HALF), jnp.float32),
            pltpu.VMEM((CHUNK // 2,), jnp.int32),
            pltpu.VMEM((CHUNK // 2,), jnp.int32),
            pltpu.VMEM((CHUNK // 2,), jnp.int32),
            pltpu.VMEM((CHUNK // 2,), jnp.int32),
            pltpu.VMEM((CHUNK,), jnp.int32),
            pltpu.VMEM((CHUNK,), jnp.int32),
            pltpu.VMEM((CHUNK, HALF), jnp.float32),
            pltpu.VMEM((CHUNK, HALF), jnp.float32),
            pltpu.SemaphoreType.DMA,
            pltpu.SemaphoreType.DMA,
            pltpu.SemaphoreType.DMA,
            pltpu.SemaphoreType.DMA,
            pltpu.SemaphoreType.DMA,
            pltpu.SemaphoreType.DMA,
        ],
    )
    def agg_k(lo_hbm, hi_hbm, src_hbm, dst_hbm, out_lo, out_hi,
              acc_sh, sca0, scb0, sca1, scb1, dstc0, dstc1, rows0, rows1,
              si0, si1, sg0, sg1, ss0, ss1):
        c = lax.axis_index("c")
        s = lax.axis_index("s")
        HC = CHUNK // 2
        slots = ((sca0, scb0, dstc0, rows0, si0, sg0, ss0),
                 (sca1, scb1, dstc1, rows1, si1, sg1, ss1))

        def run(hw_hbm, out_hbm):
            pltpu.sync_copy(hw_hbm.at[pl.ds(s * NROW, NROW)],
                            acc_sh.at[pl.ds(s * NROW, NROW)])
            plsc.subcore_barrier()
            base = s * EPT

            def issue_idx(k, slot):
                sa, sb, dc, _, si, _, _ = slot
                off = pl.multiple_of(base + k * CHUNK, CHUNK)
                off2 = pl.multiple_of(base + k * CHUNK + HC, HC)
                pltpu.async_copy(src_hbm.at[pl.ds(off, HC)], sa, si)
                pltpu.async_copy(src_hbm.at[pl.ds(off2, HC)], sb, si)
                pltpu.async_copy(dst_hbm.at[pl.ds(off, CHUNK)], dc, si)

            def wait_idx(slot):
                sa, sb, dc, _, si, _, _ = slot
                off = pl.multiple_of(base, CHUNK)
                pltpu.make_async_copy(src_hbm.at[pl.ds(off, HC)], sa, si).wait()
                pltpu.make_async_copy(src_hbm.at[pl.ds(off, HC)], sb, si).wait()
                pltpu.make_async_copy(dst_hbm.at[pl.ds(off, CHUNK)], dc, si).wait()

            def issue_gather(hw_hbm, slot):
                sa, sb, _, rv, _, sg, _ = slot
                pltpu.async_copy(hw_hbm.at[sa], rv.at[pl.ds(0, HC)], sg)
                pltpu.async_copy(hw_hbm.at[sb], rv.at[pl.ds(HC, HC)], sg)

            def wait_gather(hw_hbm, slot):
                sa, sb, _, rv, _, sg, _ = slot
                pltpu.make_async_copy(
                    hw_hbm.at[sa], rv.at[pl.ds(0, HC)], sg).wait()
                pltpu.make_async_copy(
                    hw_hbm.at[sb], rv.at[pl.ds(HC, HC)], sg).wait()

            issue_idx(0, slots[0])
            wait_idx(slots[0])
            issue_gather(hw_hbm, slots[0])

            def body2(i, carry):
                for b in (0, 1):
                    k = 2 * i + b
                    _, _, dc, rv, si, sg, ss = slots[b]
                    _, _, dcn, rvn, sin, sgn, ssn = slots[1 - b]

                    @pl.when(k >= 1)
                    def _():
                        pltpu.make_async_copy(
                            rvn, acc_sh.at[dcn], ssn).wait()

                    @pl.when(k + 1 < N_CH)
                    def _():
                        issue_idx(k + 1, slots[1 - b])

                    wait_gather(hw_hbm, slots[b])

                    @pl.when(k + 1 < N_CH)
                    def _():
                        wait_idx(slots[1 - b])
                        issue_gather(hw_hbm, slots[1 - b])

                    pltpu.async_copy(rv, acc_sh.at[dc], ss, add=True)
                return carry
            lax.fori_loop(0, N_CH // 2, body2, 0)
            pltpu.make_async_copy(rows1, acc_sh.at[dstc1], ss1).wait()
            plsc.subcore_barrier()
            pltpu.sync_copy(acc_sh.at[pl.ds(s * NROW, NROW)],
                            out_hbm.at[pl.ds(s * NROW, NROW)])

        @pl.when(c == 0)
        def _():
            run(lo_hbm, out_lo)

        @pl.when(c == 1)
        def _():
            run(hi_hbm, out_hi)

    return agg_k


_BLK = 512
_BLK3 = 400


def _tc1_body(x_ref, w1_ref, b1_ref, b2_ref, wa_ref, wg1_ref,
              deg_ref, lo_ref, hi_ref, dinv_ref):
    xb = x_ref[...]
    h1 = lax.dot_general(xb.astype(jnp.bfloat16), w1_ref[...],
                         (((1,), (1,)), ((), ())),
                         preferred_element_type=jnp.float32) + b1_ref[...]
    a1 = jnp.sum(h1 * wa_ref[...], axis=1, keepdims=True)
    a2 = jnp.sum(b2_ref[...] * wa_ref[...])
    w0 = jax.nn.sigmoid(a1 - a2)
    fused = w0 * h1 + (1.0 - w0) * b2_ref[...]
    hw = lax.dot_general(fused.astype(jnp.bfloat16), wg1_ref[...],
                         (((1,), (1,)), ((), ())),
                         preferred_element_type=jnp.float32)
    dinv = lax.rsqrt(deg_ref[...] + 1.0)
    hws = hw * dinv
    lo_ref[...] = hws[:, :HALF]
    hi_ref[...] = hws[:, HALF:]
    dinv_ref[...] = dinv


def _tc1(x_pad, W1, b1r, b2r, Wa, Wg1, deg2):
    grid = NP // _BLK
    return pl.pallas_call(
        _tc1_body,
        grid=(grid,),
        in_specs=[
            pl.BlockSpec((_BLK, 768), lambda i: (i, 0)),
            pl.BlockSpec((768, 768), lambda i: (0, 0)),
            pl.BlockSpec((1, 768), lambda i: (0, 0)),
            pl.BlockSpec((1, 768), lambda i: (0, 0)),
            pl.BlockSpec((1, 768), lambda i: (0, 0)),
            pl.BlockSpec((256, 768), lambda i: (0, 0)),
            pl.BlockSpec((_BLK, 1), lambda i: (i, 0)),
        ],
        out_specs=[
            pl.BlockSpec((_BLK, HALF), lambda i: (i, 0)),
            pl.BlockSpec((_BLK, HALF), lambda i: (i, 0)),
            pl.BlockSpec((_BLK, 1), lambda i: (i, 0)),
        ],
        out_shape=[
            jax.ShapeDtypeStruct((NP, HALF), jnp.float32),
            jax.ShapeDtypeStruct((NP, HALF), jnp.float32),
            jax.ShapeDtypeStruct((NP, 1), jnp.float32),
        ],
    )(x_pad, W1, b1r, b2r, Wa, Wg1, deg2)


def _tc2_body(lo_ref, hi_ref, dinv_ref, bg1_ref, wg2_ref, lo_o, hi_o):
    acc = jnp.concatenate([lo_ref[...], hi_ref[...]], axis=1)
    dinv = dinv_ref[...]
    h = jnp.maximum(acc * dinv + bg1_ref[...], 0.0)
    hw = lax.dot_general(h, wg2_ref[...], (((1,), (1,)), ((), ())),
                         preferred_element_type=jnp.float32) * dinv
    lo_o[...] = hw[:, :HALF]
    hi_o[...] = hw[:, HALF:]


def _tc2(acc_lo, acc_hi, dinv2, bg1r, Wg2):
    grid = NP // _BLK
    return pl.pallas_call(
        _tc2_body,
        grid=(grid,),
        in_specs=[
            pl.BlockSpec((_BLK, HALF), lambda i: (i, 0)),
            pl.BlockSpec((_BLK, HALF), lambda i: (i, 0)),
            pl.BlockSpec((_BLK, 1), lambda i: (i, 0)),
            pl.BlockSpec((1, 256), lambda i: (0, 0)),
            pl.BlockSpec((256, 256), lambda i: (0, 0)),
        ],
        out_specs=[
            pl.BlockSpec((_BLK, HALF), lambda i: (i, 0)),
            pl.BlockSpec((_BLK, HALF), lambda i: (i, 0)),
        ],
        out_shape=[
            jax.ShapeDtypeStruct((NP, HALF), jnp.float32),
            jax.ShapeDtypeStruct((NP, HALF), jnp.float32),
        ],
    )(acc_lo, acc_hi, dinv2, bg1r, Wg2)


def _tc3_body(lo_ref, hi_ref, dinv_ref, bg2_ref, batch_ref, wc1_ref, bc1_ref,
              wc2_ref, bc2_ref, out_ref, psum, pcnt):
    i = pl.program_id(0)

    @pl.when(i == 0)
    def _():
        psum[...] = jnp.zeros_like(psum)
        pcnt[...] = jnp.zeros_like(pcnt)

    acc = jnp.concatenate([lo_ref[...], hi_ref[...]], axis=1)
    h = jnp.maximum(acc * dinv_ref[...] + bg2_ref[...], 0.0)
    b = batch_ref[0]
    oh = (lax.broadcasted_iota(jnp.int32, (NG, _BLK3), 0) == b
          ).astype(jnp.float32)
    psum[...] += lax.dot_general(oh, h, (((1,), (0,)), ((), ())),
                                 preferred_element_type=jnp.float32)
    pcnt[...] += jnp.sum(oh, axis=1, keepdims=True)

    @pl.when(i == (N // _BLK3) - 1)
    def _():
        pooled = psum[...] / jnp.maximum(pcnt[...], 1.0)
        z = jnp.maximum(
            lax.dot_general(pooled, wc1_ref[...], (((1,), (1,)), ((), ())),
                            preferred_element_type=jnp.float32) + bc1_ref[...],
            0.0)
        out_ref[...] = lax.dot_general(
            z, wc2_ref[...], (((1,), (1,)), ((), ())),
            preferred_element_type=jnp.float32) + bc2_ref[...]


def _tc3(acc_lo, acc_hi, dinv2, bg2r, batch3, Wc1, bc1r, Wc2, bc2r):
    grid = N // _BLK3
    return pl.pallas_call(
        _tc3_body,
        grid=(grid,),
        in_specs=[
            pl.BlockSpec((_BLK3, HALF), lambda i: (i, 0)),
            pl.BlockSpec((_BLK3, HALF), lambda i: (i, 0)),
            pl.BlockSpec((_BLK3, 1), lambda i: (i, 0)),
            pl.BlockSpec((1, 256), lambda i: (0, 0)),
            pl.BlockSpec((1, 1, _BLK3), lambda i: (i, 0, 0)),
            pl.BlockSpec((128, 256), lambda i: (0, 0)),
            pl.BlockSpec((1, 128), lambda i: (0, 0)),
            pl.BlockSpec((5, 128), lambda i: (0, 0)),
            pl.BlockSpec((1, 5), lambda i: (0, 0)),
        ],
        out_specs=pl.BlockSpec((NG, 5), lambda i: (0, 0)),
        out_shape=jax.ShapeDtypeStruct((NG, 5), jnp.float32),
        scratch_shapes=[
            pltpu.VMEM((NG, 256), jnp.float32),
            pltpu.VMEM((NG, 1), jnp.float32),
        ],
    )(acc_lo, acc_hi, dinv2, bg2r, batch3, Wc1, bc1r, Wc2, bc2r)


_deg_k = _make_deg()
_agg_k = _make_agg()


def kernel(x, edge_index, batch, W1, b1, W2, b2, Wa, ba, Wg1, bg1, Wg2, bg2,
           Wc1, bc1, Wc2, bc2):
    del W2, ba
    f32 = jnp.float32
    src = edge_index[0]
    dst = edge_index[1]
    pad_e = jnp.full((EP - E,), N, jnp.int32)
    srcp = jnp.concatenate([src, pad_e])
    dstp = jnp.concatenate([dst, pad_e])
    ones = jnp.ones((EPT,), f32)
    x_pad = jnp.concatenate([x, jnp.zeros((NP - N, 768), f32)])
    b1r = b1.reshape(1, 768)
    b2r = b2.reshape(1, 768)
    bg1r = bg1.reshape(1, 256)
    bg2r = bg2.reshape(1, 256)
    bc1r = bc1.reshape(1, 128)
    bc2r = bc2.reshape(1, 5)
    batch3 = batch.reshape(N // _BLK3, 1, _BLK3)

    deg = _deg_k(dstp, ones)
    deg2 = deg.reshape(NP, 1)
    hw_lo, hw_hi, dinv2 = _tc1(x_pad, W1.astype(jnp.bfloat16), b1r, b2r, Wa,
                               Wg1.astype(jnp.bfloat16), deg2)
    a1_lo, a1_hi = _agg_k(hw_lo, hw_hi, srcp, dstp)
    hw2_lo, hw2_hi = _tc2(a1_lo, a1_hi, dinv2, bg1r, Wg2)
    a2_lo, a2_hi = _agg_k(hw2_lo, hw2_hi, srcp, dstp)
    return _tc3(a2_lo, a2_hi, dinv2, bg2r, batch3, Wc1, bc1r, Wc2, bc2r)

# --- scband reference (transcript-rebuilt; emitter-appended) ---
"""Pipeline reference for scband-hybrid-graph-classifier-56092272886049 (READ-ONLY COPY).

The authoritative reference and input builder live on the scoring server;
editing this copy changes nothing except your own understanding.
"""

import jax, jax.numpy as jnp
import numpy as np

N_NODES = 10000
N_EDGES = 160000
N_GRAPHS = 64
BERT_DIM = 768
NODE2VEC_DIM = 64
FUSION_DIM = 768
GNN_HIDDEN = 256
NUM_CLASSES = 5


def setup_inputs(seed: int = 0) -> dict:
    key = jax.random.key(seed)
    ks = jax.random.split(key, 20)
    x = jax.random.normal(ks[0], (N_NODES, BERT_DIM), dtype=jnp.float32)
    edge_index = jax.random.randint(ks[1], (2, N_EDGES), 0, N_NODES, dtype=jnp.int32)
    batch = jnp.sort(jax.random.randint(ks[2], (N_NODES,), 0, N_GRAPHS, dtype=jnp.int32))
    s = 0.02
    W1 = jax.random.normal(ks[3], (FUSION_DIM, BERT_DIM), dtype=jnp.float32) * s
    b1 = jnp.zeros((FUSION_DIM,), dtype=jnp.float32)
    W2 = jax.random.normal(ks[4], (FUSION_DIM, NODE2VEC_DIM), dtype=jnp.float32) * s
    b2 = jnp.zeros((FUSION_DIM,), dtype=jnp.float32)
    Wa = jax.random.normal(ks[5], (1, FUSION_DIM), dtype=jnp.float32) * s
    ba = jnp.zeros((1,), dtype=jnp.float32)
    Wg1 = jax.random.normal(ks[6], (GNN_HIDDEN, FUSION_DIM), dtype=jnp.float32) * s
    bg1 = jnp.zeros((GNN_HIDDEN,), dtype=jnp.float32)
    Wg2 = jax.random.normal(ks[7], (GNN_HIDDEN, GNN_HIDDEN), dtype=jnp.float32) * s
    bg2 = jnp.zeros((GNN_HIDDEN,), dtype=jnp.float32)
    Wc1 = jax.random.normal(ks[8], (GNN_HIDDEN // 2, GNN_HIDDEN), dtype=jnp.float32) * s
    bc1 = jnp.zeros((GNN_HIDDEN // 2,), dtype=jnp.float32)
    Wc2 = jax.random.normal(ks[9], (NUM_CLASSES, GNN_HIDDEN // 2), dtype=jnp.float32) * s
    bc2 = jnp.zeros((NUM_CLASSES,), dtype=jnp.float32)
    return {"x": x, "edge_index": edge_index, "batch": batch,
            "W1": W1, "b1": b1, "W2": W2, "b2": b2, "Wa": Wa, "ba": ba,
            "Wg1": Wg1, "bg1": bg1, "Wg2": Wg2, "bg2": bg2,
            "Wc1": Wc1, "bc1": bc1, "Wc2": Wc2, "bc2": bc2}


def _gcn_conv(h, edge_index, W, b, n):
    hW = h @ W.T
    loop = jnp.arange(n, dtype=edge_index.dtype)
    src = jnp.concatenate([edge_index[0], loop])
    dst = jnp.concatenate([edge_index[1], loop])
    deg = jnp.zeros((n,), dtype=hW.dtype).at[dst].add(1.0)
    dinv = jnp.where(deg > 0, jax.lax.rsqrt(jnp.maximum(deg, 1e-12)), 0.0)
    norm = dinv[src] * dinv[dst]
    msg = hW[src] * norm[:, None]
    out = jax.ops.segment_sum(msg, dst, num_segments=n)
    return out + b


def reference(x, edge_index, batch, W1, b1, W2, b2, Wa, ba, Wg1, bg1, Wg2, bg2, Wc1, bc1, Wc2, bc2):
    n = x.shape[0]
    # AttentionFusion (node2vec branch is an explicit zeros dummy, as in torch)
    x2 = jnp.zeros((n, NODE2VEC_DIM), dtype=x.dtype)
    h1 = x @ W1.T + b1
    h2 = x2 @ W2.T + b2
    a1 = h1 @ Wa.T + ba
    a2 = h2 @ Wa.T + ba
    alphas = jnp.concatenate([a1, a2], axis=1)
    w = jax.nn.softmax(alphas, axis=1)
    fused = w[:, 0:1] * h1 + w[:, 1:2] * h2
    # two GCN layers
    h = jax.nn.relu(_gcn_conv(fused, edge_index, Wg1, bg1, n))
    h = jax.nn.relu(_gcn_conv(h, edge_index, Wg2, bg2, n))
    # global mean pool by graph id
    sums = jax.ops.segment_sum(h, batch, num_segments=N_GRAPHS)
    counts = jax.ops.segment_sum(jnp.ones((n,), dtype=h.dtype), batch, num_segments=N_GRAPHS)
    pooled = sums / jnp.maximum(counts, 1.0)[:, None]
    # classifier (dropout = identity in eval)
    z = jax.nn.relu(pooled @ Wc1.T + bc1)
    out = z @ Wc2.T + bc2
    return out

if __name__ == "__main__":
    import jax
    _d = setup_inputs()
    print(jax.jit(kernel)(*tuple(_d.values())))

</pallas_src>

<mosaic_0001>
#map = affine_map<(d0, d1) -> (0, 0)>
#map1 = affine_map<(d0, d1) -> (0)>
module attributes {stable_mosaic.version = 14 : i64} {
  func.func @agg_k(%arg0: i32, %arg1: i32, %arg2: memref<10240x128xf32, #tpu.memory_space<hbm>>, %arg3: memref<10240x128xf32, #tpu.memory_space<hbm>>, %arg4: memref<163840xi32, #tpu.memory_space<hbm>>, %arg5: memref<163840xi32, #tpu.memory_space<hbm>>, %arg6: memref<10240x128xf32, #tpu.memory_space<hbm>>, %arg7: memref<10240x128xf32, #tpu.memory_space<hbm>>, %arg8: memref<10240x128xf32, #tpu.memory_space<vmem_shared>>, %arg9: memref<80xi32, #tpu.memory_space<vmem>>, %arg10: memref<80xi32, #tpu.memory_space<vmem>>, %arg11: memref<80xi32, #tpu.memory_space<vmem>>, %arg12: memref<80xi32, #tpu.memory_space<vmem>>, %arg13: memref<160xi32, #tpu.memory_space<vmem>>, %arg14: memref<160xi32, #tpu.memory_space<vmem>>, %arg15: memref<160x128xf32, #tpu.memory_space<vmem>>, %arg16: memref<160x128xf32, #tpu.memory_space<vmem>>, %arg17: memref<!tpu.dma_semaphore, #tpu.memory_space<semaphore_mem>>, %arg18: memref<!tpu.dma_semaphore, #tpu.memory_space<semaphore_mem>>, %arg19: memref<!tpu.dma_semaphore, #tpu.memory_space<semaphore_mem>>, %arg20: memref<!tpu.dma_semaphore, #tpu.memory_space<semaphore_mem>>, %arg21: memref<!tpu.dma_semaphore, #tpu.memory_space<semaphore_mem>>, %arg22: memref<!tpu.dma_semaphore, #tpu.memory_space<semaphore_mem>>) attributes {dimension_semantics = [#tpu.dimension_semantics<core_parallel>, #tpu.dimension_semantics<subcore_parallel>], iteration_bounds = array<i64: 2, 16>, scalar_prefetch = 0 : i64, scratch_operands = 15 : i64, tpu.core_type = #tpu.core_type<sc_vector_subcore>, window_params = [{transform_indices = #map}, {transform_indices = #map}, {transform_indices = #map1}, {transform_indices = #map1}, {transform_indices = #map}, {transform_indices = #map}]} {
    %eq3A = arith.constant 0 : i32
    %eq3A_0 = arith.cmpi eq, %arg0, %eq3A : i32
    %convert_element_type3A = arith.extui %eq3A_0 : i1 to i32
    %cond3A = arith.constant 0 : i32
    %cond3A_1 = arith.cmpi ne, %convert_element_type3A, %cond3A : i32
    scf.if %cond3A_1 {
      %mul3A = arith.constant 640 : i32
      %mul3A_7 = arith.muli %arg1, %mul3A : i32
      %mul3A_8 = arith.constant 640 : i32
      %mul3A_9 = arith.muli %arg1, %mul3A_8 : i32
      "tpu.region"() ({
        %run_scoped3A = tpu.sem_alloc : memref<!tpu.dma_semaphore, #tpu.memory_space<semaphore_mem>>
        %dma_start3A_54 = arith.constant 0 : i32
        %dma_start3A_55 = tpu.memref_slice %arg8[%mul3A_9, %dma_start3A_54] : memref<10240x128xf32, #tpu.memory_space<vmem_shared>> -> memref<640x128xf32, #tpu.memory_space<vmem_shared>>
        %dma_start3A_56 = arith.constant 0 : i32
        %dma_start3A_57 = tpu.memref_slice %arg2[%mul3A_7, %dma_start3A_56] : memref<10240x128xf32, #tpu.memory_space<hbm>> -> memref<640x128xf32, #tpu.memory_space<hbm>>
        tpu.enqueue_dma source(%dma_start3A_57 : memref<640x128xf32, #tpu.memory_space<hbm>>) target(%dma_start3A_55 : memref<640x128xf32, #tpu.memory_space<vmem_shared>>) target_semaphore(%run_scoped3A : memref<!tpu.dma_semaphore, #tpu.memory_space<semaphore_mem>>)
        %dma_wait3A_58 = arith.constant 0 : i32
        %dma_wait3A_59 = tpu.memref_slice %arg8[%mul3A_9, %dma_wait3A_58] : memref<10240x128xf32, #tpu.memory_space<vmem_shared>> -> memref<640x128xf32, #tpu.memory_space<vmem_shared>>
        %dma_wait3A_60 = arith.constant 0 : i32
        %dma_wait3A_61 = tpu.memref_slice %arg2[%mul3A_7, %dma_wait3A_60] : memref<10240x128xf32, #tpu.memory_space<hbm>> -> memref<640x128xf32, #tpu.memory_space<hbm>>
        tpu.wait_dma2 semaphore(%run_scoped3A : memref<!tpu.dma_semaphore, #tpu.memory_space<semaphore_mem>>) src(%dma_wait3A_61 : memref<640x128xf32, #tpu.memory_space<hbm>>) dst(%dma_wait3A_59 : memref<640x128xf32, #tpu.memory_space<vmem_shared>>)
        tpu.yield
      }) : () -> ()
      %barrier3A = arith.constant 0 : index
      tpu.barrier barrier_id(%barrier3A)
      %mul3A_10 = arith.constant 10240 : i32
      %mul3A_11 = arith.muli %arg1, %mul3A_10 : i32
      %add3A = arith.constant 0 : i32
      %add3A_12 = arith.addi %mul3A_11, %add3A : i32
      %multiple_of3A = tpu.assume_multiple %add3A_12, 160 : i32
      %add3A_13 = arith.constant 0 : i32
      %add3A_14 = arith.addi %mul3A_11, %add3A_13 : i32
      %add3A_15 = arith.constant 80 : i32
      %add3A_16 = arith.addi %add3A_14, %add3A_15 : i32
      %multiple_of3A_17 = tpu.assume_multiple %add3A_16, 80 : i32
      %dma_start3A = tpu.memref_slice %arg4[%multiple_of3A] : memref<163840xi32, #tpu.memory_space<hbm>> -> memref<80xi32, #tpu.memory_space<hbm>>
      %dma_start3A_18 = tpu.memref_slice %arg4[%multiple_of3A] : memref<163840xi32, #tpu.memory_space<hbm>> -> memref<80xi32, #tpu.memory_space<hbm>>
      tpu.enqueue_dma source(%dma_start3A_18 : memref<80xi32, #tpu.memory_space<hbm>>) target(%arg9 : memref<80xi32, #tpu.memory_space<vmem>>) target_semaphore(%arg17 : memref<!tpu.dma_semaphore, #tpu.memory_space<semaphore_mem>>)
      %dma_start3A_19 = tpu.memref_slice %arg4[%multiple_of3A_17] : memref<163840xi32, #tpu.memory_space<hbm>> -> memref<80xi32, #tpu.memory_space<hbm>>
      %dma_start3A_20 = tpu.memref_slice %arg4[%multiple_of3A_17] : memref<163840xi32, #tpu.memory_space<hbm>> -> memref<80xi32, #tpu.memory_space<hbm>>
      tpu.enqueue_dma source(%dma_start3A_20 : memref<80xi32, #tpu.memory_space<hbm>>) target(%arg10 : memref<80xi32, #tpu.memory_space<vmem>>) target_semaphore(%arg17 : memref<!tpu.dma_semaphore, #tpu.memory_space<semaphore_mem>>)
      %dma_start3A_21 = tpu.memref_slice %arg5[%multiple_of3A] : memref<163840xi32, #tpu.memory_space<hbm>> -> memref<160xi32, #tpu.memory_space<hbm>>
      %dma_start3A_22 = tpu.memref_slice %arg5[%multiple_of3A] : memref<163840xi32, #tpu.memory_space<hbm>> -> memref<160xi32, #tpu.memory_space<hbm>>
      tpu.enqueue_dma source(%dma_start3A_22 : memref<160xi32, #tpu.memory_space<hbm>>) target(%arg13 : memref<160xi32, #tpu.memory_space<vmem>>) target_semaphore(%arg17 : memref<!tpu.dma_semaphore, #tpu.memory_space<semaphore_mem>>)
      %multiple_of3A_23 = tpu.assume_multiple %mul3A_11, 160 : i32
      %dma_wait3A = tpu.memref_slice %arg4[%multiple_of3A_23] : memref<163840xi32, #tpu.memory_space<hbm>> -> memref<80xi32, #tpu.memory_space<hbm>>
      %dma_wait3A_24 = tpu.memref_slice %arg4[%multiple_of3A_23] : memref<163840xi32, #tpu.memory_space<hbm>> -> memref<80xi32, #tpu.memory_space<hbm>>
      tpu.wait_dma2 semaphore(%arg17 : memref<!tpu.dma_semaphore, #tpu.memory_space<semaphore_mem>>) src(%dma_wait3A_24 : memref<80xi32, #tpu.memory_space<hbm>>) dst(%arg9 : memref<80xi32, #tpu.memory_space<vmem>>)
      %dma_wait3A_25 = tpu.memref_slice %arg4[%multiple_of3A_23] : memref<163840xi32, #tpu.memory_space<hbm>> -> memref<80xi32, #tpu.memory_space<hbm>>
      %dma_wait3A_26 = tpu.memref_slice %arg4[%multiple_of3A_23] : memref<163840xi32, #tpu.memory_space<hbm>> -> memref<80xi32, #tpu.memory_space<hbm>>
      tpu.wait_dma2 semaphore(%arg17 : memref<!tpu.dma_semaphore, #tpu.memory_space<semaphore_mem>>) src(%dma_wait3A_26 : memref<80xi32, #tpu.memory_space<hbm>>) dst(%arg10 : memref<80xi32, #tpu.memory_space<vmem>>)
      %dma_wait3A_27 = tpu.memref_slice %arg5[%multiple_of3A_23] : memref<163840xi32, #tpu.memory_space<hbm>> -> memref<160xi32, #tpu.memory_space<hbm>>
      %dma_wait3A_28 = tpu.memref_slice %arg5[%multiple_of3A_23] : memref<163840xi32, #tpu.memory_space<hbm>> -> memref<160xi32, #tpu.memory_space<hbm>>
      tpu.wait_dma2 semaphore(%arg17 : memref<!tpu.dma_semaphore, #tpu.memory_space<semaphore_mem>>) src(%dma_wait3A_28 : memref<160xi32, #tpu.memory_space<hbm>>) dst(%arg13 : memref<160xi32, #tpu.memory_space<vmem>>)
      %dma_start3A_29 = arith.constant 0 : i32
      %dma_start3A_30 = arith.constant 0 : i32
      %dma_start3A_31 = tpu.memref_slice %arg15[%dma_start3A_29, %dma_start3A_30] : memref<160x128xf32, #tpu.memory_space<vmem>> -> memref<80x128xf32, #tpu.memory_space<vmem>>
      %dma_start3A_32 = arith.constant 0 : i32
      %dma_start3A_33 = arith.constant 0 : i32
      %dma_start3A_34 = tpu.memref_slice %arg2[%dma_start3A_32, %dma_start3A_33] : memref<10240x128xf32, #tpu.memory_space<hbm>> -> memref<10240x128xf32, #tpu.memory_space<hbm>>
      tpu.enqueue_indirect_dma source(%dma_start3A_34 : memref<10240x128xf32, #tpu.memory_space<hbm>>) target(%dma_start3A_31 : memref<80x128xf32, #tpu.memory_space<vmem>>) offsets(%arg9 : memref<80xi32, #tpu.memory_space<vmem>>) semaphore(%arg19 : memref<!tpu.dma_semaphore, #tpu.memory_space<semaphore_mem>>)
      %dma_start3A_35 = arith.constant 80 : i32
      %dma_start3A_36 = arith.constant 0 : i32
      %dma_start3A_37 = tpu.memref_slice %arg15[%dma_start3A_35, %dma_start3A_36] : memref<160x128xf32, #tpu.memory_space<vmem>> -> memref<80x128xf32, #tpu.memory_space<vmem>>
      %dma_start3A_38 = arith.constant 0 : i32
      %dma_start3A_39 = arith.constant 0 : i32
      %dma_start3A_40 = tpu.memref_slice %arg2[%dma_start3A_38, %dma_start3A_39] : memref<10240x128xf32, #tpu.memory_space<hbm>> -> memref<10240x128xf32, #tpu.memory_space<hbm>>
      tpu.enqueue_indirect_dma source(%dma_start3A_40 : memref<10240x128xf32, #tpu.memory_space<hbm>>) target(%dma_start3A_37 : memref<80x128xf32, #tpu.memory_space<vmem>>) offsets(%arg10 : memref<80xi32, #tpu.memory_space<vmem>>) semaphore(%arg19 : memref<!tpu.dma_semaphore, #tpu.memory_space<semaphore_mem>>)
      %scan3A = arith.constant 0 : i32
      %scan3A_41 = arith.constant 0 : i32
      %scan3A_42 = arith.constant 32 : i32
      %scan3A_43 = arith.addi %scan3A_41, %scan3A_42 : i32
      %scan3A_44 = arith.constant 1 : i32
      scf.for %scan3A_54 = %scan3A_41 to %scan3A_43 step %scan3A_44  : i32 {
        %mul3A_55 = arith.constant 2 : i32
        %mul3A_56 = arith.muli %mul3A_55, %scan3A_54 : i32
        %add3A_57 = arith.constant 0 : i32
        %add3A_58 = arith.addi %mul3A_56, %add3A_57 : i32
        %ge3A = arith.constant 1 : i32
        %ge3A_59 = arith.cmpi sge, %add3A_58, %ge3A : i32
        %convert_element_type3A_60 = arith.extui %ge3A_59 : i1 to i32
        %cond3A_61 = arith.constant 0 : i32
        %cond3A_62 = arith.cmpi ne, %convert_element_type3A_60, %cond3A_61 : i32
        scf.if %cond3A_62 {
          %dma_wait3A_129 = arith.constant 0 : i32
          %dma_wait3A_130 = arith.constant 0 : i32
          %dma_wait3A_131 = tpu.memref_slice %arg8[%dma_wait3A_129, %dma_wait3A_130] : memref<10240x128xf32, #tpu.memory_space<vmem_shared>> -> memref<10240x128xf32, #tpu.memory_space<vmem_shared>>
          tpu.wait_indirect_dma semaphore(%arg22 : memref<!tpu.dma_semaphore, #tpu.memory_space<semaphore_mem>>) src(%arg16 : memref<160x128xf32, #tpu.memory_space<vmem>>) dst(%dma_wait3A_131 : memref<10240x128xf32, #tpu.memory_space<vmem_shared>>)
        } else {
        }
        %add3A_63 = arith.constant 1 : i32
        %add3A_64 = arith.addi %add3A_58, %add3A_63 : i32
        %lt3A = arith.constant 64 : i32
        %lt3A_65 = arith.cmpi slt, %add3A_64, %lt3A : i32
        %convert_element_type3A_66 = arith.extui %lt3A_65 : i1 to i32
        %cond3A_67 = arith.constant 0 : i32
        %cond3A_68 = arith.cmpi ne, %convert_element_type3A_66, %cond3A_67 : i32
        scf.if %cond3A_68 {
          %add3A_129 = arith.constant 1 : i32
          %add3A_130 = arith.addi %add3A_58, %add3A_129 : i32
          %mul3A_131 = arith.constant 160 : i32
          %mul3A_132 = arith.muli %add3A_130, %mul3A_131 : i32
          %add3A_133 = arith.addi %mul3A_11, %mul3A_132 : i32
          %multiple_of3A_134 = tpu.assume_multiple %add3A_133, 160 : i32
          %mul3A_135 = arith.constant 160 : i32
          %mul3A_136 = arith.muli %add3A_130, %mul3A_135 : i32
          %add3A_137 = arith.addi %mul3A_11, %mul3A_136 : i32
          %add3A_138 = arith.constant 80 : i32
          %add3A_139 = arith.addi %add3A_137, %add3A_138 : i32
          %multiple_of3A_140 = tpu.assume_multiple %add3A_139, 80 : i32
          %dma_start3A_141 = tpu.memref_slice %arg4[%multiple_of3A_134] : memref<163840xi32, #tpu.memory_space<hbm>> -> memref<80xi32, #tpu.memory_space<hbm>>
          %dma_start3A_142 = tpu.memref_slice %arg4[%multiple_of3A_134] : memref<163840xi32, #tpu.memory_space<hbm>> -> memref<80xi32, #tpu.memory_space<hbm>>
          tpu.enqueue_dma source(%dma_start3A_142 : memref<80xi32, #tpu.memory_space<hbm>>) target(%arg11 : memref<80xi32, #tpu.memory_space<vmem>>) target_semaphore(%arg18 : memref<!tpu.dma_semaphore, #tpu.memory_space<semaphore_mem>>)
          %dma_start3A_143 = tpu.memref_slice %arg4[%multiple_of3A_140] : memref<163840xi32, #tpu.memory_space<hbm>> -> memref<80xi32, #tpu.memory_space<hbm>>
          %dma_start3A_144 = tpu.memref_slice %arg4[%multiple_of3A_140] : memref<163840xi32, #tpu.memory_space<hbm>> -> memref<80xi32, #tpu.memory_space<hbm>>
          tpu.enqueue_dma source(%dma_start3A_144 : memref<80xi32, #tpu.memory_space<hbm>>) target(%arg12 : memref<80xi32, #tpu.memory_space<vmem>>) target_semaphore(%arg18 : memref<!tpu.dma_semaphore, #tpu.memory_space<semaphore_mem>>)
          %dma_start3A_145 = tpu.memref_slice %arg5[%multiple_of3A_134] : memref<163840xi32, #tpu.memory_space<hbm>> -> memref<160xi32, #tpu.memory_space<hbm>>
          %dma_start3A_146 = tpu.memref_slice %arg5[%multiple_of3A_134] : memref<163840xi32, #tpu.memory_space<hbm>> -> memref<160xi32, #tpu.memory_space<hbm>>
          tpu.enqueue_dma source(%dma_start3A_146 : memref<160xi32, #tpu.memory_space<hbm>>) target(%arg14 : memref<160xi32, #tpu.memory_space<vmem>>) target_semaphore(%arg18 : memref<!tpu.dma_semaphore, #tpu.memory_space<semaphore_mem>>)
        } else {
        }
        %dma_wait3A_69 = arith.constant 0 : i32
        %dma_wait3A_70 = arith.constant 0 : i32
        %dma_wait3A_71 = tpu.memref_slice %arg15[%dma_wait3A_69, %dma_wait3A_70] : memref<160x128xf32, #tpu.memory_space<vmem>> -> memref<80x128xf32, #tpu.memory_space<vmem>>
        %dma_wait3A_72 = arith.constant 0 : i32
        %dma_wait3A_73 = arith.constant 0 : i32
        %dma_wait3A_74 = tpu.memref_slice %arg2[%dma_wait3A_72, %dma_wait3A_73] : memref<10240x128xf32, #tpu.memory_space<hbm>> -> memref<10240x128xf32, #tpu.memory_space<hbm>>
        tpu.wait_indirect_dma semaphore(%arg19 : memref<!tpu.dma_semaphore, #tpu.memory_space<semaphore_mem>>) src(%dma_wait3A_74 : memref<10240x128xf32, #tpu.memory_space<hbm>>) dst(%dma_wait3A_71 : memref<80x128xf32, #tpu.memory_space<vmem>>)
        %dma_wait3A_75 = arith.constant 80 : i32
        %dma_wait3A_76 = arith.constant 0 : i32
        %dma_wait3A_77 = tpu.memref_slice %arg15[%dma_wait3A_75, %dma_wait3A_76] : memref<160x128xf32, #tpu.memory_space<vmem>> -> memref<80x128xf32, #tpu.memory_space<vmem>>
        %dma_wait3A_78 = arith.constant 0 : i32
        %dma_wait3A_79 = arith.constant 0 : i32
        %dma_wait3A_80 = tpu.memref_slice %arg2[%dma_wait3A_78, %dma_wait3A_79] : memref<10240x128xf32, #tpu.memory_space<hbm>> -> memref<10240x128xf32, #tpu.memory_space<hbm>>
        tpu.wait_indirect_dma semaphore(%arg19 : memref<!tpu.dma_semaphore, #tpu.memory_space<semaphore_mem>>) src(%dma_wait3A_80 : memref<10240x128xf32, #tpu.memory_space<hbm>>) dst(%dma_wait3A_77 : memref<80x128xf32, #tpu.memory_space<vmem>>)
        %add3A_81 = arith.constant 1 : i32
        %add3A_82 = arith.addi %add3A_58, %add3A_81 : i32
        %lt3A_83 = arith.constant 64 : i32
        %lt3A_84 = arith.cmpi slt, %add3A_82, %lt3A_83 : i32
        %convert_element_type3A_85 = arith.extui %lt3A_84 : i1 to i32
        %cond3A_86 = arith.constant 0 : i32
        %cond3A_87 = arith.cmpi ne, %convert_element_type3A_85, %cond3A_86 : i32
        scf.if %cond3A_87 {
          %multiple_of3A_129 = tpu.assume_multiple %mul3A_11, 160 : i32
          %dma_wait3A_130 = tpu.memref_slice %arg4[%multiple_of3A_129] : memref<163840xi32, #tpu.memory_space<hbm>> -> memref<80xi32, #tpu.memory_space<hbm>>
          %dma_wait3A_131 = tpu.memref_slice %arg4[%multiple_of3A_129] : memref<163840xi32, #tpu.memory_space<hbm>> -> memref<80xi32, #tpu.memory_space<hbm>>
          tpu.wait_dma2 semaphore(%arg18 : memref<!tpu.dma_semaphore, #tpu.memory_space<semaphore_mem>>) src(%dma_wait3A_131 : memref<80xi32, #tpu.memory_space<hbm>>) dst(%arg11 : memref<80xi32, #tpu.memory_space<vmem>>)
          %dma_wait3A_132 = tpu.memref_slice %arg4[%multiple_of3A_129] : memref<163840xi32, #tpu.memory_space<hbm>> -> memref<80xi32, #tpu.memory_space<hbm>>
          %dma_wait3A_133 = tpu.memref_slice %arg4[%multiple_of3A_129] : memref<163840xi32, #tpu.memory_space<hbm>> -> memref<80xi32, #tpu.memory_space<hbm>>
          tpu.wait_dma2 semaphore(%arg18 : memref<!tpu.dma_semaphore, #tpu.memory_space<semaphore_mem>>) src(%dma_wait3A_133 : memref<80xi32, #tpu.memory_space<hbm>>) dst(%arg12 : memref<80xi32, #tpu.memory_space<vmem>>)
          %dma_wait3A_134 = tpu.memref_slice %arg5[%multiple_of3A_129] : memref<163840xi32, #tpu.memory_space<hbm>> -> memref<160xi32, #tpu.memory_space<hbm>>
          %dma_wait3A_135 = tpu.memref_slice %arg5[%multiple_of3A_129] : memref<163840xi32, #tpu.memory_space<hbm>> -> memref<160xi32, #tpu.memory_space<hbm>>
          tpu.wait_dma2 semaphore(%arg18 : memref<!tpu.dma_semaphore, #tpu.memory_space<semaphore_mem>>) src(%dma_wait3A_135 : memref<160xi32, #tpu.memory_space<hbm>>) dst(%arg14 : memref<160xi32, #tpu.memory_space<vmem>>)
          %dma_start3A_136 = arith.constant 0 : i32
          %dma_start3A_137 = arith.constant 0 : i32
          %dma_start3A_138 = tpu.memref_slice %arg16[%dma_start3A_136, %dma_start3A_137] : memref<160x128xf32, #tpu.memory_space<vmem>> -> memref<80x128xf32, #tpu.memory_space<vmem>>
          %dma_start3A_139 = arith.constant 0 : i32
          %dma_start3A_140 = arith.constant 0 : i32
          %dma_start3A_141 = tpu.memref_slice %arg2[%dma_start3A_139, %dma_start3A_140] : memref<10240x128xf32, #tpu.memory_space<hbm>> -> memref<10240x128xf32, #tpu.memory_space<hbm>>
          tpu.enqueue_indirect_dma source(%dma_start3A_141 : memref<10240x128xf32, #tpu.memory_space<hbm>>) target(%dma_start3A_138 : memref<80x128xf32, #tpu.memory_space<vmem>>) offsets(%arg11 : memref<80xi32, #tpu.memory_space<vmem>>) semaphore(%arg20 : memref<!tpu.dma_semaphore, #tpu.memory_space<semaphore_mem>>)
          %dma_start3A_142 = arith.constant 80 : i32
          %dma_start3A_143 = arith.constant 0 : i32
          %dma_start3A_144 = tpu.memref_slice %arg16[%dma_start3A_142, %dma_start3A_143] : memref<160x128xf32, #tpu.memory_space<vmem>> -> memref<80x128xf32, #tpu.memory_space<vmem>>
          %dma_start3A_145 = arith.constant 0 : i32
          %dma_start3A_146 = arith.constant 0 : i32
          %dma_start3A_147 = tpu.memref_slice %arg2[%dma_start3A_145, %dma_start3A_146] : memref<10240x128xf32, #tpu.memory_space<hbm>> -> memref<10240x128xf32, #tpu.memory_space<hbm>>
          tpu.enqueue_indirect_dma source(%dma_start3A_147 : memref<10240x128xf32, #tpu.memory_space<hbm>>) target(%dma_start3A_144 : memref<80x128xf32, #tpu.memory_space<vmem>>) offsets(%arg12 : memref<80xi32, #tpu.memory_space<vmem>>) semaphore(%arg20 : memref<!tpu.dma_semaphore, #tpu.memory_space<semaphore_mem>>)
        } else {
        }
        %dma_start3A_88 = arith.constant 0 : i32
        %dma_start3A_89 = arith.constant 0 : i32
        %dma_start3A_90 = tpu.memref_slice %arg8[%dma_start3A_88, %dma_start3A_89] : memref<10240x128xf32, #tpu.memory_space<vmem_shared>> -> memref<10240x128xf32, #tpu.memory_space<vmem_shared>>
        tpu.enqueue_indirect_dma source(%arg15 : memref<160x128xf32, #tpu.memory_space<vmem>>) target(%dma_start3A_90 : memref<10240x128xf32, #tpu.memory_space<vmem_shared>>) offsets(%arg13 : memref<160xi32, #tpu.memory_space<vmem>>) semaphore(%arg21 : memref<!tpu.dma_semaphore, #tpu.memory_space<semaphore_mem>>) {add = true}
        %mul3A_91 = arith.constant 2 : i32
        %mul3A_92 = arith.muli %mul3A_91, %scan3A_54 : i32
        %add3A_93 = arith.constant 1 : i32
        %add3A_94 = arith.addi %mul3A_92, %add3A_93 : i32
        %ge3A_95 = arith.constant 1 : i32
        %ge3A_96 = arith.cmpi sge, %add3A_94, %ge3A_95 : i32
        %convert_element_type3A_97 = arith.extui %ge3A_96 : i1 to i32
        %cond3A_98 = arith.constant 0 : i32
        %cond3A_99 = arith.cmpi ne, %convert_element_type3A_97, %cond3A_98 : i32
        scf.if %cond3A_99 {
          %dma_wait3A_129 = arith.constant 0 : i32
          %dma_wait3A_130 = arith.constant 0 : i32
          %dma_wait3A_131 = tpu.memref_slice %arg8[%dma_wait3A_129, %dma_wait3A_130] : memref<10240x128xf32, #tpu.memory_space<vmem_shared>> -> memref<10240x128xf32, #tpu.memory_space<vmem_shared>>
          tpu.wait_indirect_dma semaphore(%arg21 : memref<!tpu.dma_semaphore, #tpu.memory_space<semaphore_mem>>) src(%arg15 : memref<160x128xf32, #tpu.memory_space<vmem>>) dst(%dma_wait3A_131 : memref<10240x128xf32, #tpu.memory_space<vmem_shared>>)
        } else {
        }
        %add3A_100 = arith.constant 1 : i32
        %add3A_101 = arith.addi %add3A_94, %add3A_100 : i32
        %lt3A_102 = arith.constant 64 : i32
        %lt3A_103 = arith.cmpi slt, %add3A_101, %lt3A_102 : i32
        %convert_element_type3A_104 = arith.extui %lt3A_103 : i1 to i32
        %cond3A_105 = arith.constant 0 : i32
        %cond3A_106 = arith.cmpi ne, %convert_element_type3A_104, %cond3A_105 : i32
        scf.if %cond3A_106 {
          %add3A_129 = arith.constant 1 : i32
          %add3A_130 = arith.addi %add3A_94, %add3A_129 : i32
          %mul3A_131 = arith.constant 160 : i32
          %mul3A_132 = arith.muli %add3A_130, %mul3A_131 : i32
          %add3A_133 = arith.addi %mul3A_11, %mul3A_132 : i32
          %multiple_of3A_134 = tpu.assume_multiple %add3A_133, 160 : i32
          %mul3A_135 = arith.constant 160 : i32
          %mul3A_136 = arith.muli %add3A_130, %mul3A_135 : i32
          %add3A_137 = arith.addi %mul3A_11, %mul3A_136 : i32
          %add3A_138 = arith.constant 80 : i32
          %add3A_139 = arith.addi %add3A_137, %add3A_138 : i32
          %multiple_of3A_140 = tpu.assume_multiple %add3A_139, 80 : i32
          %dma_start3A_141 = tpu.memref_slice %arg4[%multiple_of3A_134] : memref<163840xi32, #tpu.memory_space<hbm>> -> memref<80xi32, #tpu.memory_space<hbm>>
          %dma_start3A_142 = tpu.memref_slice %arg4[%multiple_of3A_134] : memref<163840xi32, #tpu.memory_space<hbm>> -> memref<80xi32, #tpu.memory_space<hbm>>
          tpu.enqueue_dma source(%dma_start3A_142 : memref<80xi32, #tpu.memory_space<hbm>>) target(%arg9 : memref<80xi32, #tpu.memory_space<vmem>>) target_semaphore(%arg17 : memref<!tpu.dma_semaphore, #tpu.memory_space<semaphore_mem>>)
          %dma_start3A_143 = tpu.memref_slice %arg4[%multiple_of3A_140] : memref<163840xi32, #tpu.memory_space<hbm>> -> memref<80xi32, #tpu.memory_space<hbm>>
          %dma_start3A_144 = tpu.memref_slice %arg4[%multiple_of3A_140] : memref<163840xi32, #tpu.memory_space<hbm>> -> memref<80xi32, #tpu.memory_space<hbm>>
          tpu.enqueue_dma source(%dma_start3A_144 : memref<80xi32, #tpu.memory_space<hbm>>) target(%arg10 : memref<80xi32, #tpu.memory_space<vmem>>) target_semaphore(%arg17 : memref<!tpu.dma_semaphore, #tpu.memory_space<semaphore_mem>>)
          %dma_start3A_145 = tpu.memref_slice %arg5[%multiple_of3A_134] : memref<163840xi32, #tpu.memory_space<hbm>> -> memref<160xi32, #tpu.memory_space<hbm>>
          %dma_start3A_146 = tpu.memref_slice %arg5[%multiple_of3A_134] : memref<163840xi32, #tpu.memory_space<hbm>> -> memref<160xi32, #tpu.memory_space<hbm>>
          tpu.enqueue_dma source(%dma_start3A_146 : memref<160xi32, #tpu.memory_space<hbm>>) target(%arg13 : memref<160xi32, #tpu.memory_space<vmem>>) target_semaphore(%arg17 : memref<!tpu.dma_semaphore, #tpu.memory_space<semaphore_mem>>)
        } else {
        }
        %dma_wait3A_107 = arith.constant 0 : i32
        %dma_wait3A_108 = arith.constant 0 : i32
        %dma_wait3A_109 = tpu.memref_slice %arg16[%dma_wait3A_107, %dma_wait3A_108] : memref<160x128xf32, #tpu.memory_space<vmem>> -> memref<80x128xf32, #tpu.memory_space<vmem>>
        %dma_wait3A_110 = arith.constant 0 : i32
        %dma_wait3A_111 = arith.constant 0 : i32
        %dma_wait3A_112 = tpu.memref_slice %arg2[%dma_wait3A_110, %dma_wait3A_111] : memref<10240x128xf32, #tpu.memory_space<hbm>> -> memref<10240x128xf32, #tpu.memory_space<hbm>>
        tpu.wait_indirect_dma semaphore(%arg20 : memref<!tpu.dma_semaphore, #tpu.memory_space<semaphore_mem>>) src(%dma_wait3A_112 : memref<10240x128xf32, #tpu.memory_space<hbm>>) dst(%dma_wait3A_109 : memref<80x128xf32, #tpu.memory_space<vmem>>)
        %dma_wait3A_113 = arith.constant 80 : i32
        %dma_wait3A_114 = arith.constant 0 : i32
        %dma_wait3A_115 = tpu.memref_slice %arg16[%dma_wait3A_113, %dma_wait3A_114] : memref<160x128xf32, #tpu.memory_space<vmem>> -> memref<80x128xf32, #tpu.memory_space<vmem>>
        %dma_wait3A_116 = arith.constant 0 : i32
        %dma_wait3A_117 = arith.constant 0 : i32
        %dma_wait3A_118 = tpu.memref_slice %arg2[%dma_wait3A_116, %dma_wait3A_117] : memref<10240x128xf32, #tpu.memory_space<hbm>> -> memref<10240x128xf32, #tpu.memory_space<hbm>>
        tpu.wait_indirect_dma semaphore(%arg20 : memref<!tpu.dma_semaphore, #tpu.memory_space<semaphore_mem>>) src(%dma_wait3A_118 : memref<10240x128xf32, #tpu.memory_space<hbm>>) dst(%dma_wait3A_115 : memref<80x128xf32, #tpu.memory_space<vmem>>)
        %add3A_119 = arith.constant 1 : i32
        %add3A_120 = arith.addi %add3A_94, %add3A_119 : i32
        %lt3A_121 = arith.constant 64 : i32
        %lt3A_122 = arith.cmpi slt, %add3A_120, %lt3A_121 : i32
        %convert_element_type3A_123 = arith.extui %lt3A_122 : i1 to i32
        %cond3A_124 = arith.constant 0 : i32
        %cond3A_125 = arith.cmpi ne, %convert_element_type3A_123, %cond3A_124 : i32
        scf.if %cond3A_125 {
          %multiple_of3A_129 = tpu.assume_multiple %mul3A_11, 160 : i32
          %dma_wait3A_130 = tpu.memref_slice %arg4[%multiple_of3A_129] : memref<163840xi32, #tpu.memory_space<hbm>> -> memref<80xi32, #tpu.memory_space<hbm>>
          %dma_wait3A_131 = tpu.memref_slice %arg4[%multiple_of3A_129] : memref<163840xi32, #tpu.memory_space<hbm>> -> memref<80xi32, #tpu.memory_space<hbm>>
          tpu.wait_dma2 semaphore(%arg17 : memref<!tpu.dma_semaphore, #tpu.memory_space<semaphore_mem>>) src(%dma_wait3A_131 : memref<80xi32, #tpu.memory_space<hbm>>) dst(%arg9 : memref<80xi32, #tpu.memory_space<vmem>>)
          %dma_wait3A_132 = tpu.memref_slice %arg4[%multiple_of3A_129] : memref<163840xi32, #tpu.memory_space<hbm>> -> memref<80xi32, #tpu.memory_space<hbm>>
          %dma_wait3A_133 = tpu.memref_slice %arg4[%multiple_of3A_129] : memref<163840xi32, #tpu.memory_space<hbm>> -> memref<80xi32, #tpu.memory_space<hbm>>
          tpu.wait_dma2 semaphore(%arg17 : memref<!tpu.dma_semaphore, #tpu.memory_space<semaphore_mem>>) src(%dma_wait3A_133 : memref<80xi32, #tpu.memory_space<hbm>>) dst(%arg10 : memref<80xi32, #tpu.memory_space<vmem>>)
          %dma_wait3A_134 = tpu.memref_slice %arg5[%multiple_of3A_129] : memref<163840xi32, #tpu.memory_space<hbm>> -> memref<160xi32, #tpu.memory_space<hbm>>
          %dma_wait3A_135 = tpu.memref_slice %arg5[%multiple_of3A_129] : memref<163840xi32, #tpu.memory_space<hbm>> -> memref<160xi32, #tpu.memory_space<hbm>>
          tpu.wait_dma2 semaphore(%arg17 : memref<!tpu.dma_semaphore, #tpu.memory_space<semaphore_mem>>) src(%dma_wait3A_135 : memref<160xi32, #tpu.memory_space<hbm>>) dst(%arg13 : memref<160xi32, #tpu.memory_space<vmem>>)
          %dma_start3A_136 = arith.constant 0 : i32
          %dma_start3A_137 = arith.constant 0 : i32
          %dma_start3A_138 = tpu.memref_slice %arg15[%dma_start3A_136, %dma_start3A_137] : memref<160x128xf32, #tpu.memory_space<vmem>> -> memref<80x128xf32, #tpu.memory_space<vmem>>
          %dma_start3A_139 = arith.constant 0 : i32
          %dma_start3A_140 = arith.constant 0 : i32
          %dma_start3A_141 = tpu.memref_slice %arg2[%dma_start3A_139, %dma_start3A_140] : memref<10240x128xf32, #tpu.memory_space<hbm>> -> memref<10240x128xf32, #tpu.memory_space<hbm>>
          tpu.enqueue_indirect_dma source(%dma_start3A_141 : memref<10240x128xf32, #tpu.memory_space<hbm>>) target(%dma_start3A_138 : memref<80x128xf32, #tpu.memory_space<vmem>>) offsets(%arg9 : memref<80xi32, #tpu.memory_space<vmem>>) semaphore(%arg19 : memref<!tpu.dma_semaphore, #tpu.memory_space<semaphore_mem>>)
          %dma_start3A_142 = arith.constant 80 : i32
          %dma_start3A_143 = arith.constant 0 : i32
          %dma_start3A_144 = tpu.memref_slice %arg15[%dma_start3A_142, %dma_start3A_143] : memref<160x128xf32, #tpu.memory_space<vmem>> -> memref<80x128xf32, #tpu.memory_space<vmem>>
          %dma_start3A_145 = arith.constant 0 : i32
          %dma_start3A_146 = arith.constant 0 : i32
          %dma_start3A_147 = tpu.memref_slice %arg2[%dma_start3A_145, %dma_start3A_146] : memref<10240x128xf32, #tpu.memory_space<hbm>> -> memref<10240x128xf32, #tpu.memory_space<hbm>>
          tpu.enqueue_indirect_dma source(%dma_start3A_147 : memref<10240x128xf32, #tpu.memory_space<hbm>>) target(%dma_start3A_144 : memref<80x128xf32, #tpu.memory_space<vmem>>) offsets(%arg10 : memref<80xi32, #tpu.memory_space<vmem>>) semaphore(%arg19 : memref<!tpu.dma_semaphore, #tpu.memory_space<semaphore_mem>>)
        } else {
        }
        %dma_start3A_126 = arith.constant 0 : i32
        %dma_start3A_127 = arith.constant 0 : i32
        %dma_start3A_128 = tpu.memref_slice %arg8[%dma_start3A_126, %dma_start3A_127] : memref<10240x128xf32, #tpu.memory_space<vmem_shared>> -> memref<10240x128xf32, #tpu.memory_space<vmem_shared>>
        tpu.enqueue_indirect_dma source(%arg16 : memref<160x128xf32, #tpu.memory_space<vmem>>) target(%dma_start3A_128 : memref<10240x128xf32, #tpu.memory_space<vmem_shared>>) offsets(%arg14 : memref<160xi32, #tpu.memory_space<vmem>>) semaphore(%arg22 : memref<!tpu.dma_semaphore, #tpu.memory_space<semaphore_mem>>) {add = true}
      }
      %scan3A_45 = arith.constant 32 : i32
      %dma_wait3A_46 = arith.constant 0 : i32
      %dma_wait3A_47 = arith.constant 0 : i32
      %dma_wait3A_48 = tpu.memref_slice %arg8[%dma_wait3A_46, %dma_wait3A_47] : memref<10240x128xf32, #tpu.memory_space<vmem_shared>> -> memref<10240x128xf32, #tpu.memory_space<vmem_shared>>
      tpu.wait_indirect_dma semaphore(%arg22 : memref<!tpu.dma_semaphore, #tpu.memory_space<semaphore_mem>>) src(%arg16 : memref<160x128xf32, #tpu.memory_space<vmem>>) dst(%dma_wait3A_48 : memref<10240x128xf32, #tpu.memory_space<vmem_shared>>)
      %barrier3A_49 = arith.constant 0 : index
      tpu.barrier barrier_id(%barrier3A_49)
      %mul3A_50 = arith.constant 640 : i32
      %mul3A_51 = arith.muli %arg1, %mul3A_50 : i32
      %mul3A_52 = arith.constant 640 : i32
      %mul3A_53 = arith.muli %arg1, %mul3A_52 : i32
      "tpu.region"() ({
        %run_scoped3A = tpu.sem_alloc : memref<!tpu.dma_semaphore, #tpu.memory_space<semaphore_mem>>
        %dma_start3A_54 = arith.constant 0 : i32
        %dma_start3A_55 = tpu.memref_slice %arg6[%mul3A_53, %dma_start3A_54] : memref<10240x128xf32, #tpu.memory_space<hbm>> -> memref<640x128xf32, #tpu.memory_space<hbm>>
        %dma_start3A_56 = arith.constant 0 : i32
        %dma_start3A_57 = tpu.memref_slice %arg8[%mul3A_51, %dma_start3A_56] : memref<10240x128xf32, #tpu.memory_space<vmem_shared>> -> memref<640x128xf32, #tpu.memory_space<vmem_shared>>
        tpu.enqueue_dma source(%dma_start3A_57 : memref<640x128xf32, #tpu.memory_space<vmem_shared>>) target(%dma_start3A_55 : memref<640x128xf32, #tpu.memory_space<hbm>>) target_semaphore(%run_scoped3A : memref<!tpu.dma_semaphore, #tpu.memory_space<semaphore_mem>>)
        %dma_wait3A_58 = arith.constant 0 : i32
        %dma_wait3A_59 = tpu.memref_slice %arg6[%mul3A_53, %dma_wait3A_58] : memref<10240x128xf32, #tpu.memory_space<hbm>> -> memref<640x128xf32, #tpu.memory_space<hbm>>
        %dma_wait3A_60 = arith.constant 0 : i32
        %dma_wait3A_61 = tpu.memref_slice %arg8[%mul3A_51, %dma_wait3A_60] : memref<10240x128xf32, #tpu.memory_space<vmem_shared>> -> memref<640x128xf32, #tpu.memory_space<vmem_shared>>
        tpu.wait_dma2 semaphore(%run_scoped3A : memref<!tpu.dma_semaphore, #tpu.memory_space<semaphore_mem>>) src(%dma_wait3A_61 : memref<640x128xf32, #tpu.memory_space<vmem_shared>>) dst(%dma_wait3A_59 : memref<640x128xf32, #tpu.memory_space<hbm>>)
        tpu.yield
      }) : () -> ()
    } else {
    }
    %eq3A_2 = arith.constant 1 : i32
    %eq3A_3 = arith.cmpi eq, %arg0, %eq3A_2 : i32
    %convert_element_type3A_4 = arith.extui %eq3A_3 : i1 to i32
    %cond3A_5 = arith.constant 0 : i32
    %cond3A_6 = arith.cmpi ne, %convert_element_type3A_4, %cond3A_5 : i32
    scf.if %cond3A_6 {
      %mul3A = arith.constant 640 : i32
      %mul3A_7 = arith.muli %arg1, %mul3A : i32
      %mul3A_8 = arith.constant 640 : i32
      %mul3A_9 = arith.muli %arg1, %mul3A_8 : i32
      "tpu.region"() ({
        %run_scoped3A = tpu.sem_alloc : memref<!tpu.dma_semaphore, #tpu.memory_space<semaphore_mem>>
        %dma_start3A_54 = arith.constant 0 : i32
        %dma_start3A_55 = tpu.memref_slice %arg8[%mul3A_9, %dma_start3A_54] : memref<10240x128xf32, #tpu.memory_space<vmem_shared>> -> memref<640x128xf32, #tpu.memory_space<vmem_shared>>
        %dma_start3A_56 = arith.constant 0 : i32
        %dma_start3A_57 = tpu.memref_slice %arg3[%mul3A_7, %dma_start3A_56] : memref<10240x128xf32, #tpu.memory_space<hbm>> -> memref<640x128xf32, #tpu.memory_space<hbm>>
        tpu.enqueue_dma source(%dma_start3A_57 : memref<640x128xf32, #tpu.memory_space<hbm>>) target(%dma_start3A_55 : memref<640x128xf32, #tpu.memory_space<vmem_shared>>) target_semaphore(%run_scoped3A : memref<!tpu.dma_semaphore, #tpu.memory_space<semaphore_mem>>)
        %dma_wait3A_58 = arith.constant 0 : i32
        %dma_wait3A_59 = tpu.memref_slice %arg8[%mul3A_9, %dma_wait3A_58] : memref<10240x128xf32, #tpu.memory_space<vmem_shared>> -> memref<640x128xf32, #tpu.memory_space<vmem_shared>>
        %dma_wait3A_60 = arith.constant 0 : i32
        %dma_wait3A_61 = tpu.memref_slice %arg3[%mul3A_7, %dma_wait3A_60] : memref<10240x128xf32, #tpu.memory_space<hbm>> -> memref<640x128xf32, #tpu.memory_space<hbm>>
        tpu.wait_dma2 semaphore(%run_scoped3A : memref<!tpu.dma_semaphore, #tpu.memory_space<semaphore_mem>>) src(%dma_wait3A_61 : memref<640x128xf32, #tpu.memory_space<hbm>>) dst(%dma_wait3A_59 : memref<640x128xf32, #tpu.memory_space<vmem_shared>>)
        tpu.yield
      }) : () -> ()
      %barrier3A = arith.constant 0 : index
      tpu.barrier barrier_id(%barrier3A)
      %mul3A_10 = arith.constant 10240 : i32
      %mul3A_11 = arith.muli %arg1, %mul3A_10 : i32
      %add3A = arith.constant 0 : i32
      %add3A_12 = arith.addi %mul3A_11, %add3A : i32
      %multiple_of3A = tpu.assume_multiple %add3A_12, 160 : i32
      %add3A_13 = arith.constant 0 : i32
      %add3A_14 = arith.addi %mul3A_11, %add3A_13 : i32
      %add3A_15 = arith.constant 80 : i32
      %add3A_16 = arith.addi %add3A_14, %add3A_15 : i32
      %multiple_of3A_17 = tpu.assume_multiple %add3A_16, 80 : i32
      %dma_start3A = tpu.memref_slice %arg4[%multiple_of3A] : memref<163840xi32, #tpu.memory_space<hbm>> -> memref<80xi32, #tpu.memory_space<hbm>>
      %dma_start3A_18 = tpu.memref_slice %arg4[%multiple_of3A] : memref<163840xi32, #tpu.memory_space<hbm>> -> memref<80xi32, #tpu.memory_space<hbm>>
      tpu.enqueue_dma source(%dma_start3A_18 : memref<80xi32, #tpu.memory_space<hbm>>) target(%arg9 : memref<80xi32, #tpu.memory_space<vmem>>) target_semaphore(%arg17 : memref<!tpu.dma_semaphore, #tpu.memory_space<semaphore_mem>>)
      %dma_start3A_19 = tpu.memref_slice %arg4[%multiple_of3A_17] : memref<163840xi32, #tpu.memory_space<hbm>> -> memref<80xi32, #tpu.memory_space<hbm>>
      %dma_start3A_20 = tpu.memref_slice %arg4[%multiple_of3A_17] : memref<163840xi32, #tpu.memory_space<hbm>> -> memref<80xi32, #tpu.memory_space<hbm>>
      tpu.enqueue_dma source(%dma_start3A_20 : memref<80xi32, #tpu.memory_space<hbm>>) target(%arg10 : memref<80xi32, #tpu.memory_space<vmem>>) target_semaphore(%arg17 : memref<!tpu.dma_semaphore, #tpu.memory_space<semaphore_mem>>)
      %dma_start3A_21 = tpu.memref_slice %arg5[%multiple_of3A] : memref<163840xi32, #tpu.memory_space<hbm>> -> memref<160xi32, #tpu.memory_space<hbm>>
      %dma_start3A_22 = tpu.memref_slice %arg5[%multiple_of3A] : memref<163840xi32, #tpu.memory_space<hbm>> -> memref<160xi32, #tpu.memory_space<hbm>>
      tpu.enqueue_dma source(%dma_start3A_22 : memref<160xi32, #tpu.memory_space<hbm>>) target(%arg13 : memref<160xi32, #tpu.memory_space<vmem>>) target_semaphore(%arg17 : memref<!tpu.dma_semaphore, #tpu.memory_space<semaphore_mem>>)
      %multiple_of3A_23 = tpu.assume_multiple %mul3A_11, 160 : i32
      %dma_wait3A = tpu.memref_slice %arg4[%multiple_of3A_23] : memref<163840xi32, #tpu.memory_space<hbm>> -> memref<80xi32, #tpu.memory_space<hbm>>
      %dma_wait3A_24 = tpu.memref_slice %arg4[%multiple_of3A_23] : memref<163840xi32, #tpu.memory_space<hbm>> -> memref<80xi32, #tpu.memory_space<hbm>>
      tpu.wait_dma2 semaphore(%arg17 : memref<!tpu.dma_semaphore, #tpu.memory_space<semaphore_mem>>) src(%dma_wait3A_24 : memref<80xi32, #tpu.memory_space<hbm>>) dst(%arg9 : memref<80xi32, #tpu.memory_space<vmem>>)
      %dma_wait3A_25 = tpu.memref_slice %arg4[%multiple_of3A_23] : memref<163840xi32, #tpu.memory_space<hbm>> -> memref<80xi32, #tpu.memory_space<hbm>>
      %dma_wait3A_26 = tpu.memref_slice %arg4[%multiple_of3A_23] : memref<163840xi32, #tpu.memory_space<hbm>> -> memref<80xi32, #tpu.memory_space<hbm>>
      tpu.wait_dma2 semaphore(%arg17 : memref<!tpu.dma_semaphore, #tpu.memory_space<semaphore_mem>>) src(%dma_wait3A_26 : memref<80xi32, #tpu.memory_space<hbm>>) dst(%arg10 : memref<80xi32, #tpu.memory_space<vmem>>)
      %dma_wait3A_27 = tpu.memref_slice %arg5[%multiple_of3A_23] : memref<163840xi32, #tpu.memory_space<hbm>> -> memref<160xi32, #tpu.memory_space<hbm>>
      %dma_wait3A_28 = tpu.memref_slice %arg5[%multiple_of3A_23] : memref<163840xi32, #tpu.memory_space<hbm>> -> memref<160xi32, #tpu.memory_space<hbm>>
      tpu.wait_dma2 semaphore(%arg17 : memref<!tpu.dma_semaphore, #tpu.memory_space<semaphore_mem>>) src(%dma_wait3A_28 : memref<160xi32, #tpu.memory_space<hbm>>) dst(%arg13 : memref<160xi32, #tpu.memory_space<vmem>>)
      %dma_start3A_29 = arith.constant 0 : i32
      %dma_start3A_30 = arith.constant 0 : i32
      %dma_start3A_31 = tpu.memref_slice %arg15[%dma_start3A_29, %dma_start3A_30] : memref<160x128xf32, #tpu.memory_space<vmem>> -> memref<80x128xf32, #tpu.memory_space<vmem>>
      %dma_start3A_32 = arith.constant 0 : i32
      %dma_start3A_33 = arith.constant 0 : i32
      %dma_start3A_34 = tpu.memref_slice %arg3[%dma_start3A_32, %dma_start3A_33] : memref<10240x128xf32, #tpu.memory_space<hbm>> -> memref<10240x128xf32, #tpu.memory_space<hbm>>
      tpu.enqueue_indirect_dma source(%dma_start3A_34 : memref<10240x128xf32, #tpu.memory_space<hbm>>) target(%dma_start3A_31 : memref<80x128xf32, #tpu.memory_space<vmem>>) offsets(%arg9 : memref<80xi32, #tpu.memory_space<vmem>>) semaphore(%arg19 : memref<!tpu.dma_semaphore, #tpu.memory_space<semaphore_mem>>)
      %dma_start3A_35 = arith.constant 80 : i32
      %dma_start3A_36 = arith.constant 0 : i32
      %dma_start3A_37 = tpu.memref_slice %arg15[%dma_start3A_35, %dma_start3A_36] : memref<160x128xf32, #tpu.memory_space<vmem>> -> memref<80x128xf32, #tpu.memory_space<vmem>>
      %dma_start3A_38 = arith.constant 0 : i32
      %dma_start3A_39 = arith.constant 0 : i32
      %dma_start3A_40 = tpu.memref_slice %arg3[%dma_start3A_38, %dma_start3A_39] : memref<10240x128xf32, #tpu.memory_space<hbm>> -> memref<10240x128xf32, #tpu.memory_space<hbm>>
      tpu.enqueue_indirect_dma source(%dma_start3A_40 : memref<10240x128xf32, #tpu.memory_space<hbm>>) target(%dma_start3A_37 : memref<80x128xf32, #tpu.memory_space<vmem>>) offsets(%arg10 : memref<80xi32, #tpu.memory_space<vmem>>) semaphore(%arg19 : memref<!tpu.dma_semaphore, #tpu.memory_space<semaphore_mem>>)
      %scan3A = arith.constant 0 : i32
      %scan3A_41 = arith.constant 0 : i32
      %scan3A_42 = arith.constant 32 : i32
      %scan3A_43 = arith.addi %scan3A_41, %scan3A_42 : i32
      %scan3A_44 = arith.constant 1 : i32
      scf.for %scan3A_54 = %scan3A_41 to %scan3A_43 step %scan3A_44  : i32 {
        %mul3A_55 = arith.constant 2 : i32
        %mul3A_56 = arith.muli %mul3A_55, %scan3A_54 : i32
        %add3A_57 = arith.constant 0 : i32
        %add3A_58 = arith.addi %mul3A_56, %add3A_57 : i32
        %ge3A = arith.constant 1 : i32
        %ge3A_59 = arith.cmpi sge, %add3A_58, %ge3A : i32
        %convert_element_type3A_60 = arith.extui %ge3A_59 : i1 to i32
        %cond3A_61 = arith.constant 0 : i32
        %cond3A_62 = arith.cmpi ne, %convert_element_type3A_60, %cond3A_61 : i32
        scf.if %cond3A_62 {
          %dma_wait3A_129 = arith.constant 0 : i32
          %dma_wait3A_130 = arith.constant 0 : i32
          %dma_wait3A_131 = tpu.memref_slice %arg8[%dma_wait3A_129, %dma_wait3A_130] : memref<10240x128xf32, #tpu.memory_space<vmem_shared>> -> memref<10240x128xf32, #tpu.memory_space<vmem_shared>>
          tpu.wait_indirect_dma semaphore(%arg22 : memref<!tpu.dma_semaphore, #tpu.memory_space<semaphore_mem>>) src(%arg16 : memref<160x128xf32, #tpu.memory_space<vmem>>) dst(%dma_wait3A_131 : memref<10240x128xf32, #tpu.memory_space<vmem_shared>>)
        } else {
        }
        %add3A_63 = arith.constant 1 : i32
        %add3A_64 = arith.addi %add3A_58, %add3A_63 : i32
        %lt3A = arith.constant 64 : i32
        %lt3A_65 = arith.cmpi slt, %add3A_64, %lt3A : i32
        %convert_element_type3A_66 = arith.extui %lt3A_65 : i1 to i32
        %cond3A_67 = arith.constant 0 : i32
        %cond3A_68 = arith.cmpi ne, %convert_element_type3A_66, %cond3A_67 : i32
        scf.if %cond3A_68 {
          %add3A_129 = arith.constant 1 : i32
          %add3A_130 = arith.addi %add3A_58, %add3A_129 : i32
          %mul3A_131 = arith.constant 160 : i32
          %mul3A_132 = arith.muli %add3A_130, %mul3A_131 : i32
          %add3A_133 = arith.addi %mul3A_11, %mul3A_132 : i32
          %multiple_of3A_134 = tpu.assume_multiple %add3A_133, 160 : i32
          %mul3A_135 = arith.constant 160 : i32
          %mul3A_136 = arith.muli %add3A_130, %mul3A_135 : i32
          %add3A_137 = arith.addi %mul3A_11, %mul3A_136 : i32
          %add3A_138 = arith.constant 80 : i32
          %add3A_139 = arith.addi %add3A_137, %add3A_138 : i32
          %multiple_of3A_140 = tpu.assume_multiple %add3A_139, 80 : i32
          %dma_start3A_141 = tpu.memref_slice %arg4[%multiple_of3A_134] : memref<163840xi32, #tpu.memory_space<hbm>> -> memref<80xi32, #tpu.memory_space<hbm>>
          %dma_start3A_142 = tpu.memref_slice %arg4[%multiple_of3A_134] : memref<163840xi32, #tpu.memory_space<hbm>> -> memref<80xi32, #tpu.memory_space<hbm>>
          tpu.enqueue_dma source(%dma_start3A_142 : memref<80xi32, #tpu.memory_space<hbm>>) target(%arg11 : memref<80xi32, #tpu.memory_space<vmem>>) target_semaphore(%arg18 : memref<!tpu.dma_semaphore, #tpu.memory_space<semaphore_mem>>)
          %dma_start3A_143 = tpu.memref_slice %arg4[%multiple_of3A_140] : memref<163840xi32, #tpu.memory_space<hbm>> -> memref<80xi32, #tpu.memory_space<hbm>>
          %dma_start3A_144 = tpu.memref_slice %arg4[%multiple_of3A_140] : memref<163840xi32, #tpu.memory_space<hbm>> -> memref<80xi32, #tpu.memory_space<hbm>>
          tpu.enqueue_dma source(%dma_start3A_144 : memref<80xi32, #tpu.memory_space<hbm>>) target(%arg12 : memref<80xi32, #tpu.memory_space<vmem>>) target_semaphore(%arg18 : memref<!tpu.dma_semaphore, #tpu.memory_space<semaphore_mem>>)
          %dma_start3A_145 = tpu.memref_slice %arg5[%multiple_of3A_134] : memref<163840xi32, #tpu.memory_space<hbm>> -> memref<160xi32, #tpu.memory_space<hbm>>
          %dma_start3A_146 = tpu.memref_slice %arg5[%multiple_of3A_134] : memref<163840xi32, #tpu.memory_space<hbm>> -> memref<160xi32, #tpu.memory_space<hbm>>
          tpu.enqueue_dma source(%dma_start3A_146 : memref<160xi32, #tpu.memory_space<hbm>>) target(%arg14 : memref<160xi32, #tpu.memory_space<vmem>>) target_semaphore(%arg18 : memref<!tpu.dma_semaphore, #tpu.memory_space<semaphore_mem>>)
        } else {
        }
        %dma_wait3A_69 = arith.constant 0 : i32
        %dma_wait3A_70 = arith.constant 0 : i32
        %dma_wait3A_71 = tpu.memref_slice %arg15[%dma_wait3A_69, %dma_wait3A_70] : memref<160x128xf32, #tpu.memory_space<vmem>> -> memref<80x128xf32, #tpu.memory_space<vmem>>
        %dma_wait3A_72 = arith.constant 0 : i32
        %dma_wait3A_73 = arith.constant 0 : i32
        %dma_wait3A_74 = tpu.memref_slice %arg3[%dma_wait3A_72, %dma_wait3A_73] : memref<10240x128xf32, #tpu.memory_space<hbm>> -> memref<10240x128xf32, #tpu.memory_space<hbm>>
        tpu.wait_indirect_dma semaphore(%arg19 : memref<!tpu.dma_semaphore, #tpu.memory_space<semaphore_mem>>) src(%dma_wait3A_74 : memref<10240x128xf32, #tpu.memory_space<hbm>>) dst(%dma_wait3A_71 : memref<80x128xf32, #tpu.memory_space<vmem>>)
        %dma_wait3A_75 = arith.constant 80 : i32
        %dma_wait3A_76 = arith.constant 0 : i32
        %dma_wait3A_77 = tpu.memref_slice %arg15[%dma_wait3A_75, %dma_wait3A_76] : memref<160x128xf32, #tpu.memory_space<vmem>> -> memref<80x128xf32, #tpu.memory_space<vmem>>
        %dma_wait3A_78 = arith.constant 0 : i32
        %dma_wait3A_79 = arith.constant 0 : i32
        %dma_wait3A_80 = tpu.memref_slice %arg3[%dma_wait3A_78, %dma_wait3A_79] : memref<10240x128xf32, #tpu.memory_space<hbm>> -> memref<10240x128xf32, #tpu.memory_space<hbm>>
        tpu.wait_indirect_dma semaphore(%arg19 : memref<!tpu.dma_semaphore, #tpu.memory_space<semaphore_mem>>) src(%dma_wait3A_80 : memref<10240x128xf32, #tpu.memory_space<hbm>>) dst(%dma_wait3A_77 : memref<80x128xf32, #tpu.memory_space<vmem>>)
        %add3A_81 = arith.constant 1 : i32
        %add3A_82 = arith.addi %add3A_58, %add3A_81 : i32
        %lt3A_83 = arith.constant 64 : i32
        %lt3A_84 = arith.cmpi slt, %add3A_82, %lt3A_83 : i32
        %convert_element_type3A_85 = arith.extui %lt3A_84 : i1 to i32
        %cond3A_86 = arith.constant 0 : i32
        %cond3A_87 = arith.cmpi ne, %convert_element_type3A_85, %cond3A_86 : i32
        scf.if %cond3A_87 {
          %multiple_of3A_129 = tpu.assume_multiple %mul3A_11, 160 : i32
          %dma_wait3A_130 = tpu.memref_slice %arg4[%multiple_of3A_129] : memref<163840xi32, #tpu.memory_space<hbm>> -> memref<80xi32, #tpu.memory_space<hbm>>
          %dma_wait3A_131 = tpu.memref_slice %arg4[%multiple_of3A_129] : memref<163840xi32, #tpu.memory_space<hbm>> -> memref<80xi32, #tpu.memory_space<hbm>>
          tpu.wait_dma2 semaphore(%arg18 : memref<!tpu.dma_semaphore, #tpu.memory_space<semaphore_mem>>) src(%dma_wait3A_131 : memref<80xi32, #tpu.memory_space<hbm>>) dst(%arg11 : memref<80xi32, #tpu.memory_space<vmem>>)
          %dma_wait3A_132 = tpu.memref_slice %arg4[%multiple_of3A_129] : memref<163840xi32, #tpu.memory_space<hbm>> -> memref<80xi32, #tpu.memory_space<hbm>>
          %dma_wait3A_133 = tpu.memref_slice %arg4[%multiple_of3A_129] : memref<163840xi32, #tpu.memory_space<hbm>> -> memref<80xi32, #tpu.memory_space<hbm>>
          tpu.wait_dma2 semaphore(%arg18 : memref<!tpu.dma_semaphore, #tpu.memory_space<semaphore_mem>>) src(%dma_wait3A_133 : memref<80xi32, #tpu.memory_space<hbm>>) dst(%arg12 : memref<80xi32, #tpu.memory_space<vmem>>)
          %dma_wait3A_134 = tpu.memref_slice %arg5[%multiple_of3A_129] : memref<163840xi32, #tpu.memory_space<hbm>> -> memref<160xi32, #tpu.memory_space<hbm>>
          %dma_wait3A_135 = tpu.memref_slice %arg5[%multiple_of3A_129] : memref<163840xi32, #tpu.memory_space<hbm>> -> memref<160xi32, #tpu.memory_space<hbm>>
          tpu.wait_dma2 semaphore(%arg18 : memref<!tpu.dma_semaphore, #tpu.memory_space<semaphore_mem>>) src(%dma_wait3A_135 : memref<160xi32, #tpu.memory_space<hbm>>) dst(%arg14 : memref<160xi32, #tpu.memory_space<vmem>>)
          %dma_start3A_136 = arith.constant 0 : i32
          %dma_start3A_137 = arith.constant 0 : i32
          %dma_start3A_138 = tpu.memref_slice %arg16[%dma_start3A_136, %dma_start3A_137] : memref<160x128xf32, #tpu.memory_space<vmem>> -> memref<80x128xf32, #tpu.memory_space<vmem>>
          %dma_start3A_139 = arith.constant 0 : i32
          %dma_start3A_140 = arith.constant 0 : i32
          %dma_start3A_141 = tpu.memref_slice %arg3[%dma_start3A_139, %dma_start3A_140] : memref<10240x128xf32, #tpu.memory_space<hbm>> -> memref<10240x128xf32, #tpu.memory_space<hbm>>
          tpu.enqueue_indirect_dma source(%dma_start3A_141 : memref<10240x128xf32, #tpu.memory_space<hbm>>) target(%dma_start3A_138 : memref<80x128xf32, #tpu.memory_space<vmem>>) offsets(%arg11 : memref<80xi32, #tpu.memory_space<vmem>>) semaphore(%arg20 : memref<!tpu.dma_semaphore, #tpu.memory_space<semaphore_mem>>)
          %dma_start3A_142 = arith.constant 80 : i32
          %dma_start3A_143 = arith.constant 0 : i32
          %dma_start3A_144 = tpu.memref_slice %arg16[%dma_start3A_142, %dma_start3A_143] : memref<160x128xf32, #tpu.memory_space<vmem>> -> memref<80x128xf32, #tpu.memory_space<vmem>>
          %dma_start3A_145 = arith.constant 0 : i32
          %dma_start3A_146 = arith.constant 0 : i32
          %dma_start3A_147 = tpu.memref_slice %arg3[%dma_start3A_145, %dma_start3A_146] : memref<10240x128xf32, #tpu.memory_space<hbm>> -> memref<10240x128xf32, #tpu.memory_space<hbm>>
          tpu.enqueue_indirect_dma source(%dma_start3A_147 : memref<10240x128xf32, #tpu.memory_space<hbm>>) target(%dma_start3A_144 : memref<80x128xf32, #tpu.memory_space<vmem>>) offsets(%arg12 : memref<80xi32, #tpu.memory_space<vmem>>) semaphore(%arg20 : memref<!tpu.dma_semaphore, #tpu.memory_space<semaphore_mem>>)
        } else {
        }
        %dma_start3A_88 = arith.constant 0 : i32
        %dma_start3A_89 = arith.constant 0 : i32
        %dma_start3A_90 = tpu.memref_slice %arg8[%dma_start3A_88, %dma_start3A_89] : memref<10240x128xf32, #tpu.memory_space<vmem_shared>> -> memref<10240x128xf32, #tpu.memory_space<vmem_shared>>
        tpu.enqueue_indirect_dma source(%arg15 : memref<160x128xf32, #tpu.memory_space<vmem>>) target(%dma_start3A_90 : memref<10240x128xf32, #tpu.memory_space<vmem_shared>>) offsets(%arg13 : memref<160xi32, #tpu.memory_space<vmem>>) semaphore(%arg21 : memref<!tpu.dma_semaphore, #tpu.memory_space<semaphore_mem>>) {add = true}
        %mul3A_91 = arith.constant 2 : i32
        %mul3A_92 = arith.muli %mul3A_91, %scan3A_54 : i32
        %add3A_93 = arith.constant 1 : i32
        %add3A_94 = arith.addi %mul3A_92, %add3A_93 : i32
        %ge3A_95 = arith.constant 1 : i32
        %ge3A_96 = arith.cmpi sge, %add3A_94, %ge3A_95 : i32
        %convert_element_type3A_97 = arith.extui %ge3A_96 : i1 to i32
        %cond3A_98 = arith.constant 0 : i32
        %cond3A_99 = arith.cmpi ne, %convert_element_type3A_97, %cond3A_98 : i32
        scf.if %cond3A_99 {
          %dma_wait3A_129 = arith.constant 0 : i32
          %dma_wait3A_130 = arith.constant 0 : i32
          %dma_wait3A_131 = tpu.memref_slice %arg8[%dma_wait3A_129, %dma_wait3A_130] : memref<10240x128xf32, #tpu.memory_space<vmem_shared>> -> memref<10240x128xf32, #tpu.memory_space<vmem_shared>>
          tpu.wait_indirect_dma semaphore(%arg21 : memref<!tpu.dma_semaphore, #tpu.memory_space<semaphore_mem>>) src(%arg15 : memref<160x128xf32, #tpu.memory_space<vmem>>) dst(%dma_wait3A_131 : memref<10240x128xf32, #tpu.memory_space<vmem_shared>>)
        } else {
        }
        %add3A_100 = arith.constant 1 : i32
        %add3A_101 = arith.addi %add3A_94, %add3A_100 : i32
        %lt3A_102 = arith.constant 64 : i32
        %lt3A_103 = arith.cmpi slt, %add3A_101, %lt3A_102 : i32
        %convert_element_type3A_104 = arith.extui %lt3A_103 : i1 to i32
        %cond3A_105 = arith.constant 0 : i32
        %cond3A_106 = arith.cmpi ne, %convert_element_type3A_104, %cond3A_105 : i32
        scf.if %cond3A_106 {
          %add3A_129 = arith.constant 1 : i32
          %add3A_130 = arith.addi %add3A_94, %add3A_129 : i32
          %mul3A_131 = arith.constant 160 : i32
          %mul3A_132 = arith.muli %add3A_130, %mul3A_131 : i32
          %add3A_133 = arith.addi %mul3A_11, %mul3A_132 : i32
          %multiple_of3A_134 = tpu.assume_multiple %add3A_133, 160 : i32
          %mul3A_135 = arith.constant 160 : i32
          %mul3A_136 = arith.muli %add3A_130, %mul3A_135 : i32
          %add3A_137 = arith.addi %mul3A_11, %mul3A_136 : i32
          %add3A_138 = arith.constant 80 : i32
          %add3A_139 = arith.addi %add3A_137, %add3A_138 : i32
          %multiple_of3A_140 = tpu.assume_multiple %add3A_139, 80 : i32
          %dma_start3A_141 = tpu.memref_slice %arg4[%multiple_of3A_134] : memref<163840xi32, #tpu.memory_space<hbm>> -> memref<80xi32, #tpu.memory_space<hbm>>
          %dma_start3A_142 = tpu.memref_slice %arg4[%multiple_of3A_134] : memref<163840xi32, #tpu.memory_space<hbm>> -> memref<80xi32, #tpu.memory_space<hbm>>
          tpu.enqueue_dma source(%dma_start3A_142 : memref<80xi32, #tpu.memory_space<hbm>>) target(%arg9 : memref<80xi32, #tpu.memory_space<vmem>>) target_semaphore(%arg17 : memref<!tpu.dma_semaphore, #tpu.memory_space<semaphore_mem>>)
          %dma_start3A_143 = tpu.memref_slice %arg4[%multiple_of3A_140] : memref<163840xi32, #tpu.memory_space<hbm>> -> memref<80xi32, #tpu.memory_space<hbm>>
          %dma_start3A_144 = tpu.memref_slice %arg4[%multiple_of3A_140] : memref<163840xi32, #tpu.memory_space<hbm>> -> memref<80xi32, #tpu.memory_space<hbm>>
          tpu.enqueue_dma source(%dma_start3A_144 : memref<80xi32, #tpu.memory_space<hbm>>) target(%arg10 : memref<80xi32, #tpu.memory_space<vmem>>) target_semaphore(%arg17 : memref<!tpu.dma_semaphore, #tpu.memory_space<semaphore_mem>>)
          %dma_start3A_145 = tpu.memref_slice %arg5[%multiple_of3A_134] : memref<163840xi32, #tpu.memory_space<hbm>> -> memref<160xi32, #tpu.memory_space<hbm>>
          %dma_start3A_146 = tpu.memref_slice %arg5[%multiple_of3A_134] : memref<163840xi32, #tpu.memory_space<hbm>> -> memref<160xi32, #tpu.memory_space<hbm>>
          tpu.enqueue_dma source(%dma_start3A_146 : memref<160xi32, #tpu.memory_space<hbm>>) target(%arg13 : memref<160xi32, #tpu.memory_space<vmem>>) target_semaphore(%arg17 : memref<!tpu.dma_semaphore, #tpu.memory_space<semaphore_mem>>)
        } else {
        }
        %dma_wait3A_107 = arith.constant 0 : i32
        %dma_wait3A_108 = arith.constant 0 : i32
        %dma_wait3A_109 = tpu.memref_slice %arg16[%dma_wait3A_107, %dma_wait3A_108] : memref<160x128xf32, #tpu.memory_space<vmem>> -> memref<80x128xf32, #tpu.memory_space<vmem>>
        %dma_wait3A_110 = arith.constant 0 : i32
        %dma_wait3A_111 = arith.constant 0 : i32
        %dma_wait3A_112 = tpu.memref_slice %arg3[%dma_wait3A_110, %dma_wait3A_111] : memref<10240x128xf32, #tpu.memory_space<hbm>> -> memref<10240x128xf32, #tpu.memory_space<hbm>>
        tpu.wait_indirect_dma semaphore(%arg20 : memref<!tpu.dma_semaphore, #tpu.memory_space<semaphore_mem>>) src(%dma_wait3A_112 : memref<10240x128xf32, #tpu.memory_space<hbm>>) dst(%dma_wait3A_109 : memref<80x128xf32, #tpu.memory_space<vmem>>)
        %dma_wait3A_113 = arith.constant 80 : i32
        %dma_wait3A_114 = arith.constant 0 : i32
        %dma_wait3A_115 = tpu.memref_slice %arg16[%dma_wait3A_113, %dma_wait3A_114] : memref<160x128xf32, #tpu.memory_space<vmem>> -> memref<80x128xf32, #tpu.memory_space<vmem>>
        %dma_wait3A_116 = arith.constant 0 : i32
        %dma_wait3A_117 = arith.constant 0 : i32
        %dma_wait3A_118 = tpu.memref_slice %arg3[%dma_wait3A_116, %dma_wait3A_117] : memref<10240x128xf32, #tpu.memory_space<hbm>> -> memref<10240x128xf32, #tpu.memory_space<hbm>>
        tpu.wait_indirect_dma semaphore(%arg20 : memref<!tpu.dma_semaphore, #tpu.memory_space<semaphore_mem>>) src(%dma_wait3A_118 : memref<10240x128xf32, #tpu.memory_space<hbm>>) dst(%dma_wait3A_115 : memref<80x128xf32, #tpu.memory_space<vmem>>)
        %add3A_119 = arith.constant 1 : i32
        %add3A_120 = arith.addi %add3A_94, %add3A_119 : i32
        %lt3A_121 = arith.constant 64 : i32
        %lt3A_122 = arith.cmpi slt, %add3A_120, %lt3A_121 : i32
        %convert_element_type3A_123 = arith.extui %lt3A_122 : i1 to i32
        %cond3A_124 = arith.constant 0 : i32
        %cond3A_125 = arith.cmpi ne, %convert_element_type3A_123, %cond3A_124 : i32
        scf.if %cond3A_125 {
          %multiple_of3A_129 = tpu.assume_multiple %mul3A_11, 160 : i32
          %dma_wait3A_130 = tpu.memref_slice %arg4[%multiple_of3A_129] : memref<163840xi32, #tpu.memory_space<hbm>> -> memref<80xi32, #tpu.memory_space<hbm>>
          %dma_wait3A_131 = tpu.memref_slice %arg4[%multiple_of3A_129] : memref<163840xi32, #tpu.memory_space<hbm>> -> memref<80xi32, #tpu.memory_space<hbm>>
          tpu.wait_dma2 semaphore(%arg17 : memref<!tpu.dma_semaphore, #tpu.memory_space<semaphore_mem>>) src(%dma_wait3A_131 : memref<80xi32, #tpu.memory_space<hbm>>) dst(%arg9 : memref<80xi32, #tpu.memory_space<vmem>>)
          %dma_wait3A_132 = tpu.memref_slice %arg4[%multiple_of3A_129] : memref<163840xi32, #tpu.memory_space<hbm>> -> memref<80xi32, #tpu.memory_space<hbm>>
          %dma_wait3A_133 = tpu.memref_slice %arg4[%multiple_of3A_129] : memref<163840xi32, #tpu.memory_space<hbm>> -> memref<80xi32, #tpu.memory_space<hbm>>
          tpu.wait_dma2 semaphore(%arg17 : memref<!tpu.dma_semaphore, #tpu.memory_space<semaphore_mem>>) src(%dma_wait3A_133 : memref<80xi32, #tpu.memory_space<hbm>>) dst(%arg10 : memref<80xi32, #tpu.memory_space<vmem>>)
          %dma_wait3A_134 = tpu.memref_slice %arg5[%multiple_of3A_129] : memref<163840xi32, #tpu.memory_space<hbm>> -> memref<160xi32, #tpu.memory_space<hbm>>
          %dma_wait3A_135 = tpu.memref_slice %arg5[%multiple_of3A_129] : memref<163840xi32, #tpu.memory_space<hbm>> -> memref<160xi32, #tpu.memory_space<hbm>>
          tpu.wait_dma2 semaphore(%arg17 : memref<!tpu.dma_semaphore, #tpu.memory_space<semaphore_mem>>) src(%dma_wait3A_135 : memref<160xi32, #tpu.memory_space<hbm>>) dst(%arg13 : memref<160xi32, #tpu.memory_space<vmem>>)
          %dma_start3A_136 = arith.constant 0 : i32
          %dma_start3A_137 = arith.constant 0 : i32
          %dma_start3A_138 = tpu.memref_slice %arg15[%dma_start3A_136, %dma_start3A_137] : memref<160x128xf32, #tpu.memory_space<vmem>> -> memref<80x128xf32, #tpu.memory_space<vmem>>
          %dma_start3A_139 = arith.constant 0 : i32
          %dma_start3A_140 = arith.constant 0 : i32
          %dma_start3A_141 = tpu.memref_slice %arg3[%dma_start3A_139, %dma_start3A_140] : memref<10240x128xf32, #tpu.memory_space<hbm>> -> memref<10240x128xf32, #tpu.memory_space<hbm>>
          tpu.enqueue_indirect_dma source(%dma_start3A_141 : memref<10240x128xf32, #tpu.memory_space<hbm>>) target(%dma_start3A_138 : memref<80x128xf32, #tpu.memory_space<vmem>>) offsets(%arg9 : memref<80xi32, #tpu.memory_space<vmem>>) semaphore(%arg19 : memref<!tpu.dma_semaphore, #tpu.memory_space<semaphore_mem>>)
          %dma_start3A_142 = arith.constant 80 : i32
          %dma_start3A_143 = arith.constant 0 : i32
          %dma_start3A_144 = tpu.memref_slice %arg15[%dma_start3A_142, %dma_start3A_143] : memref<160x128xf32, #tpu.memory_space<vmem>> -> memref<80x128xf32, #tpu.memory_space<vmem>>
          %dma_start3A_145 = arith.constant 0 : i32
          %dma_start3A_146 = arith.constant 0 : i32
          %dma_start3A_147 = tpu.memref_slice %arg3[%dma_start3A_145, %dma_start3A_146] : memref<10240x128xf32, #tpu.memory_space<hbm>> -> memref<10240x128xf32, #tpu.memory_space<hbm>>
          tpu.enqueue_indirect_dma source(%dma_start3A_147 : memref<10240x128xf32, #tpu.memory_space<hbm>>) target(%dma_start3A_144 : memref<80x128xf32, #tpu.memory_space<vmem>>) offsets(%arg10 : memref<80xi32, #tpu.memory_space<vmem>>) semaphore(%arg19 : memref<!tpu.dma_semaphore, #tpu.memory_space<semaphore_mem>>)
        } else {
        }
        %dma_start3A_126 = arith.constant 0 : i32
        %dma_start3A_127 = arith.constant 0 : i32
        %dma_start3A_128 = tpu.memref_slice %arg8[%dma_start3A_126, %dma_start3A_127] : memref<10240x128xf32, #tpu.memory_space<vmem_shared>> -> memref<10240x128xf32, #tpu.memory_space<vmem_shared>>
        tpu.enqueue_indirect_dma source(%arg16 : memref<160x128xf32, #tpu.memory_space<vmem>>) target(%dma_start3A_128 : memref<10240x128xf32, #tpu.memory_space<vmem_shared>>) offsets(%arg14 : memref<160xi32, #tpu.memory_space<vmem>>) semaphore(%arg22 : memref<!tpu.dma_semaphore, #tpu.memory_space<semaphore_mem>>) {add = true}
      }
      %scan3A_45 = arith.constant 32 : i32
      %dma_wait3A_46 = arith.constant 0 : i32
      %dma_wait3A_47 = arith.constant 0 : i32
      %dma_wait3A_48 = tpu.memref_slice %arg8[%dma_wait3A_46, %dma_wait3A_47] : memref<10240x128xf32, #tpu.memory_space<vmem_shared>> -> memref<10240x128xf32, #tpu.memory_space<vmem_shared>>
      tpu.wait_indirect_dma semaphore(%arg22 : memref<!tpu.dma_semaphore, #tpu.memory_space<semaphore_mem>>) src(%arg16 : memref<160x128xf32, #tpu.memory_space<vmem>>) dst(%dma_wait3A_48 : memref<10240x128xf32, #tpu.memory_space<vmem_shared>>)
      %barrier3A_49 = arith.constant 0 : index
      tpu.barrier barrier_id(%barrier3A_49)
      %mul3A_50 = arith.constant 640 : i32
      %mul3A_51 = arith.muli %arg1, %mul3A_50 : i32
      %mul3A_52 = arith.constant 640 : i32
      %mul3A_53 = arith.muli %arg1, %mul3A_52 : i32
      "tpu.region"() ({
        %run_scoped3A = tpu.sem_alloc : memref<!tpu.dma_semaphore, #tpu.memory_space<semaphore_mem>>
        %dma_start3A_54 = arith.constant 0 : i32
        %dma_start3A_55 = tpu.memref_slice %arg7[%mul3A_53, %dma_start3A_54] : memref<10240x128xf32, #tpu.memory_space<hbm>> -> memref<640x128xf32, #tpu.memory_space<hbm>>
        %dma_start3A_56 = arith.constant 0 : i32
        %dma_start3A_57 = tpu.memref_slice %arg8[%mul3A_51, %dma_start3A_56] : memref<10240x128xf32, #tpu.memory_space<vmem_shared>> -> memref<640x128xf32, #tpu.memory_space<vmem_shared>>
        tpu.enqueue_dma source(%dma_start3A_57 : memref<640x128xf32, #tpu.memory_space<vmem_shared>>) target(%dma_start3A_55 : memref<640x128xf32, #tpu.memory_space<hbm>>) target_semaphore(%run_scoped3A : memref<!tpu.dma_semaphore, #tpu.memory_space<semaphore_mem>>)
        %dma_wait3A_58 = arith.constant 0 : i32
        %dma_wait3A_59 = tpu.memref_slice %arg7[%mul3A_53, %dma_wait3A_58] : memref<10240x128xf32, #tpu.memory_space<hbm>> -> memref<640x128xf32, #tpu.memory_space<hbm>>
        %dma_wait3A_60 = arith.constant 0 : i32
        %dma_wait3A_61 = tpu.memref_slice %arg8[%mul3A_51, %dma_wait3A_60] : memref<10240x128xf32, #tpu.memory_space<vmem_shared>> -> memref<640x128xf32, #tpu.memory_space<vmem_shared>>
        tpu.wait_dma2 semaphore(%run_scoped3A : memref<!tpu.dma_semaphore, #tpu.memory_space<semaphore_mem>>) src(%dma_wait3A_61 : memref<640x128xf32, #tpu.memory_space<vmem_shared>>) dst(%dma_wait3A_59 : memref<640x128xf32, #tpu.memory_space<hbm>>)
        tpu.yield
      }) : () -> ()
    } else {
    }
    return
  }
}

#map = affine_map<(d0, d1) -> (0)>
module attributes {stable_mosaic.version = 14 : i64} {
  func.func @deg_k(%arg0: i32, %arg1: i32, %arg2: memref<163840xi32, #tpu.memory_space<hbm>>, %arg3: memref<10240xf32, #tpu.memory_space<hbm>>, %arg4: memref<10240xf32, #tpu.memory_space<hbm>>, %arg5: memref<10240xf32, #tpu.memory_space<vmem_shared>>, %arg6: memref<10240xi32, #tpu.memory_space<vmem>>, %arg7: memref<10240xf32, #tpu.memory_space<vmem>>, %arg8: memref<640xf32, #tpu.memory_space<vmem>>) attributes {dimension_semantics = [#tpu.dimension_semantics<core_parallel>, #tpu.dimension_semantics<subcore_parallel>], iteration_bounds = array<i64: 2, 16>, scalar_prefetch = 0 : i64, scratch_operands = 4 : i64, tpu.core_type = #tpu.core_type<sc_vector_subcore>, window_params = [{transform_indices = #map}, {transform_indices = #map}, {transform_indices = #map}]} {
    %mul3A = arith.constant 10240 : i32
    %mul3A_0 = arith.muli %arg1, %mul3A : i32
    "tpu.region"() ({
      %run_scoped3A = tpu.sem_alloc : memref<!tpu.dma_semaphore, #tpu.memory_space<semaphore_mem>>
      %dma_start3A = tpu.memref_slice %arg2[%mul3A_0] : memref<163840xi32, #tpu.memory_space<hbm>> -> memref<10240xi32, #tpu.memory_space<hbm>>
      %dma_start3A_11 = tpu.memref_slice %arg2[%mul3A_0] : memref<163840xi32, #tpu.memory_space<hbm>> -> memref<10240xi32, #tpu.memory_space<hbm>>
      tpu.enqueue_dma source(%dma_start3A_11 : memref<10240xi32, #tpu.memory_space<hbm>>) target(%arg6 : memref<10240xi32, #tpu.memory_space<vmem>>) target_semaphore(%run_scoped3A : memref<!tpu.dma_semaphore, #tpu.memory_space<semaphore_mem>>)
      %dma_wait3A = tpu.memref_slice %arg2[%mul3A_0] : memref<163840xi32, #tpu.memory_space<hbm>> -> memref<10240xi32, #tpu.memory_space<hbm>>
      %dma_wait3A_12 = tpu.memref_slice %arg2[%mul3A_0] : memref<163840xi32, #tpu.memory_space<hbm>> -> memref<10240xi32, #tpu.memory_space<hbm>>
      tpu.wait_dma2 semaphore(%run_scoped3A : memref<!tpu.dma_semaphore, #tpu.memory_space<semaphore_mem>>) src(%dma_wait3A_12 : memref<10240xi32, #tpu.memory_space<hbm>>) dst(%arg6 : memref<10240xi32, #tpu.memory_space<vmem>>)
      tpu.yield
    }) : () -> ()
    "tpu.region"() ({
      %run_scoped3A = tpu.sem_alloc : memref<!tpu.dma_semaphore, #tpu.memory_space<semaphore_mem>>
      tpu.enqueue_dma source(%arg3 : memref<10240xf32, #tpu.memory_space<hbm>>) target(%arg7 : memref<10240xf32, #tpu.memory_space<vmem>>) target_semaphore(%run_scoped3A : memref<!tpu.dma_semaphore, #tpu.memory_space<semaphore_mem>>)
      tpu.wait_dma2 semaphore(%run_scoped3A : memref<!tpu.dma_semaphore, #tpu.memory_space<semaphore_mem>>) src(%arg3 : memref<10240xf32, #tpu.memory_space<hbm>>) dst(%arg7 : memref<10240xf32, #tpu.memory_space<vmem>>)
      tpu.yield
    }) : () -> ()
    %scan3A = arith.constant 0 : i32
    %scan3A_1 = arith.constant 0 : i32
    %scan3A_2 = arith.constant 40 : i32
    %scan3A_3 = arith.addi %scan3A_1, %scan3A_2 : i32
    %scan3A_4 = arith.constant 1 : i32
    scf.for %scan3A_11 = %scan3A_1 to %scan3A_3 step %scan3A_4  : i32 {
      %broadcast_in_dim3A = arith.constant 0.000000e+00 : f32
      %broadcast_in_dim3A_12 = vector.broadcast %broadcast_in_dim3A : f32 to vector<16xf32>
      %mul3A_13 = arith.constant 16 : i32
      %mul3A_14 = arith.muli %scan3A_11, %mul3A_13 : i32
      %swap3A = arith.index_cast %mul3A_14 : i32 to index
      %swap3A_15 = tpu.vector_load %arg8[%swap3A] {strides = array<i32>} : memref<640xf32, #tpu.memory_space<vmem>>, vector<16xf32>,
      %swap3A_16 = vector.shape_cast %swap3A_15 : vector<16xf32> to vector<16xf32>
      %swap3A_17 = vector.shape_cast %broadcast_in_dim3A_12 : vector<16xf32> to vector<16xf32>
      tpu.vector_store %arg8[%swap3A], %swap3A_17 {strides = array<i32>} : memref<640xf32, #tpu.memory_space<vmem>>, vector<16xf32>,
    }
    %scan3A_5 = arith.constant 40 : i32
    %mul3A_6 = arith.constant 640 : i32
    %mul3A_7 = arith.muli %arg1, %mul3A_6 : i32
    "tpu.region"() ({
      %run_scoped3A = tpu.sem_alloc : memref<!tpu.dma_semaphore, #tpu.memory_space<semaphore_mem>>
      %dma_start3A = tpu.memref_slice %arg5[%mul3A_7] : memref<10240xf32, #tpu.memory_space<vmem_shared>> -> memref<640xf32, #tpu.memory_space<vmem_shared>>
      %dma_start3A_11 = tpu.memref_slice %arg5[%mul3A_7] : memref<10240xf32, #tpu.memory_space<vmem_shared>> -> memref<640xf32, #tpu.memory_space<vmem_shared>>
      tpu.enqueue_dma source(%arg8 : memref<640xf32, #tpu.memory_space<vmem>>) target(%dma_start3A_11 : memref<640xf32, #tpu.memory_space<vmem_shared>>) target_semaphore(%run_scoped3A : memref<!tpu.dma_semaphore, #tpu.memory_space<semaphore_mem>>)
      %dma_wait3A = tpu.memref_slice %arg5[%mul3A_7] : memref<10240xf32, #tpu.memory_space<vmem_shared>> -> memref<640xf32, #tpu.memory_space<vmem_shared>>
      %dma_wait3A_12 = tpu.memref_slice %arg5[%mul3A_7] : memref<10240xf32, #tpu.memory_space<vmem_shared>> -> memref<640xf32, #tpu.memory_space<vmem_shared>>
      tpu.wait_dma2 semaphore(%run_scoped3A : memref<!tpu.dma_semaphore, #tpu.memory_space<semaphore_mem>>) src(%arg8 : memref<640xf32, #tpu.memory_space<vmem>>) dst(%dma_wait3A_12 : memref<640xf32, #tpu.memory_space<vmem_shared>>)
      tpu.yield
    }) : () -> ()
    %barrier3A = arith.constant 0 : index
    tpu.barrier barrier_id(%barrier3A)
    "tpu.region"() ({
      %run_scoped3A = tpu.sem_alloc : memref<!tpu.dma_semaphore, #tpu.memory_space<semaphore_mem>>
      %dma_start3A = arith.constant 0 : i32
      %dma_start3A_11 = tpu.memref_slice %arg5[%dma_start3A] : memref<10240xf32, #tpu.memory_space<vmem_shared>> -> memref<10240xf32, #tpu.memory_space<vmem_shared>>
      tpu.enqueue_indirect_dma source(%arg7 : memref<10240xf32, #tpu.memory_space<vmem>>) target(%dma_start3A_11 : memref<10240xf32, #tpu.memory_space<vmem_shared>>) offsets(%arg6 : memref<10240xi32, #tpu.memory_space<vmem>>) semaphore(%run_scoped3A : memref<!tpu.dma_semaphore, #tpu.memory_space<semaphore_mem>>) {add = true}
      %dma_wait3A = arith.constant 0 : i32
      %dma_wait3A_12 = tpu.memref_slice %arg5[%dma_wait3A] : memref<10240xf32, #tpu.memory_space<vmem_shared>> -> memref<10240xf32, #tpu.memory_space<vmem_shared>>
      tpu.wait_indirect_dma semaphore(%run_scoped3A : memref<!tpu.dma_semaphore, #tpu.memory_space<semaphore_mem>>) src(%arg7 : memref<10240xf32, #tpu.memory_space<vmem>>) dst(%dma_wait3A_12 : memref<10240xf32, #tpu.memory_space<vmem_shared>>)
      tpu.yield
    }) : () -> ()
    %barrier3A_8 = arith.constant 0 : index
    tpu.barrier barrier_id(%barrier3A_8)
    %eq3A = arith.constant 0 : i32
    %eq3A_9 = arith.cmpi eq, %arg0, %eq3A : i32
    %convert_element_type3A = arith.extui %eq3A_9 : i1 to i32
    %cond3A = arith.constant 0 : i32
    %cond3A_10 = arith.cmpi ne, %convert_element_type3A, %cond3A : i32
    scf.if %cond3A_10 {
      %mul3A_11 = arith.constant 640 : i32
      %mul3A_12 = arith.muli %arg1, %mul3A_11 : i32
      %mul3A_13 = arith.constant 640 : i32
      %mul3A_14 = arith.muli %arg1, %mul3A_13 : i32
      "tpu.region"() ({
        %run_scoped3A = tpu.sem_alloc : memref<!tpu.dma_semaphore, #tpu.memory_space<semaphore_mem>>
        %dma_start3A = tpu.memref_slice %arg4[%mul3A_14] : memref<10240xf32, #tpu.memory_space<hbm>> -> memref<640xf32, #tpu.memory_space<hbm>>
        %dma_start3A_15 = tpu.memref_slice %arg5[%mul3A_12] : memref<10240xf32, #tpu.memory_space<vmem_shared>> -> memref<640xf32, #tpu.memory_space<vmem_shared>>
        tpu.enqueue_dma source(%dma_start3A_15 : memref<640xf32, #tpu.memory_space<vmem_shared>>) target(%dma_start3A : memref<640xf32, #tpu.memory_space<hbm>>) target_semaphore(%run_scoped3A : memref<!tpu.dma_semaphore, #tpu.memory_space<semaphore_mem>>)
        %dma_wait3A = tpu.memref_slice %arg4[%mul3A_14] : memref<10240xf32, #tpu.memory_space<hbm>> -> memref<640xf32, #tpu.memory_space<hbm>>
        %dma_wait3A_16 = tpu.memref_slice %arg5[%mul3A_12] : memref<10240xf32, #tpu.memory_space<vmem_shared>> -> memref<640xf32, #tpu.memory_space<vmem_shared>>
        tpu.wait_dma2 semaphore(%run_scoped3A : memref<!tpu.dma_semaphore, #tpu.memory_space<semaphore_mem>>) src(%dma_wait3A_16 : memref<640xf32, #tpu.memory_space<vmem_shared>>) dst(%dma_wait3A : memref<640xf32, #tpu.memory_space<hbm>>)
        tpu.yield
      }) : () -> ()
    } else {
    }
    return
  }
}

#map = affine_map<(d0, d1) -> (0, 0)>
#map1 = affine_map<(d0, d1) -> (0)>
module attributes {stable_mosaic.version = 14 : i64} {
  func.func @agg_k(%arg0: i32, %arg1: i32, %arg2: memref<10240x128xf32, #tpu.memory_space<hbm>>, %arg3: memref<10240x128xf32, #tpu.memory_space<hbm>>, %arg4: memref<163840xi32, #tpu.memory_space<hbm>>, %arg5: memref<163840xi32, #tpu.memory_space<hbm>>, %arg6: memref<10240x128xf32, #tpu.memory_space<hbm>>, %arg7: memref<10240x128xf32, #tpu.memory_space<hbm>>, %arg8: memref<10240x128xf32, #tpu.memory_space<vmem_shared>>, %arg9: memref<80xi32, #tpu.memory_space<vmem>>, %arg10: memref<80xi32, #tpu.memory_space<vmem>>, %arg11: memref<80xi32, #tpu.memory_space<vmem>>, %arg12: memref<80xi32, #tpu.memory_space<vmem>>, %arg13: memref<160xi32, #tpu.memory_space<vmem>>, %arg14: memref<160xi32, #tpu.memory_space<vmem>>, %arg15: memref<160x128xf32, #tpu.memory_space<vmem>>, %arg16: memref<160x128xf32, #tpu.memory_space<vmem>>, %arg17: memref<!tpu.dma_semaphore, #tpu.memory_space<semaphore_mem>>, %arg18: memref<!tpu.dma_semaphore, #tpu.memory_space<semaphore_mem>>, %arg19: memref<!tpu.dma_semaphore, #tpu.memory_space<semaphore_mem>>, %arg20: memref<!tpu.dma_semaphore, #tpu.memory_space<semaphore_mem>>, %arg21: memref<!tpu.dma_semaphore, #tpu.memory_space<semaphore_mem>>, %arg22: memref<!tpu.dma_semaphore, #tpu.memory_space<semaphore_mem>>) attributes {dimension_semantics = [#tpu.dimension_semantics<core_parallel>, #tpu.dimension_semantics<subcore_parallel>], iteration_bounds = array<i64: 2, 16>, scalar_prefetch = 0 : i64, scratch_operands = 15 : i64, tpu.core_type = #tpu.core_type<sc_vector_subcore>, window_params = [{transform_indices = #map}, {transform_indices = #map}, {transform_indices = #map1}, {transform_indices = #map1}, {transform_indices = #map}, {transform_indices = #map}]} {
    %eq3A = arith.constant 0 : i32
    %eq3A_0 = arith.cmpi eq, %arg0, %eq3A : i32
    %convert_element_type3A = arith.extui %eq3A_0 : i1 to i32
    %cond3A = arith.constant 0 : i32
    %cond3A_1 = arith.cmpi ne, %convert_element_type3A, %cond3A : i32
    scf.if %cond3A_1 {
      %mul3A = arith.constant 640 : i32
      %mul3A_7 = arith.muli %arg1, %mul3A : i32
      %mul3A_8 = arith.constant 640 : i32
      %mul3A_9 = arith.muli %arg1, %mul3A_8 : i32
      "tpu.region"() ({
        %run_scoped3A = tpu.sem_alloc : memref<!tpu.dma_semaphore, #tpu.memory_space<semaphore_mem>>
        %dma_start3A_54 = arith.constant 0 : i32
        %dma_start3A_55 = tpu.memref_slice %arg8[%mul3A_9, %dma_start3A_54] : memref<10240x128xf32, #tpu.memory_space<vmem_shared>> -> memref<640x128xf32, #tpu.memory_space<vmem_shared>>
        %dma_start3A_56 = arith.constant 0 : i32
        %dma_start3A_57 = tpu.memref_slice %arg2[%mul3A_7, %dma_start3A_56] : memref<10240x128xf32, #tpu.memory_space<hbm>> -> memref<640x128xf32, #tpu.memory_space<hbm>>
        tpu.enqueue_dma source(%dma_start3A_57 : memref<640x128xf32, #tpu.memory_space<hbm>>) target(%dma_start3A_55 : memref<640x128xf32, #tpu.memory_space<vmem_shared>>) target_semaphore(%run_scoped3A : memref<!tpu.dma_semaphore, #tpu.memory_space<semaphore_mem>>)
        %dma_wait3A_58 = arith.constant 0 : i32
        %dma_wait3A_59 = tpu.memref_slice %arg8[%mul3A_9, %dma_wait3A_58] : memref<10240x128xf32, #tpu.memory_space<vmem_shared>> -> memref<640x128xf32, #tpu.memory_space<vmem_shared>>
        %dma_wait3A_60 = arith.constant 0 : i32
        %dma_wait3A_61 = tpu.memref_slice %arg2[%mul3A_7, %dma_wait3A_60] : memref<10240x128xf32, #tpu.memory_space<hbm>> -> memref<640x128xf32, #tpu.memory_space<hbm>>
        tpu.wait_dma2 semaphore(%run_scoped3A : memref<!tpu.dma_semaphore, #tpu.memory_space<semaphore_mem>>) src(%dma_wait3A_61 : memref<640x128xf32, #tpu.memory_space<hbm>>) dst(%dma_wait3A_59 : memref<640x128xf32, #tpu.memory_space<vmem_shared>>)
        tpu.yield
      }) : () -> ()
      %barrier3A = arith.constant 0 : index
      tpu.barrier barrier_id(%barrier3A)
      %mul3A_10 = arith.constant 10240 : i32
      %mul3A_11 = arith.muli %arg1, %mul3A_10 : i32
      %add3A = arith.constant 0 : i32
      %add3A_12 = arith.addi %mul3A_11, %add3A : i32
      %multiple_of3A = tpu.assume_multiple %add3A_12, 160 : i32
      %add3A_13 = arith.constant 0 : i32
      %add3A_14 = arith.addi %mul3A_11, %add3A_13 : i32
      %add3A_15 = arith.constant 80 : i32
      %add3A_16 = arith.addi %add3A_14, %add3A_15 : i32
      %multiple_of3A_17 = tpu.assume_multiple %add3A_16, 80 : i32
      %dma_start3A = tpu.memref_slice %arg4[%multiple_of3A] : memref<163840xi32, #tpu.memory_space<hbm>> -> memref<80xi32, #tpu.memory_space<hbm>>
      %dma_start3A_18 = tpu.memref_slice %arg4[%multiple_of3A] : memref<163840xi32, #tpu.memory_space<hbm>> -> memref<80xi32, #tpu.memory_space<hbm>>
      tpu.enqueue_dma source(%dma_start3A_18 : memref<80xi32, #tpu.memory_space<hbm>>) target(%arg9 : memref<80xi32, #tpu.memory_space<vmem>>) target_semaphore(%arg17 : memref<!tpu.dma_semaphore, #tpu.memory_space<semaphore_mem>>)
      %dma_start3A_19 = tpu.memref_slice %arg4[%multiple_of3A_17] : memref<163840xi32, #tpu.memory_space<hbm>> -> memref<80xi32, #tpu.memory_space<hbm>>
      %dma_start3A_20 = tpu.memref_slice %arg4[%multiple_of3A_17] : memref<163840xi32, #tpu.memory_space<hbm>> -> memref<80xi32, #tpu.memory_space<hbm>>
      tpu.enqueue_dma source(%dma_start3A_20 : memref<80xi32, #tpu.memory_space<hbm>>) target(%arg10 : memref<80xi32, #tpu.memory_space<vmem>>) target_semaphore(%arg17 : memref<!tpu.dma_semaphore, #tpu.memory_space<semaphore_mem>>)
      %dma_start3A_21 = tpu.memref_slice %arg5[%multiple_of3A] : memref<163840xi32, #tpu.memory_space<hbm>> -> memref<160xi32, #tpu.memory_space<hbm>>
      %dma_start3A_22 = tpu.memref_slice %arg5[%multiple_of3A] : memref<163840xi32, #tpu.memory_space<hbm>> -> memref<160xi32, #tpu.memory_space<hbm>>
      tpu.enqueue_dma source(%dma_start3A_22 : memref<160xi32, #tpu.memory_space<hbm>>) target(%arg13 : memref<160xi32, #tpu.memory_space<vmem>>) target_semaphore(%arg17 : memref<!tpu.dma_semaphore, #tpu.memory_space<semaphore_mem>>)
      %multiple_of3A_23 = tpu.assume_multiple %mul3A_11, 160 : i32
      %dma_wait3A = tpu.memref_slice %arg4[%multiple_of3A_23] : memref<163840xi32, #tpu.memory_space<hbm>> -> memref<80xi32, #tpu.memory_space<hbm>>
      %dma_wait3A_24 = tpu.memref_slice %arg4[%multiple_of3A_23] : memref<163840xi32, #tpu.memory_space<hbm>> -> memref<80xi32, #tpu.memory_space<hbm>>
      tpu.wait_dma2 semaphore(%arg17 : memref<!tpu.dma_semaphore, #tpu.memory_space<semaphore_mem>>) src(%dma_wait3A_24 : memref<80xi32, #tpu.memory_space<hbm>>) dst(%arg9 : memref<80xi32, #tpu.memory_space<vmem>>)
      %dma_wait3A_25 = tpu.memref_slice %arg4[%multiple_of3A_23] : memref<163840xi32, #tpu.memory_space<hbm>> -> memref<80xi32, #tpu.memory_space<hbm>>
      %dma_wait3A_26 = tpu.memref_slice %arg4[%multiple_of3A_23] : memref<163840xi32, #tpu.memory_space<hbm>> -> memref<80xi32, #tpu.memory_space<hbm>>
      tpu.wait_dma2 semaphore(%arg17 : memref<!tpu.dma_semaphore, #tpu.memory_space<semaphore_mem>>) src(%dma_wait3A_26 : memref<80xi32, #tpu.memory_space<hbm>>) dst(%arg10 : memref<80xi32, #tpu.memory_space<vmem>>)
      %dma_wait3A_27 = tpu.memref_slice %arg5[%multiple_of3A_23] : memref<163840xi32, #tpu.memory_space<hbm>> -> memref<160xi32, #tpu.memory_space<hbm>>
      %dma_wait3A_28 = tpu.memref_slice %arg5[%multiple_of3A_23] : memref<163840xi32, #tpu.memory_space<hbm>> -> memref<160xi32, #tpu.memory_space<hbm>>
      tpu.wait_dma2 semaphore(%arg17 : memref<!tpu.dma_semaphore, #tpu.memory_space<semaphore_mem>>) src(%dma_wait3A_28 : memref<160xi32, #tpu.memory_space<hbm>>) dst(%arg13 : memref<160xi32, #tpu.memory_space<vmem>>)
      %dma_start3A_29 = arith.constant 0 : i32
      %dma_start3A_30 = arith.constant 0 : i32
      %dma_start3A_31 = tpu.memref_slice %arg15[%dma_start3A_29, %dma_start3A_30] : memref<160x128xf32, #tpu.memory_space<vmem>> -> memref<80x128xf32, #tpu.memory_space<vmem>>
      %dma_start3A_32 = arith.constant 0 : i32
      %dma_start3A_33 = arith.constant 0 : i32
      %dma_start3A_34 = tpu.memref_slice %arg2[%dma_start3A_32, %dma_start3A_33] : memref<10240x128xf32, #tpu.memory_space<hbm>> -> memref<10240x128xf32, #tpu.memory_space<hbm>>
      tpu.enqueue_indirect_dma source(%dma_start3A_34 : memref<10240x128xf32, #tpu.memory_space<hbm>>) target(%dma_start3A_31 : memref<80x128xf32, #tpu.memory_space<vmem>>) offsets(%arg9 : memref<80xi32, #tpu.memory_space<vmem>>) semaphore(%arg19 : memref<!tpu.dma_semaphore, #tpu.memory_space<semaphore_mem>>)
      %dma_start3A_35 = arith.constant 80 : i32
      %dma_start3A_36 = arith.constant 0 : i32
      %dma_start3A_37 = tpu.memref_slice %arg15[%dma_start3A_35, %dma_start3A_36] : memref<160x128xf32, #tpu.memory_space<vmem>> -> memref<80x128xf32, #tpu.memory_space<vmem>>
      %dma_start3A_38 = arith.constant 0 : i32
      %dma_start3A_39 = arith.constant 0 : i32
      %dma_start3A_40 = tpu.memref_slice %arg2[%dma_start3A_38, %dma_start3A_39] : memref<10240x128xf32, #tpu.memory_space<hbm>> -> memref<10240x128xf32, #tpu.memory_space<hbm>>
      tpu.enqueue_indirect_dma source(%dma_start3A_40 : memref<10240x128xf32, #tpu.memory_space<hbm>>) target(%dma_start3A_37 : memref<80x128xf32, #tpu.memory_space<vmem>>) offsets(%arg10 : memref<80xi32, #tpu.memory_space<vmem>>) semaphore(%arg19 : memref<!tpu.dma_semaphore, #tpu.memory_space<semaphore_mem>>)
      %scan3A = arith.constant 0 : i32
      %scan3A_41 = arith.constant 0 : i32
      %scan3A_42 = arith.constant 32 : i32
      %scan3A_43 = arith.addi %scan3A_41, %scan3A_42 : i32
      %scan3A_44 = arith.constant 1 : i32
      scf.for %scan3A_54 = %scan3A_41 to %scan3A_43 step %scan3A_44  : i32 {
        %mul3A_55 = arith.constant 2 : i32
        %mul3A_56 = arith.muli %mul3A_55, %scan3A_54 : i32
        %add3A_57 = arith.constant 0 : i32
        %add3A_58 = arith.addi %mul3A_56, %add3A_57 : i32
        %ge3A = arith.constant 1 : i32
        %ge3A_59 = arith.cmpi sge, %add3A_58, %ge3A : i32
        %convert_element_type3A_60 = arith.extui %ge3A_59 : i1 to i32
        %cond3A_61 = arith.constant 0 : i32
        %cond3A_62 = arith.cmpi ne, %convert_element_type3A_60, %cond3A_61 : i32
        scf.if %cond3A_62 {
          %dma_wait3A_129 = arith.constant 0 : i32
          %dma_wait3A_130 = arith.constant 0 : i32
          %dma_wait3A_131 = tpu.memref_slice %arg8[%dma_wait3A_129, %dma_wait3A_130] : memref<10240x128xf32, #tpu.memory_space<vmem_shared>> -> memref<10240x128xf32, #tpu.memory_space<vmem_shared>>
          tpu.wait_indirect_dma semaphore(%arg22 : memref<!tpu.dma_semaphore, #tpu.memory_space<semaphore_mem>>) src(%arg16 : memref<160x128xf32, #tpu.memory_space<vmem>>) dst(%dma_wait3A_131 : memref<10240x128xf32, #tpu.memory_space<vmem_shared>>)
        } else {
        }
        %add3A_63 = arith.constant 1 : i32
        %add3A_64 = arith.addi %add3A_58, %add3A_63 : i32
        %lt3A = arith.constant 64 : i32
        %lt3A_65 = arith.cmpi slt, %add3A_64, %lt3A : i32
        %convert_element_type3A_66 = arith.extui %lt3A_65 : i1 to i32
        %cond3A_67 = arith.constant 0 : i32
        %cond3A_68 = arith.cmpi ne, %convert_element_type3A_66, %cond3A_67 : i32
        scf.if %cond3A_68 {
          %add3A_129 = arith.constant 1 : i32
          %add3A_130 = arith.addi %add3A_58, %add3A_129 : i32
          %mul3A_131 = arith.constant 160 : i32
          %mul3A_132 = arith.muli %add3A_130, %mul3A_131 : i32
          %add3A_133 = arith.addi %mul3A_11, %mul3A_132 : i32
          %multiple_of3A_134 = tpu.assume_multiple %add3A_133, 160 : i32
          %mul3A_135 = arith.constant 160 : i32
          %mul3A_136 = arith.muli %add3A_130, %mul3A_135 : i32
          %add3A_137 = arith.addi %mul3A_11, %mul3A_136 : i32
          %add3A_138 = arith.constant 80 : i32
          %add3A_139 = arith.addi %add3A_137, %add3A_138 : i32
          %multiple_of3A_140 = tpu.assume_multiple %add3A_139, 80 : i32
          %dma_start3A_141 = tpu.memref_slice %arg4[%multiple_of3A_134] : memref<163840xi32, #tpu.memory_space<hbm>> -> memref<80xi32, #tpu.memory_space<hbm>>
          %dma_start3A_142 = tpu.memref_slice %arg4[%multiple_of3A_134] : memref<163840xi32, #tpu.memory_space<hbm>> -> memref<80xi32, #tpu.memory_space<hbm>>
          tpu.enqueue_dma source(%dma_start3A_142 : memref<80xi32, #tpu.memory_space<hbm>>) target(%arg11 : memref<80xi32, #tpu.memory_space<vmem>>) target_semaphore(%arg18 : memref<!tpu.dma_semaphore, #tpu.memory_space<semaphore_mem>>)
          %dma_start3A_143 = tpu.memref_slice %arg4[%multiple_of3A_140] : memref<163840xi32, #tpu.memory_space<hbm>> -> memref<80xi32, #tpu.memory_space<hbm>>
          %dma_start3A_144 = tpu.memref_slice %arg4[%multiple_of3A_140] : memref<163840xi32, #tpu.memory_space<hbm>> -> memref<80xi32, #tpu.memory_space<hbm>>
          tpu.enqueue_dma source(%dma_start3A_144 : memref<80xi32, #tpu.memory_space<hbm>>) target(%arg12 : memref<80xi32, #tpu.memory_space<vmem>>) target_semaphore(%arg18 : memref<!tpu.dma_semaphore, #tpu.memory_space<semaphore_mem>>)
          %dma_start3A_145 = tpu.memref_slice %arg5[%multiple_of3A_134] : memref<163840xi32, #tpu.memory_space<hbm>> -> memref<160xi32, #tpu.memory_space<hbm>>
          %dma_start3A_146 = tpu.memref_slice %arg5[%multiple_of3A_134] : memref<163840xi32, #tpu.memory_space<hbm>> -> memref<160xi32, #tpu.memory_space<hbm>>
          tpu.enqueue_dma source(%dma_start3A_146 : memref<160xi32, #tpu.memory_space<hbm>>) target(%arg14 : memref<160xi32, #tpu.memory_space<vmem>>) target_semaphore(%arg18 : memref<!tpu.dma_semaphore, #tpu.memory_space<semaphore_mem>>)
        } else {
        }
        %dma_wait3A_69 = arith.constant 0 : i32
        %dma_wait3A_70 = arith.constant 0 : i32
        %dma_wait3A_71 = tpu.memref_slice %arg15[%dma_wait3A_69, %dma_wait3A_70] : memref<160x128xf32, #tpu.memory_space<vmem>> -> memref<80x128xf32, #tpu.memory_space<vmem>>
        %dma_wait3A_72 = arith.constant 0 : i32
        %dma_wait3A_73 = arith.constant 0 : i32
        %dma_wait3A_74 = tpu.memref_slice %arg2[%dma_wait3A_72, %dma_wait3A_73] : memref<10240x128xf32, #tpu.memory_space<hbm>> -> memref<10240x128xf32, #tpu.memory_space<hbm>>
        tpu.wait_indirect_dma semaphore(%arg19 : memref<!tpu.dma_semaphore, #tpu.memory_space<semaphore_mem>>) src(%dma_wait3A_74 : memref<10240x128xf32, #tpu.memory_space<hbm>>) dst(%dma_wait3A_71 : memref<80x128xf32, #tpu.memory_space<vmem>>)
        %dma_wait3A_75 = arith.constant 80 : i32
        %dma_wait3A_76 = arith.constant 0 : i32
        %dma_wait3A_77 = tpu.memref_slice %arg15[%dma_wait3A_75, %dma_wait3A_76] : memref<160x128xf32, #tpu.memory_space<vmem>> -> memref<80x128xf32, #tpu.memory_space<vmem>>
        %dma_wait3A_78 = arith.constant 0 : i32
        %dma_wait3A_79 = arith.constant 0 : i32
        %dma_wait3A_80 = tpu.memref_slice %arg2[%dma_wait3A_78, %dma_wait3A_79] : memref<10240x128xf32, #tpu.memory_space<hbm>> -> memref<10240x128xf32, #tpu.memory_space<hbm>>
        tpu.wait_indirect_dma semaphore(%arg19 : memref<!tpu.dma_semaphore, #tpu.memory_space<semaphore_mem>>) src(%dma_wait3A_80 : memref<10240x128xf32, #tpu.memory_space<hbm>>) dst(%dma_wait3A_77 : memref<80x128xf32, #tpu.memory_space<vmem>>)
        %add3A_81 = arith.constant 1 : i32
        %add3A_82 = arith.addi %add3A_58, %add3A_81 : i32
        %lt3A_83 = arith.constant 64 : i32
        %lt3A_84 = arith.cmpi slt, %add3A_82, %lt3A_83 : i32
        %convert_element_type3A_85 = arith.extui %lt3A_84 : i1 to i32
        %cond3A_86 = arith.constant 0 : i32
        %cond3A_87 = arith.cmpi ne, %convert_element_type3A_85, %cond3A_86 : i32
        scf.if %cond3A_87 {
          %multiple_of3A_129 = tpu.assume_multiple %mul3A_11, 160 : i32
          %dma_wait3A_130 = tpu.memref_slice %arg4[%multiple_of3A_129] : memref<163840xi32, #tpu.memory_space<hbm>> -> memref<80xi32, #tpu.memory_space<hbm>>
          %dma_wait3A_131 = tpu.memref_slice %arg4[%multiple_of3A_129] : memref<163840xi32, #tpu.memory_space<hbm>> -> memref<80xi32, #tpu.memory_space<hbm>>
          tpu.wait_dma2 semaphore(%arg18 : memref<!tpu.dma_semaphore, #tpu.memory_space<semaphore_mem>>) src(%dma_wait3A_131 : memref<80xi32, #tpu.memory_space<hbm>>) dst(%arg11 : memref<80xi32, #tpu.memory_space<vmem>>)
          %dma_wait3A_132 = tpu.memref_slice %arg4[%multiple_of3A_129] : memref<163840xi32, #tpu.memory_space<hbm>> -> memref<80xi32, #tpu.memory_space<hbm>>
          %dma_wait3A_133 = tpu.memref_slice %arg4[%multiple_of3A_129] : memref<163840xi32, #tpu.memory_space<hbm>> -> memref<80xi32, #tpu.memory_space<hbm>>
          tpu.wait_dma2 semaphore(%arg18 : memref<!tpu.dma_semaphore, #tpu.memory_space<semaphore_mem>>) src(%dma_wait3A_133 : memref<80xi32, #tpu.memory_space<hbm>>) dst(%arg12 : memref<80xi32, #tpu.memory_space<vmem>>)
          %dma_wait3A_134 = tpu.memref_slice %arg5[%multiple_of3A_129] : memref<163840xi32, #tpu.memory_space<hbm>> -> memref<160xi32, #tpu.memory_space<hbm>>
          %dma_wait3A_135 = tpu.memref_slice %arg5[%multiple_of3A_129] : memref<163840xi32, #tpu.memory_space<hbm>> -> memref<160xi32, #tpu.memory_space<hbm>>
          tpu.wait_dma2 semaphore(%arg18 : memref<!tpu.dma_semaphore, #tpu.memory_space<semaphore_mem>>) src(%dma_wait3A_135 : memref<160xi32, #tpu.memory_space<hbm>>) dst(%arg14 : memref<160xi32, #tpu.memory_space<vmem>>)
          %dma_start3A_136 = arith.constant 0 : i32
          %dma_start3A_137 = arith.constant 0 : i32
          %dma_start3A_138 = tpu.memref_slice %arg16[%dma_start3A_136, %dma_start3A_137] : memref<160x128xf32, #tpu.memory_space<vmem>> -> memref<80x128xf32, #tpu.memory_space<vmem>>
          %dma_start3A_139 = arith.constant 0 : i32
          %dma_start3A_140 = arith.constant 0 : i32
          %dma_start3A_141 = tpu.memref_slice %arg2[%dma_start3A_139, %dma_start3A_140] : memref<10240x128xf32, #tpu.memory_space<hbm>> -> memref<10240x128xf32, #tpu.memory_space<hbm>>
          tpu.enqueue_indirect_dma source(%dma_start3A_141 : memref<10240x128xf32, #tpu.memory_space<hbm>>) target(%dma_start3A_138 : memref<80x128xf32, #tpu.memory_space<vmem>>) offsets(%arg11 : memref<80xi32, #tpu.memory_space<vmem>>) semaphore(%arg20 : memref<!tpu.dma_semaphore, #tpu.memory_space<semaphore_mem>>)
          %dma_start3A_142 = arith.constant 80 : i32
          %dma_start3A_143 = arith.constant 0 : i32
          %dma_start3A_144 = tpu.memref_slice %arg16[%dma_start3A_142, %dma_start3A_143] : memref<160x128xf32, #tpu.memory_space<vmem>> -> memref<80x128xf32, #tpu.memory_space<vmem>>
          %dma_start3A_145 = arith.constant 0 : i32
          %dma_start3A_146 = arith.constant 0 : i32
          %dma_start3A_147 = tpu.memref_slice %arg2[%dma_start3A_145, %dma_start3A_146] : memref<10240x128xf32, #tpu.memory_space<hbm>> -> memref<10240x128xf32, #tpu.memory_space<hbm>>
          tpu.enqueue_indirect_dma source(%dma_start3A_147 : memref<10240x128xf32, #tpu.memory_space<hbm>>) target(%dma_start3A_144 : memref<80x128xf32, #tpu.memory_space<vmem>>) offsets(%arg12 : memref<80xi32, #tpu.memory_space<vmem>>) semaphore(%arg20 : memref<!tpu.dma_semaphore, #tpu.memory_space<semaphore_mem>>)
        } else {
        }
        %dma_start3A_88 = arith.constant 0 : i32
        %dma_start3A_89 = arith.constant 0 : i32
        %dma_start3A_90 = tpu.memref_slice %arg8[%dma_start3A_88, %dma_start3A_89] : memref<10240x128xf32, #tpu.memory_space<vmem_shared>> -> memref<10240x128xf32, #tpu.memory_space<vmem_shared>>
        tpu.enqueue_indirect_dma source(%arg15 : memref<160x128xf32, #tpu.memory_space<vmem>>) target(%dma_start3A_90 : memref<10240x128xf32, #tpu.memory_space<vmem_shared>>) offsets(%arg13 : memref<160xi32, #tpu.memory_space<vmem>>) semaphore(%arg21 : memref<!tpu.dma_semaphore, #tpu.memory_space<semaphore_mem>>) {add = true}
        %mul3A_91 = arith.constant 2 : i32
        %mul3A_92 = arith.muli %mul3A_91, %scan3A_54 : i32
        %add3A_93 = arith.constant 1 : i32
        %add3A_94 = arith.addi %mul3A_92, %add3A_93 : i32
        %ge3A_95 = arith.constant 1 : i32
        %ge3A_96 = arith.cmpi sge, %add3A_94, %ge3A_95 : i32
        %convert_element_type3A_97 = arith.extui %ge3A_96 : i1 to i32
        %cond3A_98 = arith.constant 0 : i32
        %cond3A_99 = arith.cmpi ne, %convert_element_type3A_97, %cond3A_98 : i32
        scf.if %cond3A_99 {
          %dma_wait3A_129 = arith.constant 0 : i32
          %dma_wait3A_130 = arith.constant 0 : i32
          %dma_wait3A_131 = tpu.memref_slice %arg8[%dma_wait3A_129, %dma_wait3A_130] : memref<10240x128xf32, #tpu.memory_space<vmem_shared>> -> memref<10240x128xf32, #tpu.memory_space<vmem_shared>>
          tpu.wait_indirect_dma semaphore(%arg21 : memref<!tpu.dma_semaphore, #tpu.memory_space<semaphore_mem>>) src(%arg15 : memref<160x128xf32, #tpu.memory_space<vmem>>) dst(%dma_wait3A_131 : memref<10240x128xf32, #tpu.memory_space<vmem_shared>>)
        } else {
        }
        %add3A_100 = arith.constant 1 : i32
        %add3A_101 = arith.addi %add3A_94, %add3A_100 : i32
        %lt3A_102 = arith.constant 64 : i32
        %lt3A_103 = arith.cmpi slt, %add3A_101, %lt3A_102 : i32
        %convert_element_type3A_104 = arith.extui %lt3A_103 : i1 to i32
        %cond3A_105 = arith.constant 0 : i32
        %cond3A_106 = arith.cmpi ne, %convert_element_type3A_104, %cond3A_105 : i32
        scf.if %cond3A_106 {
          %add3A_129 = arith.constant 1 : i32
          %add3A_130 = arith.addi %add3A_94, %add3A_129 : i32
          %mul3A_131 = arith.constant 160 : i32
          %mul3A_132 = arith.muli %add3A_130, %mul3A_131 : i32
          %add3A_133 = arith.addi %mul3A_11, %mul3A_132 : i32
          %multiple_of3A_134 = tpu.assume_multiple %add3A_133, 160 : i32
          %mul3A_135 = arith.constant 160 : i32
          %mul3A_136 = arith.muli %add3A_130, %mul3A_135 : i32
          %add3A_137 = arith.addi %mul3A_11, %mul3A_136 : i32
          %add3A_138 = arith.constant 80 : i32
          %add3A_139 = arith.addi %add3A_137, %add3A_138 : i32
          %multiple_of3A_140 = tpu.assume_multiple %add3A_139, 80 : i32
          %dma_start3A_141 = tpu.memref_slice %arg4[%multiple_of3A_134] : memref<163840xi32, #tpu.memory_space<hbm>> -> memref<80xi32, #tpu.memory_space<hbm>>
          %dma_start3A_142 = tpu.memref_slice %arg4[%multiple_of3A_134] : memref<163840xi32, #tpu.memory_space<hbm>> -> memref<80xi32, #tpu.memory_space<hbm>>
          tpu.enqueue_dma source(%dma_start3A_142 : memref<80xi32, #tpu.memory_space<hbm>>) target(%arg9 : memref<80xi32, #tpu.memory_space<vmem>>) target_semaphore(%arg17 : memref<!tpu.dma_semaphore, #tpu.memory_space<semaphore_mem>>)
          %dma_start3A_143 = tpu.memref_slice %arg4[%multiple_of3A_140] : memref<163840xi32, #tpu.memory_space<hbm>> -> memref<80xi32, #tpu.memory_space<hbm>>
          %dma_start3A_144 = tpu.memref_slice %arg4[%multiple_of3A_140] : memref<163840xi32, #tpu.memory_space<hbm>> -> memref<80xi32, #tpu.memory_space<hbm>>
          tpu.enqueue_dma source(%dma_start3A_144 : memref<80xi32, #tpu.memory_space<hbm>>) target(%arg10 : memref<80xi32, #tpu.memory_space<vmem>>) target_semaphore(%arg17 : memref<!tpu.dma_semaphore, #tpu.memory_space<semaphore_mem>>)
          %dma_start3A_145 = tpu.memref_slice %arg5[%multiple_of3A_134] : memref<163840xi32, #tpu.memory_space<hbm>> -> memref<160xi32, #tpu.memory_space<hbm>>
          %dma_start3A_146 = tpu.memref_slice %arg5[%multiple_of3A_134] : memref<163840xi32, #tpu.memory_space<hbm>> -> memref<160xi32, #tpu.memory_space<hbm>>
          tpu.enqueue_dma source(%dma_start3A_146 : memref<160xi32, #tpu.memory_space<hbm>>) target(%arg13 : memref<160xi32, #tpu.memory_space<vmem>>) target_semaphore(%arg17 : memref<!tpu.dma_semaphore, #tpu.memory_space<semaphore_mem>>)
        } else {
        }
        %dma_wait3A_107 = arith.constant 0 : i32
        %dma_wait3A_108 = arith.constant 0 : i32
        %dma_wait3A_109 = tpu.memref_slice %arg16[%dma_wait3A_107, %dma_wait3A_108] : memref<160x128xf32, #tpu.memory_space<vmem>> -> memref<80x128xf32, #tpu.memory_space<vmem>>
        %dma_wait3A_110 = arith.constant 0 : i32
        %dma_wait3A_111 = arith.constant 0 : i32
        %dma_wait3A_112 = tpu.memref_slice %arg2[%dma_wait3A_110, %dma_wait3A_111] : memref<10240x128xf32, #tpu.memory_space<hbm>> -> memref<10240x128xf32, #tpu.memory_space<hbm>>
        tpu.wait_indirect_dma semaphore(%arg20 : memref<!tpu.dma_semaphore, #tpu.memory_space<semaphore_mem>>) src(%dma_wait3A_112 : memref<10240x128xf32, #tpu.memory_space<hbm>>) dst(%dma_wait3A_109 : memref<80x128xf32, #tpu.memory_space<vmem>>)
        %dma_wait3A_113 = arith.constant 80 : i32
        %dma_wait3A_114 = arith.constant 0 : i32
        %dma_wait3A_115 = tpu.memref_slice %arg16[%dma_wait3A_113, %dma_wait3A_114] : memref<160x128xf32, #tpu.memory_space<vmem>> -> memref<80x128xf32, #tpu.memory_space<vmem>>
        %dma_wait3A_116 = arith.constant 0 : i32
        %dma_wait3A_117 = arith.constant 0 : i32
        %dma_wait3A_118 = tpu.memref_slice %arg2[%dma_wait3A_116, %dma_wait3A_117] : memref<10240x128xf32, #tpu.memory_space<hbm>> -> memref<10240x128xf32, #tpu.memory_space<hbm>>
        tpu.wait_indirect_dma semaphore(%arg20 : memref<!tpu.dma_semaphore, #tpu.memory_space<semaphore_mem>>) src(%dma_wait3A_118 : memref<10240x128xf32, #tpu.memory_space<hbm>>) dst(%dma_wait3A_115 : memref<80x128xf32, #tpu.memory_space<vmem>>)
        %add3A_119 = arith.constant 1 : i32
        %add3A_120 = arith.addi %add3A_94, %add3A_119 : i32
        %lt3A_121 = arith.constant 64 : i32
        %lt3A_122 = arith.cmpi slt, %add3A_120, %lt3A_121 : i32
        %convert_element_type3A_123 = arith.extui %lt3A_122 : i1 to i32
        %cond3A_124 = arith.constant 0 : i32
        %cond3A_125 = arith.cmpi ne, %convert_element_type3A_123, %cond3A_124 : i32
        scf.if %cond3A_125 {
          %multiple_of3A_129 = tpu.assume_multiple %mul3A_11, 160 : i32
          %dma_wait3A_130 = tpu.memref_slice %arg4[%multiple_of3A_129] : memref<163840xi32, #tpu.memory_space<hbm>> -> memref<80xi32, #tpu.memory_space<hbm>>
          %dma_wait3A_131 = tpu.memref_slice %arg4[%multiple_of3A_129] : memref<163840xi32, #tpu.memory_space<hbm>> -> memref<80xi32, #tpu.memory_space<hbm>>
          tpu.wait_dma2 semaphore(%arg17 : memref<!tpu.dma_semaphore, #tpu.memory_space<semaphore_mem>>) src(%dma_wait3A_131 : memref<80xi32, #tpu.memory_space<hbm>>) dst(%arg9 : memref<80xi32, #tpu.memory_space<vmem>>)
          %dma_wait3A_132 = tpu.memref_slice %arg4[%multiple_of3A_129] : memref<163840xi32, #tpu.memory_space<hbm>> -> memref<80xi32, #tpu.memory_space<hbm>>
          %dma_wait3A_133 = tpu.memref_slice %arg4[%multiple_of3A_129] : memref<163840xi32, #tpu.memory_space<hbm>> -> memref<80xi32, #tpu.memory_space<hbm>>
          tpu.wait_dma2 semaphore(%arg17 : memref<!tpu.dma_semaphore, #tpu.memory_space<semaphore_mem>>) src(%dma_wait3A_133 : memref<80xi32, #tpu.memory_space<hbm>>) dst(%arg10 : memref<80xi32, #tpu.memory_space<vmem>>)
          %dma_wait3A_134 = tpu.memref_slice %arg5[%multiple_of3A_129] : memref<163840xi32, #tpu.memory_space<hbm>> -> memref<160xi32, #tpu.memory_space<hbm>>
          %dma_wait3A_135 = tpu.memref_slice %arg5[%multiple_of3A_129] : memref<163840xi32, #tpu.memory_space<hbm>> -> memref<160xi32, #tpu.memory_space<hbm>>
          tpu.wait_dma2 semaphore(%arg17 : memref<!tpu.dma_semaphore, #tpu.memory_space<semaphore_mem>>) src(%dma_wait3A_135 : memref<160xi32, #tpu.memory_space<hbm>>) dst(%arg13 : memref<160xi32, #tpu.memory_space<vmem>>)
          %dma_start3A_136 = arith.constant 0 : i32
          %dma_start3A_137 = arith.constant 0 : i32
          %dma_start3A_138 = tpu.memref_slice %arg15[%dma_start3A_136, %dma_start3A_137] : memref<160x128xf32, #tpu.memory_space<vmem>> -> memref<80x128xf32, #tpu.memory_space<vmem>>
          %dma_start3A_139 = arith.constant 0 : i32
          %dma_start3A_140 = arith.constant 0 : i32
          %dma_start3A_141 = tpu.memref_slice %arg2[%dma_start3A_139, %dma_start3A_140] : memref<10240x128xf32, #tpu.memory_space<hbm>> -> memref<10240x128xf32, #tpu.memory_space<hbm>>
          tpu.enqueue_indirect_dma source(%dma_start3A_141 : memref<10240x128xf32, #tpu.memory_space<hbm>>) target(%dma_start3A_138 : memref<80x128xf32, #tpu.memory_space<vmem>>) offsets(%arg9 : memref<80xi32, #tpu.memory_space<vmem>>) semaphore(%arg19 : memref<!tpu.dma_semaphore, #tpu.memory_space<semaphore_mem>>)
          %dma_start3A_142 = arith.constant 80 : i32
          %dma_start3A_143 = arith.constant 0 : i32
          %dma_start3A_144 = tpu.memref_slice %arg15[%dma_start3A_142, %dma_start3A_143] : memref<160x128xf32, #tpu.memory_space<vmem>> -> memref<80x128xf32, #tpu.memory_space<vmem>>
          %dma_start3A_145 = arith.constant 0 : i32
          %dma_start3A_146 = arith.constant 0 : i32
          %dma_start3A_147 = tpu.memref_slice %arg2[%dma_start3A_145, %dma_start3A_146] : memref<10240x128xf32, #tpu.memory_space<hbm>> -> memref<10240x128xf32, #tpu.memory_space<hbm>>
          tpu.enqueue_indirect_dma source(%dma_start3A_147 : memref<10240x128xf32, #tpu.memory_space<hbm>>) target(%dma_start3A_144 : memref<80x128xf32, #tpu.memory_space<vmem>>) offsets(%arg10 : memref<80xi32, #tpu.memory_space<vmem>>) semaphore(%arg19 : memref<!tpu.dma_semaphore, #tpu.memory_space<semaphore_mem>>)
        } else {
        }
        %dma_start3A_126 = arith.constant 0 : i32
        %dma_start3A_127 = arith.constant 0 : i32
        %dma_start3A_128 = tpu.memref_slice %arg8[%dma_start3A_126, %dma_start3A_127] : memref<10240x128xf32, #tpu.memory_space<vmem_shared>> -> memref<10240x128xf32, #tpu.memory_space<vmem_shared>>
        tpu.enqueue_indirect_dma source(%arg16 : memref<160x128xf32, #tpu.memory_space<vmem>>) target(%dma_start3A_128 : memref<10240x128xf32, #tpu.memory_space<vmem_shared>>) offsets(%arg14 : memref<160xi32, #tpu.memory_space<vmem>>) semaphore(%arg22 : memref<!tpu.dma_semaphore, #tpu.memory_space<semaphore_mem>>) {add = true}
      }
      %scan3A_45 = arith.constant 32 : i32
      %dma_wait3A_46 = arith.constant 0 : i32
      %dma_wait3A_47 = arith.constant 0 : i32
      %dma_wait3A_48 = tpu.memref_slice %arg8[%dma_wait3A_46, %dma_wait3A_47] : memref<10240x128xf32, #tpu.memory_space<vmem_shared>> -> memref<10240x128xf32, #tpu.memory_space<vmem_shared>>
      tpu.wait_indirect_dma semaphore(%arg22 : memref<!tpu.dma_semaphore, #tpu.memory_space<semaphore_mem>>) src(%arg16 : memref<160x128xf32, #tpu.memory_space<vmem>>) dst(%dma_wait3A_48 : memref<10240x128xf32, #tpu.memory_space<vmem_shared>>)
      %barrier3A_49 = arith.constant 0 : index
      tpu.barrier barrier_id(%barrier3A_49)
      %mul3A_50 = arith.constant 640 : i32
      %mul3A_51 = arith.muli %arg1, %mul3A_50 : i32
      %mul3A_52 = arith.constant 640 : i32
      %mul3A_53 = arith.muli %arg1, %mul3A_52 : i32
      "tpu.region"() ({
        %run_scoped3A = tpu.sem_alloc : memref<!tpu.dma_semaphore, #tpu.memory_space<semaphore_mem>>
        %dma_start3A_54 = arith.constant 0 : i32
        %dma_start3A_55 = tpu.memref_slice %arg6[%mul3A_53, %dma_start3A_54] : memref<10240x128xf32, #tpu.memory_space<hbm>> -> memref<640x128xf32, #tpu.memory_space<hbm>>
        %dma_start3A_56 = arith.constant 0 : i32
        %dma_start3A_57 = tpu.memref_slice %arg8[%mul3A_51, %dma_start3A_56] : memref<10240x128xf32, #tpu.memory_space<vmem_shared>> -> memref<640x128xf32, #tpu.memory_space<vmem_shared>>
        tpu.enqueue_dma source(%dma_start3A_57 : memref<640x128xf32, #tpu.memory_space<vmem_shared>>) target(%dma_start3A_55 : memref<640x128xf32, #tpu.memory_space<hbm>>) target_semaphore(%run_scoped3A : memref<!tpu.dma_semaphore, #tpu.memory_space<semaphore_mem>>)
        %dma_wait3A_58 = arith.constant 0 : i32
        %dma_wait3A_59 = tpu.memref_slice %arg6[%mul3A_53, %dma_wait3A_58] : memref<10240x128xf32, #tpu.memory_space<hbm>> -> memref<640x128xf32, #tpu.memory_space<hbm>>
        %dma_wait3A_60 = arith.constant 0 : i32
        %dma_wait3A_61 = tpu.memref_slice %arg8[%mul3A_51, %dma_wait3A_60] : memref<10240x128xf32, #tpu.memory_space<vmem_shared>> -> memref<640x128xf32, #tpu.memory_space<vmem_shared>>
        tpu.wait_dma2 semaphore(%run_scoped3A : memref<!tpu.dma_semaphore, #tpu.memory_space<semaphore_mem>>) src(%dma_wait3A_61 : memref<640x128xf32, #tpu.memory_space<vmem_shared>>) dst(%dma_wait3A_59 : memref<640x128xf32, #tpu.memory_space<hbm>>)
        tpu.yield
      }) : () -> ()
    } else {
    }
    %eq3A_2 = arith.constant 1 : i32
    %eq3A_3 = arith.cmpi eq, %arg0, %eq3A_2 : i32
    %convert_element_type3A_4 = arith.extui %eq3A_3 : i1 to i32
    %cond3A_5 = arith.constant 0 : i32
    %cond3A_6 = arith.cmpi ne, %convert_element_type3A_4, %cond3A_5 : i32
    scf.if %cond3A_6 {
      %mul3A = arith.constant 640 : i32
      %mul3A_7 = arith.muli %arg1, %mul3A : i32
      %mul3A_8 = arith.constant 640 : i32
      %mul3A_9 = arith.muli %arg1, %mul3A_8 : i32
      "tpu.region"() ({
        %run_scoped3A = tpu.sem_alloc : memref<!tpu.dma_semaphore, #tpu.memory_space<semaphore_mem>>
        %dma_start3A_54 = arith.constant 0 : i32
        %dma_start3A_55 = tpu.memref_slice %arg8[%mul3A_9, %dma_start3A_54] : memref<10240x128xf32, #tpu.memory_space<vmem_shared>> -> memref<640x128xf32, #tpu.memory_space<vmem_shared>>
        %dma_start3A_56 = arith.constant 0 : i32
        %dma_start3A_57 = tpu.memref_slice %arg3[%mul3A_7, %dma_start3A_56] : memref<10240x128xf32, #tpu.memory_space<hbm>> -> memref<640x128xf32, #tpu.memory_space<hbm>>
        tpu.enqueue_dma source(%dma_start3A_57 : memref<640x128xf32, #tpu.memory_space<hbm>>) target(%dma_start3A_55 : memref<640x128xf32, #tpu.memory_space<vmem_shared>>) target_semaphore(%run_scoped3A : memref<!tpu.dma_semaphore, #tpu.memory_space<semaphore_mem>>)
        %dma_wait3A_58 = arith.constant 0 : i32
        %dma_wait3A_59 = tpu.memref_slice %arg8[%mul3A_9, %dma_wait3A_58] : memref<10240x128xf32, #tpu.memory_space<vmem_shared>> -> memref<640x128xf32, #tpu.memory_space<vmem_shared>>
        %dma_wait3A_60 = arith.constant 0 : i32
        %dma_wait3A_61 = tpu.memref_slice %arg3[%mul3A_7, %dma_wait3A_60] : memref<10240x128xf32, #tpu.memory_space<hbm>> -> memref<640x128xf32, #tpu.memory_space<hbm>>
        tpu.wait_dma2 semaphore(%run_scoped3A : memref<!tpu.dma_semaphore, #tpu.memory_space<semaphore_mem>>) src(%dma_wait3A_61 : memref<640x128xf32, #tpu.memory_space<hbm>>) dst(%dma_wait3A_59 : memref<640x128xf32, #tpu.memory_space<vmem_shared>>)
        tpu.yield
      }) : () -> ()
      %barrier3A = arith.constant 0 : index
      tpu.barrier barrier_id(%barrier3A)
      %mul3A_10 = arith.constant 10240 : i32
      %mul3A_11 = arith.muli %arg1, %mul3A_10 : i32
      %add3A = arith.constant 0 : i32
      %add3A_12 = arith.addi %mul3A_11, %add3A : i32
      %multiple_of3A = tpu.assume_multiple %add3A_12, 160 : i32
      %add3A_13 = arith.constant 0 : i32
      %add3A_14 = arith.addi %mul3A_11, %add3A_13 : i32
      %add3A_15 = arith.constant 80 : i32
      %add3A_16 = arith.addi %add3A_14, %add3A_15 : i32
      %multiple_of3A_17 = tpu.assume_multiple %add3A_16, 80 : i32
      %dma_start3A = tpu.memref_slice %arg4[%multiple_of3A] : memref<163840xi32, #tpu.memory_space<hbm>> -> memref<80xi32, #tpu.memory_space<hbm>>
      %dma_start3A_18 = tpu.memref_slice %arg4[%multiple_of3A] : memref<163840xi32, #tpu.memory_space<hbm>> -> memref<80xi32, #tpu.memory_space<hbm>>
      tpu.enqueue_dma source(%dma_start3A_18 : memref<80xi32, #tpu.memory_space<hbm>>) target(%arg9 : memref<80xi32, #tpu.memory_space<vmem>>) target_semaphore(%arg17 : memref<!tpu.dma_semaphore, #tpu.memory_space<semaphore_mem>>)
      %dma_start3A_19 = tpu.memref_slice %arg4[%multiple_of3A_17] : memref<163840xi32, #tpu.memory_space<hbm>> -> memref<80xi32, #tpu.memory_space<hbm>>
      %dma_start3A_20 = tpu.memref_slice %arg4[%multiple_of3A_17] : memref<163840xi32, #tpu.memory_space<hbm>> -> memref<80xi32, #tpu.memory_space<hbm>>
      tpu.enqueue_dma source(%dma_start3A_20 : memref<80xi32, #tpu.memory_space<hbm>>) target(%arg10 : memref<80xi32, #tpu.memory_space<vmem>>) target_semaphore(%arg17 : memref<!tpu.dma_semaphore, #tpu.memory_space<semaphore_mem>>)
      %dma_start3A_21 = tpu.memref_slice %arg5[%multiple_of3A] : memref<163840xi32, #tpu.memory_space<hbm>> -> memref<160xi32, #tpu.memory_space<hbm>>
      %dma_start3A_22 = tpu.memref_slice %arg5[%multiple_of3A] : memref<163840xi32, #tpu.memory_space<hbm>> -> memref<160xi32, #tpu.memory_space<hbm>>
      tpu.enqueue_dma source(%dma_start3A_22 : memref<160xi32, #tpu.memory_space<hbm>>) target(%arg13 : memref<160xi32, #tpu.memory_space<vmem>>) target_semaphore(%arg17 : memref<!tpu.dma_semaphore, #tpu.memory_space<semaphore_mem>>)
      %multiple_of3A_23 = tpu.assume_multiple %mul3A_11, 160 : i32
      %dma_wait3A = tpu.memref_slice %arg4[%multiple_of3A_23] : memref<163840xi32, #tpu.memory_space<hbm>> -> memref<80xi32, #tpu.memory_space<hbm>>
      %dma_wait3A_24 = tpu.memref_slice %arg4[%multiple_of3A_23] : memref<163840xi32, #tpu.memory_space<hbm>> -> memref<80xi32, #tpu.memory_space<hbm>>
      tpu.wait_dma2 semaphore(%arg17 : memref<!tpu.dma_semaphore, #tpu.memory_space<semaphore_mem>>) src(%dma_wait3A_24 : memref<80xi32, #tpu.memory_space<hbm>>) dst(%arg9 : memref<80xi32, #tpu.memory_space<vmem>>)
      %dma_wait3A_25 = tpu.memref_slice %arg4[%multiple_of3A_23] : memref<163840xi32, #tpu.memory_space<hbm>> -> memref<80xi32, #tpu.memory_space<hbm>>
      %dma_wait3A_26 = tpu.memref_slice %arg4[%multiple_of3A_23] : memref<163840xi32, #tpu.memory_space<hbm>> -> memref<80xi32, #tpu.memory_space<hbm>>
      tpu.wait_dma2 semaphore(%arg17 : memref<!tpu.dma_semaphore, #tpu.memory_space<semaphore_mem>>) src(%dma_wait3A_26 : memref<80xi32, #tpu.memory_space<hbm>>) dst(%arg10 : memref<80xi32, #tpu.memory_space<vmem>>)
      %dma_wait3A_27 = tpu.memref_slice %arg5[%multiple_of3A_23] : memref<163840xi32, #tpu.memory_space<hbm>> -> memref<160xi32, #tpu.memory_space<hbm>>
      %dma_wait3A_28 = tpu.memref_slice %arg5[%multiple_of3A_23] : memref<163840xi32, #tpu.memory_space<hbm>> -> memref<160xi32, #tpu.memory_space<hbm>>
      tpu.wait_dma2 semaphore(%arg17 : memref<!tpu.dma_semaphore, #tpu.memory_space<semaphore_mem>>) src(%dma_wait3A_28 : memref<160xi32, #tpu.memory_space<hbm>>) dst(%arg13 : memref<160xi32, #tpu.memory_space<vmem>>)
      %dma_start3A_29 = arith.constant 0 : i32
      %dma_start3A_30 = arith.constant 0 : i32
      %dma_start3A_31 = tpu.memref_slice %arg15[%dma_start3A_29, %dma_start3A_30] : memref<160x128xf32, #tpu.memory_space<vmem>> -> memref<80x128xf32, #tpu.memory_space<vmem>>
      %dma_start3A_32 = arith.constant 0 : i32
      %dma_start3A_33 = arith.constant 0 : i32
      %dma_start3A_34 = tpu.memref_slice %arg3[%dma_start3A_32, %dma_start3A_33] : memref<10240x128xf32, #tpu.memory_space<hbm>> -> memref<10240x128xf32, #tpu.memory_space<hbm>>
      tpu.enqueue_indirect_dma source(%dma_start3A_34 : memref<10240x128xf32, #tpu.memory_space<hbm>>) target(%dma_start3A_31 : memref<80x128xf32, #tpu.memory_space<vmem>>) offsets(%arg9 : memref<80xi32, #tpu.memory_space<vmem>>) semaphore(%arg19 : memref<!tpu.dma_semaphore, #tpu.memory_space<semaphore_mem>>)
      %dma_start3A_35 = arith.constant 80 : i32
      %dma_start3A_36 = arith.constant 0 : i32
      %dma_start3A_37 = tpu.memref_slice %arg15[%dma_start3A_35, %dma_start3A_36] : memref<160x128xf32, #tpu.memory_space<vmem>> -> memref<80x128xf32, #tpu.memory_space<vmem>>
      %dma_start3A_38 = arith.constant 0 : i32
      %dma_start3A_39 = arith.constant 0 : i32
      %dma_start3A_40 = tpu.memref_slice %arg3[%dma_start3A_38, %dma_start3A_39] : memref<10240x128xf32, #tpu.memory_space<hbm>> -> memref<10240x128xf32, #tpu.memory_space<hbm>>
      tpu.enqueue_indirect_dma source(%dma_start3A_40 : memref<10240x128xf32, #tpu.memory_space<hbm>>) target(%dma_start3A_37 : memref<80x128xf32, #tpu.memory_space<vmem>>) offsets(%arg10 : memref<80xi32, #tpu.memory_space<vmem>>) semaphore(%arg19 : memref<!tpu.dma_semaphore, #tpu.memory_space<semaphore_mem>>)
      %scan3A = arith.constant 0 : i32
      %scan3A_41 = arith.constant 0 : i32
      %scan3A_42 = arith.constant 32 : i32
      %scan3A_43 = arith.addi %scan3A_41, %scan3A_42 : i32
      %scan3A_44 = arith.constant 1 : i32
      scf.for %scan3A_54 = %scan3A_41 to %scan3A_43 step %scan3A_44  : i32 {
        %mul3A_55 = arith.constant 2 : i32
        %mul3A_56 = arith.muli %mul3A_55, %scan3A_54 : i32
        %add3A_57 = arith.constant 0 : i32
        %add3A_58 = arith.addi %mul3A_56, %add3A_57 : i32
        %ge3A = arith.constant 1 : i32
        %ge3A_59 = arith.cmpi sge, %add3A_58, %ge3A : i32
        %convert_element_type3A_60 = arith.extui %ge3A_59 : i1 to i32
        %cond3A_61 = arith.constant 0 : i32
        %cond3A_62 = arith.cmpi ne, %convert_element_type3A_60, %cond3A_61 : i32
        scf.if %cond3A_62 {
          %dma_wait3A_129 = arith.constant 0 : i32
          %dma_wait3A_130 = arith.constant 0 : i32
          %dma_wait3A_131 = tpu.memref_slice %arg8[%dma_wait3A_129, %dma_wait3A_130] : memref<10240x128xf32, #tpu.memory_space<vmem_shared>> -> memref<10240x128xf32, #tpu.memory_space<vmem_shared>>
          tpu.wait_indirect_dma semaphore(%arg22 : memref<!tpu.dma_semaphore, #tpu.memory_space<semaphore_mem>>) src(%arg16 : memref<160x128xf32, #tpu.memory_space<vmem>>) dst(%dma_wait3A_131 : memref<10240x128xf32, #tpu.memory_space<vmem_shared>>)
        } else {
        }
        %add3A_63 = arith.constant 1 : i32
        %add3A_64 = arith.addi %add3A_58, %add3A_63 : i32
        %lt3A = arith.constant 64 : i32
        %lt3A_65 = arith.cmpi slt, %add3A_64, %lt3A : i32
        %convert_element_type3A_66 = arith.extui %lt3A_65 : i1 to i32
        %cond3A_67 = arith.constant 0 : i32
        %cond3A_68 = arith.cmpi ne, %convert_element_type3A_66, %cond3A_67 : i32
        scf.if %cond3A_68 {
          %add3A_129 = arith.constant 1 : i32
          %add3A_130 = arith.addi %add3A_58, %add3A_129 : i32
          %mul3A_131 = arith.constant 160 : i32
          %mul3A_132 = arith.muli %add3A_130, %mul3A_131 : i32
          %add3A_133 = arith.addi %mul3A_11, %mul3A_132 : i32
          %multiple_of3A_134 = tpu.assume_multiple %add3A_133, 160 : i32
          %mul3A_135 = arith.constant 160 : i32
          %mul3A_136 = arith.muli %add3A_130, %mul3A_135 : i32
          %add3A_137 = arith.addi %mul3A_11, %mul3A_136 : i32
          %add3A_138 = arith.constant 80 : i32
          %add3A_139 = arith.addi %add3A_137, %add3A_138 : i32
          %multiple_of3A_140 = tpu.assume_multiple %add3A_139, 80 : i32
          %dma_start3A_141 = tpu.memref_slice %arg4[%multiple_of3A_134] : memref<163840xi32, #tpu.memory_space<hbm>> -> memref<80xi32, #tpu.memory_space<hbm>>
          %dma_start3A_142 = tpu.memref_slice %arg4[%multiple_of3A_134] : memref<163840xi32, #tpu.memory_space<hbm>> -> memref<80xi32, #tpu.memory_space<hbm>>
          tpu.enqueue_dma source(%dma_start3A_142 : memref<80xi32, #tpu.memory_space<hbm>>) target(%arg11 : memref<80xi32, #tpu.memory_space<vmem>>) target_semaphore(%arg18 : memref<!tpu.dma_semaphore, #tpu.memory_space<semaphore_mem>>)
          %dma_start3A_143 = tpu.memref_slice %arg4[%multiple_of3A_140] : memref<163840xi32, #tpu.memory_space<hbm>> -> memref<80xi32, #tpu.memory_space<hbm>>
          %dma_start3A_144 = tpu.memref_slice %arg4[%multiple_of3A_140] : memref<163840xi32, #tpu.memory_space<hbm>> -> memref<80xi32, #tpu.memory_space<hbm>>
          tpu.enqueue_dma source(%dma_start3A_144 : memref<80xi32, #tpu.memory_space<hbm>>) target(%arg12 : memref<80xi32, #tpu.memory_space<vmem>>) target_semaphore(%arg18 : memref<!tpu.dma_semaphore, #tpu.memory_space<semaphore_mem>>)
          %dma_start3A_145 = tpu.memref_slice %arg5[%multiple_of3A_134] : memref<163840xi32, #tpu.memory_space<hbm>> -> memref<160xi32, #tpu.memory_space<hbm>>
          %dma_start3A_146 = tpu.memref_slice %arg5[%multiple_of3A_134] : memref<163840xi32, #tpu.memory_space<hbm>> -> memref<160xi32, #tpu.memory_space<hbm>>
          tpu.enqueue_dma source(%dma_start3A_146 : memref<160xi32, #tpu.memory_space<hbm>>) target(%arg14 : memref<160xi32, #tpu.memory_space<vmem>>) target_semaphore(%arg18 : memref<!tpu.dma_semaphore, #tpu.memory_space<semaphore_mem>>)
        } else {
        }
        %dma_wait3A_69 = arith.constant 0 : i32
        %dma_wait3A_70 = arith.constant 0 : i32
        %dma_wait3A_71 = tpu.memref_slice %arg15[%dma_wait3A_69, %dma_wait3A_70] : memref<160x128xf32, #tpu.memory_space<vmem>> -> memref<80x128xf32, #tpu.memory_space<vmem>>
        %dma_wait3A_72 = arith.constant 0 : i32
        %dma_wait3A_73 = arith.constant 0 : i32
        %dma_wait3A_74 = tpu.memref_slice %arg3[%dma_wait3A_72, %dma_wait3A_73] : memref<10240x128xf32, #tpu.memory_space<hbm>> -> memref<10240x128xf32, #tpu.memory_space<hbm>>
        tpu.wait_indirect_dma semaphore(%arg19 : memref<!tpu.dma_semaphore, #tpu.memory_space<semaphore_mem>>) src(%dma_wait3A_74 : memref<10240x128xf32, #tpu.memory_space<hbm>>) dst(%dma_wait3A_71 : memref<80x128xf32, #tpu.memory_space<vmem>>)
        %dma_wait3A_75 = arith.constant 80 : i32
        %dma_wait3A_76 = arith.constant 0 : i32
        %dma_wait3A_77 = tpu.memref_slice %arg15[%dma_wait3A_75, %dma_wait3A_76] : memref<160x128xf32, #tpu.memory_space<vmem>> -> memref<80x128xf32, #tpu.memory_space<vmem>>
        %dma_wait3A_78 = arith.constant 0 : i32
        %dma_wait3A_79 = arith.constant 0 : i32
        %dma_wait3A_80 = tpu.memref_slice %arg3[%dma_wait3A_78, %dma_wait3A_79] : memref<10240x128xf32, #tpu.memory_space<hbm>> -> memref<10240x128xf32, #tpu.memory_space<hbm>>
        tpu.wait_indirect_dma semaphore(%arg19 : memref<!tpu.dma_semaphore, #tpu.memory_space<semaphore_mem>>) src(%dma_wait3A_80 : memref<10240x128xf32, #tpu.memory_space<hbm>>) dst(%dma_wait3A_77 : memref<80x128xf32, #tpu.memory_space<vmem>>)
        %add3A_81 = arith.constant 1 : i32
        %add3A_82 = arith.addi %add3A_58, %add3A_81 : i32
        %lt3A_83 = arith.constant 64 : i32
        %lt3A_84 = arith.cmpi slt, %add3A_82, %lt3A_83 : i32
        %convert_element_type3A_85 = arith.extui %lt3A_84 : i1 to i32
        %cond3A_86 = arith.constant 0 : i32
        %cond3A_87 = arith.cmpi ne, %convert_element_type3A_85, %cond3A_86 : i32
        scf.if %cond3A_87 {
          %multiple_of3A_129 = tpu.assume_multiple %mul3A_11, 160 : i32
          %dma_wait3A_130 = tpu.memref_slice %arg4[%multiple_of3A_129] : memref<163840xi32, #tpu.memory_space<hbm>> -> memref<80xi32, #tpu.memory_space<hbm>>
          %dma_wait3A_131 = tpu.memref_slice %arg4[%multiple_of3A_129] : memref<163840xi32, #tpu.memory_space<hbm>> -> memref<80xi32, #tpu.memory_space<hbm>>
          tpu.wait_dma2 semaphore(%arg18 : memref<!tpu.dma_semaphore, #tpu.memory_space<semaphore_mem>>) src(%dma_wait3A_131 : memref<80xi32, #tpu.memory_space<hbm>>) dst(%arg11 : memref<80xi32, #tpu.memory_space<vmem>>)
          %dma_wait3A_132 = tpu.memref_slice %arg4[%multiple_of3A_129] : memref<163840xi32, #tpu.memory_space<hbm>> -> memref<80xi32, #tpu.memory_space<hbm>>
          %dma_wait3A_133 = tpu.memref_slice %arg4[%multiple_of3A_129] : memref<163840xi32, #tpu.memory_space<hbm>> -> memref<80xi32, #tpu.memory_space<hbm>>
          tpu.wait_dma2 semaphore(%arg18 : memref<!tpu.dma_semaphore, #tpu.memory_space<semaphore_mem>>) src(%dma_wait3A_133 : memref<80xi32, #tpu.memory_space<hbm>>) dst(%arg12 : memref<80xi32, #tpu.memory_space<vmem>>)
          %dma_wait3A_134 = tpu.memref_slice %arg5[%multiple_of3A_129] : memref<163840xi32, #tpu.memory_space<hbm>> -> memref<160xi32, #tpu.memory_space<hbm>>
          %dma_wait3A_135 = tpu.memref_slice %arg5[%multiple_of3A_129] : memref<163840xi32, #tpu.memory_space<hbm>> -> memref<160xi32, #tpu.memory_space<hbm>>
          tpu.wait_dma2 semaphore(%arg18 : memref<!tpu.dma_semaphore, #tpu.memory_space<semaphore_mem>>) src(%dma_wait3A_135 : memref<160xi32, #tpu.memory_space<hbm>>) dst(%arg14 : memref<160xi32, #tpu.memory_space<vmem>>)
          %dma_start3A_136 = arith.constant 0 : i32
          %dma_start3A_137 = arith.constant 0 : i32
          %dma_start3A_138 = tpu.memref_slice %arg16[%dma_start3A_136, %dma_start3A_137] : memref<160x128xf32, #tpu.memory_space<vmem>> -> memref<80x128xf32, #tpu.memory_space<vmem>>
          %dma_start3A_139 = arith.constant 0 : i32
          %dma_start3A_140 = arith.constant 0 : i32
          %dma_start3A_141 = tpu.memref_slice %arg3[%dma_start3A_139, %dma_start3A_140] : memref<10240x128xf32, #tpu.memory_space<hbm>> -> memref<10240x128xf32, #tpu.memory_space<hbm>>
          tpu.enqueue_indirect_dma source(%dma_start3A_141 : memref<10240x128xf32, #tpu.memory_space<hbm>>) target(%dma_start3A_138 : memref<80x128xf32, #tpu.memory_space<vmem>>) offsets(%arg11 : memref<80xi32, #tpu.memory_space<vmem>>) semaphore(%arg20 : memref<!tpu.dma_semaphore, #tpu.memory_space<semaphore_mem>>)
          %dma_start3A_142 = arith.constant 80 : i32
          %dma_start3A_143 = arith.constant 0 : i32
          %dma_start3A_144 = tpu.memref_slice %arg16[%dma_start3A_142, %dma_start3A_143] : memref<160x128xf32, #tpu.memory_space<vmem>> -> memref<80x128xf32, #tpu.memory_space<vmem>>
          %dma_start3A_145 = arith.constant 0 : i32
          %dma_start3A_146 = arith.constant 0 : i32
          %dma_start3A_147 = tpu.memref_slice %arg3[%dma_start3A_145, %dma_start3A_146] : memref<10240x128xf32, #tpu.memory_space<hbm>> -> memref<10240x128xf32, #tpu.memory_space<hbm>>
          tpu.enqueue_indirect_dma source(%dma_start3A_147 : memref<10240x128xf32, #tpu.memory_space<hbm>>) target(%dma_start3A_144 : memref<80x128xf32, #tpu.memory_space<vmem>>) offsets(%arg12 : memref<80xi32, #tpu.memory_space<vmem>>) semaphore(%arg20 : memref<!tpu.dma_semaphore, #tpu.memory_space<semaphore_mem>>)
        } else {
        }
        %dma_start3A_88 = arith.constant 0 : i32
        %dma_start3A_89 = arith.constant 0 : i32
        %dma_start3A_90 = tpu.memref_slice %arg8[%dma_start3A_88, %dma_start3A_89] : memref<10240x128xf32, #tpu.memory_space<vmem_shared>> -> memref<10240x128xf32, #tpu.memory_space<vmem_shared>>
        tpu.enqueue_indirect_dma source(%arg15 : memref<160x128xf32, #tpu.memory_space<vmem>>) target(%dma_start3A_90 : memref<10240x128xf32, #tpu.memory_space<vmem_shared>>) offsets(%arg13 : memref<160xi32, #tpu.memory_space<vmem>>) semaphore(%arg21 : memref<!tpu.dma_semaphore, #tpu.memory_space<semaphore_mem>>) {add = true}
        %mul3A_91 = arith.constant 2 : i32
        %mul3A_92 = arith.muli %mul3A_91, %scan3A_54 : i32
        %add3A_93 = arith.constant 1 : i32
        %add3A_94 = arith.addi %mul3A_92, %add3A_93 : i32
        %ge3A_95 = arith.constant 1 : i32
        %ge3A_96 = arith.cmpi sge, %add3A_94, %ge3A_95 : i32
        %convert_element_type3A_97 = arith.extui %ge3A_96 : i1 to i32
        %cond3A_98 = arith.constant 0 : i32
        %cond3A_99 = arith.cmpi ne, %convert_element_type3A_97, %cond3A_98 : i32
        scf.if %cond3A_99 {
          %dma_wait3A_129 = arith.constant 0 : i32
          %dma_wait3A_130 = arith.constant 0 : i32
          %dma_wait3A_131 = tpu.memref_slice %arg8[%dma_wait3A_129, %dma_wait3A_130] : memref<10240x128xf32, #tpu.memory_space<vmem_shared>> -> memref<10240x128xf32, #tpu.memory_space<vmem_shared>>
          tpu.wait_indirect_dma semaphore(%arg21 : memref<!tpu.dma_semaphore, #tpu.memory_space<semaphore_mem>>) src(%arg15 : memref<160x128xf32, #tpu.memory_space<vmem>>) dst(%dma_wait3A_131 : memref<10240x128xf32, #tpu.memory_space<vmem_shared>>)
        } else {
        }
        %add3A_100 = arith.constant 1 : i32
        %add3A_101 = arith.addi %add3A_94, %add3A_100 : i32
        %lt3A_102 = arith.constant 64 : i32
        %lt3A_103 = arith.cmpi slt, %add3A_101, %lt3A_102 : i32
        %convert_element_type3A_104 = arith.extui %lt3A_103 : i1 to i32
        %cond3A_105 = arith.constant 0 : i32
        %cond3A_106 = arith.cmpi ne, %convert_element_type3A_104, %cond3A_105 : i32
        scf.if %cond3A_106 {
          %add3A_129 = arith.constant 1 : i32
          %add3A_130 = arith.addi %add3A_94, %add3A_129 : i32
          %mul3A_131 = arith.constant 160 : i32
          %mul3A_132 = arith.muli %add3A_130, %mul3A_131 : i32
          %add3A_133 = arith.addi %mul3A_11, %mul3A_132 : i32
          %multiple_of3A_134 = tpu.assume_multiple %add3A_133, 160 : i32
          %mul3A_135 = arith.constant 160 : i32
          %mul3A_136 = arith.muli %add3A_130, %mul3A_135 : i32
          %add3A_137 = arith.addi %mul3A_11, %mul3A_136 : i32
          %add3A_138 = arith.constant 80 : i32
          %add3A_139 = arith.addi %add3A_137, %add3A_138 : i32
          %multiple_of3A_140 = tpu.assume_multiple %add3A_139, 80 : i32
          %dma_start3A_141 = tpu.memref_slice %arg4[%multiple_of3A_134] : memref<163840xi32, #tpu.memory_space<hbm>> -> memref<80xi32, #tpu.memory_space<hbm>>
          %dma_start3A_142 = tpu.memref_slice %arg4[%multiple_of3A_134] : memref<163840xi32, #tpu.memory_space<hbm>> -> memref<80xi32, #tpu.memory_space<hbm>>
          tpu.enqueue_dma source(%dma_start3A_142 : memref<80xi32, #tpu.memory_space<hbm>>) target(%arg9 : memref<80xi32, #tpu.memory_space<vmem>>) target_semaphore(%arg17 : memref<!tpu.dma_semaphore, #tpu.memory_space<semaphore_mem>>)
          %dma_start3A_143 = tpu.memref_slice %arg4[%multiple_of3A_140] : memref<163840xi32, #tpu.memory_space<hbm>> -> memref<80xi32, #tpu.memory_space<hbm>>
          %dma_start3A_144 = tpu.memref_slice %arg4[%multiple_of3A_140] : memref<163840xi32, #tpu.memory_space<hbm>> -> memref<80xi32, #tpu.memory_space<hbm>>
          tpu.enqueue_dma source(%dma_start3A_144 : memref<80xi32, #tpu.memory_space<hbm>>) target(%arg10 : memref<80xi32, #tpu.memory_space<vmem>>) target_semaphore(%arg17 : memref<!tpu.dma_semaphore, #tpu.memory_space<semaphore_mem>>)
          %dma_start3A_145 = tpu.memref_slice %arg5[%multiple_of3A_134] : memref<163840xi32, #tpu.memory_space<hbm>> -> memref<160xi32, #tpu.memory_space<hbm>>
          %dma_start3A_146 = tpu.memref_slice %arg5[%multiple_of3A_134] : memref<163840xi32, #tpu.memory_space<hbm>> -> memref<160xi32, #tpu.memory_space<hbm>>
          tpu.enqueue_dma source(%dma_start3A_146 : memref<160xi32, #tpu.memory_space<hbm>>) target(%arg13 : memref<160xi32, #tpu.memory_space<vmem>>) target_semaphore(%arg17 : memref<!tpu.dma_semaphore, #tpu.memory_space<semaphore_mem>>)
        } else {
        }
        %dma_wait3A_107 = arith.constant 0 : i32
        %dma_wait3A_108 = arith.constant 0 : i32
        %dma_wait3A_109 = tpu.memref_slice %arg16[%dma_wait3A_107, %dma_wait3A_108] : memref<160x128xf32, #tpu.memory_space<vmem>> -> memref<80x128xf32, #tpu.memory_space<vmem>>
        %dma_wait3A_110 = arith.constant 0 : i32
        %dma_wait3A_111 = arith.constant 0 : i32
        %dma_wait3A_112 = tpu.memref_slice %arg3[%dma_wait3A_110, %dma_wait3A_111] : memref<10240x128xf32, #tpu.memory_space<hbm>> -> memref<10240x128xf32, #tpu.memory_space<hbm>>
        tpu.wait_indirect_dma semaphore(%arg20 : memref<!tpu.dma_semaphore, #tpu.memory_space<semaphore_mem>>) src(%dma_wait3A_112 : memref<10240x128xf32, #tpu.memory_space<hbm>>) dst(%dma_wait3A_109 : memref<80x128xf32, #tpu.memory_space<vmem>>)
        %dma_wait3A_113 = arith.constant 80 : i32
        %dma_wait3A_114 = arith.constant 0 : i32
        %dma_wait3A_115 = tpu.memref_slice %arg16[%dma_wait3A_113, %dma_wait3A_114] : memref<160x128xf32, #tpu.memory_space<vmem>> -> memref<80x128xf32, #tpu.memory_space<vmem>>
        %dma_wait3A_116 = arith.constant 0 : i32
        %dma_wait3A_117 = arith.constant 0 : i32
        %dma_wait3A_118 = tpu.memref_slice %arg3[%dma_wait3A_116, %dma_wait3A_117] : memref<10240x128xf32, #tpu.memory_space<hbm>> -> memref<10240x128xf32, #tpu.memory_space<hbm>>
        tpu.wait_indirect_dma semaphore(%arg20 : memref<!tpu.dma_semaphore, #tpu.memory_space<semaphore_mem>>) src(%dma_wait3A_118 : memref<10240x128xf32, #tpu.memory_space<hbm>>) dst(%dma_wait3A_115 : memref<80x128xf32, #tpu.memory_space<vmem>>)
        %add3A_119 = arith.constant 1 : i32
        %add3A_120 = arith.addi %add3A_94, %add3A_119 : i32
        %lt3A_121 = arith.constant 64 : i32
        %lt3A_122 = arith.cmpi slt, %add3A_120, %lt3A_121 : i32
        %convert_element_type3A_123 = arith.extui %lt3A_122 : i1 to i32
        %cond3A_124 = arith.constant 0 : i32
        %cond3A_125 = arith.cmpi ne, %convert_element_type3A_123, %cond3A_124 : i32
        scf.if %cond3A_125 {
          %multiple_of3A_129 = tpu.assume_multiple %mul3A_11, 160 : i32
          %dma_wait3A_130 = tpu.memref_slice %arg4[%multiple_of3A_129] : memref<163840xi32, #tpu.memory_space<hbm>> -> memref<80xi32, #tpu.memory_space<hbm>>
          %dma_wait3A_131 = tpu.memref_slice %arg4[%multiple_of3A_129] : memref<163840xi32, #tpu.memory_space<hbm>> -> memref<80xi32, #tpu.memory_space<hbm>>
          tpu.wait_dma2 semaphore(%arg17 : memref<!tpu.dma_semaphore, #tpu.memory_space<semaphore_mem>>) src(%dma_wait3A_131 : memref<80xi32, #tpu.memory_space<hbm>>) dst(%arg9 : memref<80xi32, #tpu.memory_space<vmem>>)
          %dma_wait3A_132 = tpu.memref_slice %arg4[%multiple_of3A_129] : memref<163840xi32, #tpu.memory_space<hbm>> -> memref<80xi32, #tpu.memory_space<hbm>>
          %dma_wait3A_133 = tpu.memref_slice %arg4[%multiple_of3A_129] : memref<163840xi32, #tpu.memory_space<hbm>> -> memref<80xi32, #tpu.memory_space<hbm>>
          tpu.wait_dma2 semaphore(%arg17 : memref<!tpu.dma_semaphore, #tpu.memory_space<semaphore_mem>>) src(%dma_wait3A_133 : memref<80xi32, #tpu.memory_space<hbm>>) dst(%arg10 : memref<80xi32, #tpu.memory_space<vmem>>)
          %dma_wait3A_134 = tpu.memref_slice %arg5[%multiple_of3A_129] : memref<163840xi32, #tpu.memory_space<hbm>> -> memref<160xi32, #tpu.memory_space<hbm>>
          %dma_wait3A_135 = tpu.memref_slice %arg5[%multiple_of3A_129] : memref<163840xi32, #tpu.memory_space<hbm>> -> memref<160xi32, #tpu.memory_space<hbm>>
          tpu.wait_dma2 semaphore(%arg17 : memref<!tpu.dma_semaphore, #tpu.memory_space<semaphore_mem>>) src(%dma_wait3A_135 : memref<160xi32, #tpu.memory_space<hbm>>) dst(%arg13 : memref<160xi32, #tpu.memory_space<vmem>>)
          %dma_start3A_136 = arith.constant 0 : i32
          %dma_start3A_137 = arith.constant 0 : i32
          %dma_start3A_138 = tpu.memref_slice %arg15[%dma_start3A_136, %dma_start3A_137] : memref<160x128xf32, #tpu.memory_space<vmem>> -> memref<80x128xf32, #tpu.memory_space<vmem>>
          %dma_start3A_139 = arith.constant 0 : i32
          %dma_start3A_140 = arith.constant 0 : i32
          %dma_start3A_141 = tpu.memref_slice %arg3[%dma_start3A_139, %dma_start3A_140] : memref<10240x128xf32, #tpu.memory_space<hbm>> -> memref<10240x128xf32, #tpu.memory_space<hbm>>
          tpu.enqueue_indirect_dma source(%dma_start3A_141 : memref<10240x128xf32, #tpu.memory_space<hbm>>) target(%dma_start3A_138 : memref<80x128xf32, #tpu.memory_space<vmem>>) offsets(%arg9 : memref<80xi32, #tpu.memory_space<vmem>>) semaphore(%arg19 : memref<!tpu.dma_semaphore, #tpu.memory_space<semaphore_mem>>)
          %dma_start3A_142 = arith.constant 80 : i32
          %dma_start3A_143 = arith.constant 0 : i32
          %dma_start3A_144 = tpu.memref_slice %arg15[%dma_start3A_142, %dma_start3A_143] : memref<160x128xf32, #tpu.memory_space<vmem>> -> memref<80x128xf32, #tpu.memory_space<vmem>>
          %dma_start3A_145 = arith.constant 0 : i32
          %dma_start3A_146 = arith.constant 0 : i32
          %dma_start3A_147 = tpu.memref_slice %arg3[%dma_start3A_145, %dma_start3A_146] : memref<10240x128xf32, #tpu.memory_space<hbm>> -> memref<10240x128xf32, #tpu.memory_space<hbm>>
          tpu.enqueue_indirect_dma source(%dma_start3A_147 : memref<10240x128xf32, #tpu.memory_space<hbm>>) target(%dma_start3A_144 : memref<80x128xf32, #tpu.memory_space<vmem>>) offsets(%arg10 : memref<80xi32, #tpu.memory_space<vmem>>) semaphore(%arg19 : memref<!tpu.dma_semaphore, #tpu.memory_space<semaphore_mem>>)
        } else {
        }
        %dma_start3A_126 = arith.constant 0 : i32
        %dma_start3A_127 = arith.constant 0 : i32
        %dma_start3A_128 = tpu.memref_slice %arg8[%dma_start3A_126, %dma_start3A_127] : memref<10240x128xf32, #tpu.memory_space<vmem_shared>> -> memref<10240x128xf32, #tpu.memory_space<vmem_shared>>
        tpu.enqueue_indirect_dma source(%arg16 : memref<160x128xf32, #tpu.memory_space<vmem>>) target(%dma_start3A_128 : memref<10240x128xf32, #tpu.memory_space<vmem_shared>>) offsets(%arg14 : memref<160xi32, #tpu.memory_space<vmem>>) semaphore(%arg22 : memref<!tpu.dma_semaphore, #tpu.memory_space<semaphore_mem>>) {add = true}
      }
      %scan3A_45 = arith.constant 32 : i32
      %dma_wait3A_46 = arith.constant 0 : i32
      %dma_wait3A_47 = arith.constant 0 : i32
      %dma_wait3A_48 = tpu.memref_slice %arg8[%dma_wait3A_46, %dma_wait3A_47] : memref<10240x128xf32, #tpu.memory_space<vmem_shared>> -> memref<10240x128xf32, #tpu.memory_space<vmem_shared>>
      tpu.wait_indirect_dma semaphore(%arg22 : memref<!tpu.dma_semaphore, #tpu.memory_space<semaphore_mem>>) src(%arg16 : memref<160x128xf32, #tpu.memory_space<vmem>>) dst(%dma_wait3A_48 : memref<10240x128xf32, #tpu.memory_space<vmem_shared>>)
      %barrier3A_49 = arith.constant 0 : index
      tpu.barrier barrier_id(%barrier3A_49)
      %mul3A_50 = arith.constant 640 : i32
      %mul3A_51 = arith.muli %arg1, %mul3A_50 : i32
      %mul3A_52 = arith.constant 640 : i32
      %mul3A_53 = arith.muli %arg1, %mul3A_52 : i32
      "tpu.region"() ({
        %run_scoped3A = tpu.sem_alloc : memref<!tpu.dma_semaphore, #tpu.memory_space<semaphore_mem>>
        %dma_start3A_54 = arith.constant 0 : i32
        %dma_start3A_55 = tpu.memref_slice %arg7[%mul3A_53, %dma_start3A_54] : memref<10240x128xf32, #tpu.memory_space<hbm>> -> memref<640x128xf32, #tpu.memory_space<hbm>>
        %dma_start3A_56 = arith.constant 0 : i32
        %dma_start3A_57 = tpu.memref_slice %arg8[%mul3A_51, %dma_start3A_56] : memref<10240x128xf32, #tpu.memory_space<vmem_shared>> -> memref<640x128xf32, #tpu.memory_space<vmem_shared>>
        tpu.enqueue_dma source(%dma_start3A_57 : memref<640x128xf32, #tpu.memory_space<vmem_shared>>) target(%dma_start3A_55 : memref<640x128xf32, #tpu.memory_space<hbm>>) target_semaphore(%run_scoped3A : memref<!tpu.dma_semaphore, #tpu.memory_space<semaphore_mem>>)
        %dma_wait3A_58 = arith.constant 0 : i32
        %dma_wait3A_59 = tpu.memref_slice %arg7[%mul3A_53, %dma_wait3A_58] : memref<10240x128xf32, #tpu.memory_space<hbm>> -> memref<640x128xf32, #tpu.memory_space<hbm>>
        %dma_wait3A_60 = arith.constant 0 : i32
        %dma_wait3A_61 = tpu.memref_slice %arg8[%mul3A_51, %dma_wait3A_60] : memref<10240x128xf32, #tpu.memory_space<vmem_shared>> -> memref<640x128xf32, #tpu.memory_space<vmem_shared>>
        tpu.wait_dma2 semaphore(%run_scoped3A : memref<!tpu.dma_semaphore, #tpu.memory_space<semaphore_mem>>) src(%dma_wait3A_61 : memref<640x128xf32, #tpu.memory_space<vmem_shared>>) dst(%dma_wait3A_59 : memref<640x128xf32, #tpu.memory_space<hbm>>)
        tpu.yield
      }) : () -> ()
    } else {
    }
    return
  }
}

module attributes {stable_mosaic.version = 14 : i64} {
  func.func @_tc2_body(%arg0: i32, %arg1: memref<512x128xf32, #tpu.memory_space<vmem>>, %arg2: memref<512x128xf32, #tpu.memory_space<vmem>>, %arg3: memref<512x1xf32, #tpu.memory_space<vmem>>, %arg4: memref<1x256xf32, #tpu.memory_space<vmem>>, %arg5: memref<256x256xf32, #tpu.memory_space<vmem>>, %arg6: memref<512x128xf32, #tpu.memory_space<vmem>>, %arg7: memref<512x128xf32, #tpu.memory_space<vmem>>) attributes {dimension_semantics = [#tpu.dimension_semantics<arbitrary>], iteration_bounds = array<i64: 20>, scalar_prefetch = 0 : i64, scratch_operands = 0 : i64, tpu.core_type = #tpu.core_type<tc>, window_params = [{transform_indices = @transform_0, window_bounds = array<i64: 512, 128>}, {transform_indices = @transform_1, window_bounds = array<i64: 512, 128>}, {transform_indices = @transform_2, window_bounds = array<i64: 512, 1>}, {pipeline_mode = #tpu.pipeline_mode<synchronous>, transform_indices = @transform_3, window_bounds = array<i64: 1, 256>}, {pipeline_mode = #tpu.pipeline_mode<synchronous>, transform_indices = @transform_4, window_bounds = array<i64: 256, 256>}, {transform_indices = @transform_5, window_bounds = array<i64: 512, 128>}, {transform_indices = @transform_6, window_bounds = array<i64: 512, 128>}]} {
    %get3A = arith.constant 0 : index
    %get3A_0 = arith.constant 0 : index
    %get3A_1 = vector.load %arg1[%get3A, %get3A_0] : memref<512x128xf32, #tpu.memory_space<vmem>>, vector<512x128xf32>
    %get3A_2 = arith.constant 0 : index
    %get3A_3 = arith.constant 0 : index
    %get3A_4 = vector.load %arg2[%get3A_2, %get3A_3] : memref<512x128xf32, #tpu.memory_space<vmem>>, vector<512x128xf32>
    %concatenate3A = tpu.concatenate %get3A_1, %get3A_4 in 1 : vector<512x128xf32>, vector<512x128xf32> -> vector<512x256xf32>
    %get3A_5 = arith.constant 0 : index
    %get3A_6 = arith.constant 0 : index
    %get3A_7 = vector.load %arg3[%get3A_5, %get3A_6] : memref<512x1xf32, #tpu.memory_space<vmem>>, vector<512x1xf32>
    %mul3A = vector.broadcast %get3A_7 : vector<512x1xf32> to vector<512x256xf32>
    %mul3A_8 = arith.mulf %concatenate3A, %mul3A : vector<512x256xf32>
    %get3A_9 = arith.constant 0 : index
    %get3A_10 = arith.constant 0 : index
    %get3A_11 = vector.load %arg4[%get3A_9, %get3A_10] : memref<1x256xf32, #tpu.memory_space<vmem>>, vector<1x256xf32>
    %add3A = vector.broadcast %get3A_11 : vector<1x256xf32> to vector<512x256xf32>
    %add3A_12 = arith.addf %mul3A_8, %add3A : vector<512x256xf32>
    %max3A = arith.constant 0.000000e+00 : f32
    %max3A_13 = vector.broadcast %max3A : f32 to vector<512x256xf32>
    %max3A_14 = arith.maximumf %add3A_12, %max3A_13 : vector<512x256xf32>
    %get3A_15 = arith.constant 0 : index
    %get3A_16 = arith.constant 0 : index
    %get3A_17 = vector.load %arg5[%get3A_15, %get3A_16] : memref<256x256xf32, #tpu.memory_space<vmem>>, vector<256x256xf32>
    %dot_general3A = arith.constant dense<0.000000e+00> : vector<512x256xf32>
    %dot_general3A_18 = tpu.matmul %max3A_14, %get3A_17, %dot_general3A {dimension_numbers = #tpu.dot_dimension_numbers<[1], [1], [0], [0], [0, 0, 1, 0], [], []>, transpose_lhs_hint = false} : vector<512x256xf32>, vector<256x256xf32>, vector<512x256xf32> -> vector<512x256xf32>
    %mul3A_19 = vector.broadcast %get3A_7 : vector<512x1xf32> to vector<512x256xf32>
    %mul3A_20 = arith.mulf %dot_general3A_18, %mul3A_19 : vector<512x256xf32>
    %slice3A = vector.extract_strided_slice %mul3A_20 {offsets = [0, 0], sizes = [512, 128], strides = [1, 1]} : vector<512x256xf32> to vector<512x128xf32>
    %swap3A = arith.constant 0 : index
    %swap3A_21 = arith.constant 0 : index
    %swap3A_22 = vector.load %arg6[%swap3A, %swap3A_21] : memref<512x128xf32, #tpu.memory_space<vmem>>, vector<512x128xf32>
    tpu.vector_store %arg6[%swap3A, %swap3A_21], %slice3A {strides = array<i32>} : memref<512x128xf32, #tpu.memory_space<vmem>>, vector<512x128xf32>,
    %slice3A_23 = vector.extract_strided_slice %mul3A_20 {offsets = [0, 128], sizes = [512, 128], strides = [1, 1]} : vector<512x256xf32> to vector<512x128xf32>
    %swap3A_24 = arith.constant 0 : index
    %swap3A_25 = arith.constant 0 : index
    %swap3A_26 = vector.load %arg7[%swap3A_24, %swap3A_25] : memref<512x128xf32, #tpu.memory_space<vmem>>, vector<512x128xf32>
    tpu.vector_store %arg7[%swap3A_24, %swap3A_25], %slice3A_23 {strides = array<i32>} : memref<512x128xf32, #tpu.memory_space<vmem>>, vector<512x128xf32>,
    return
  }
  func.func @transform_0(%arg0: i32) -> (i32, i32) {
    %c0_i32 = arith.constant 0 : i32
    %c0_i32_0 = arith.constant 0 : i32
    return %arg0, %c0_i32 : i32, i32
  }
  func.func @transform_1(%arg0: i32) -> (i32, i32) {
    %c0_i32 = arith.constant 0 : i32
    %c0_i32_0 = arith.constant 0 : i32
    return %arg0, %c0_i32 : i32, i32
  }
  func.func @transform_2(%arg0: i32) -> (i32, i32) {
    %c0_i32 = arith.constant 0 : i32
    %c0_i32_0 = arith.constant 0 : i32
    return %arg0, %c0_i32 : i32, i32
  }
  func.func @transform_3(%arg0: i32) -> (i32, i32) {
    %c0_i32 = arith.constant 0 : i32
    %c0_i32_0 = arith.constant 0 : i32
    %c0_i32_1 = arith.constant 0 : i32
    return %c0_i32, %c0_i32_0 : i32, i32
  }
  func.func @transform_4(%arg0: i32) -> (i32, i32) {
    %c0_i32 = arith.constant 0 : i32
    %c0_i32_0 = arith.constant 0 : i32
    %c0_i32_1 = arith.constant 0 : i32
    return %c0_i32, %c0_i32_0 : i32, i32
  }
  func.func @transform_5(%arg0: i32) -> (i32, i32) {
    %c0_i32 = arith.constant 0 : i32
    %c0_i32_0 = arith.constant 0 : i32
    return %arg0, %c0_i32 : i32, i32
  }
  func.func @transform_6(%arg0: i32) -> (i32, i32) {
    %c0_i32 = arith.constant 0 : i32
    %c0_i32_0 = arith.constant 0 : i32
    return %arg0, %c0_i32 : i32, i32
  }
}

module attributes {stable_mosaic.version = 14 : i64} {
  func.func @_tc1_body(%arg0: i32, %arg1: memref<512x768xf32, #tpu.memory_space<vmem>>, %arg2: memref<768x768xbf16, #tpu.memory_space<vmem>>, %arg3: memref<1x768xf32, #tpu.memory_space<vmem>>, %arg4: memref<1x768xf32, #tpu.memory_space<vmem>>, %arg5: memref<1x768xf32, #tpu.memory_space<vmem>>, %arg6: memref<256x768xbf16, #tpu.memory_space<vmem>>, %arg7: memref<512x1xf32, #tpu.memory_space<vmem>>, %arg8: memref<512x128xf32, #tpu.memory_space<vmem>>, %arg9: memref<512x128xf32, #tpu.memory_space<vmem>>, %arg10: memref<512x1xf32, #tpu.memory_space<vmem>>) attributes {dimension_semantics = [#tpu.dimension_semantics<arbitrary>], iteration_bounds = array<i64: 20>, scalar_prefetch = 0 : i64, scratch_operands = 0 : i64, tpu.core_type = #tpu.core_type<tc>, window_params = [{transform_indices = @transform_0, window_bounds = array<i64: 512, 768>}, {pipeline_mode = #tpu.pipeline_mode<synchronous>, transform_indices = @transform_1, window_bounds = array<i64: 768, 768>}, {pipeline_mode = #tpu.pipeline_mode<synchronous>, transform_indices = @transform_2, window_bounds = array<i64: 1, 768>}, {pipeline_mode = #tpu.pipeline_mode<synchronous>, transform_indices = @transform_3, window_bounds = array<i64: 1, 768>}, {pipeline_mode = #tpu.pipeline_mode<synchronous>, transform_indices = @transform_4, window_bounds = array<i64: 1, 768>}, {pipeline_mode = #tpu.pipeline_mode<synchronous>, transform_indices = @transform_5, window_bounds = array<i64: 256, 768>}, {transform_indices = @transform_6, window_bounds = array<i64: 512, 1>}, {transform_indices = @transform_7, window_bounds = array<i64: 512, 128>}, {transform_indices = @transform_8, window_bounds = array<i64: 512, 128>}, {transform_indices = @transform_9, window_bounds = array<i64: 512, 1>}]} {
    %get3A = arith.constant 0 : index
    %get3A_0 = arith.constant 0 : index
    %get3A_1 = vector.load %arg1[%get3A, %get3A_0] : memref<512x768xf32, #tpu.memory_space<vmem>>, vector<512x768xf32>
    %convert_element_type3A = arith.truncf %get3A_1 : vector<512x768xf32> to vector<512x768xbf16>
    %get3A_2 = arith.constant 0 : index
    %get3A_3 = arith.constant 0 : index
    %get3A_4 = vector.load %arg2[%get3A_2, %get3A_3] : memref<768x768xbf16, #tpu.memory_space<vmem>>, vector<768x768xbf16>
    %dot_general3A = arith.constant dense<0.000000e+00> : vector<512x768xf32>
    %dot_general3A_5 = tpu.matmul %convert_element_type3A, %get3A_4, %dot_general3A {dimension_numbers = #tpu.dot_dimension_numbers<[1], [1], [0], [0], [0, 0, 1, 0], [], []>, transpose_lhs_hint = false} : vector<512x768xbf16>, vector<768x768xbf16>, vector<512x768xf32> -> vector<512x768xf32>
    %get3A_6 = arith.constant 0 : index
    %get3A_7 = arith.constant 0 : index
    %get3A_8 = vector.load %arg3[%get3A_6, %get3A_7] : memref<1x768xf32, #tpu.memory_space<vmem>>, vector<1x768xf32>
    %add3A = vector.broadcast %get3A_8 : vector<1x768xf32> to vector<512x768xf32>
    %add3A_9 = arith.addf %dot_general3A_5, %add3A : vector<512x768xf32>
    %get3A_10 = arith.constant 0 : index
    %get3A_11 = arith.constant 0 : index
    %get3A_12 = vector.load %arg5[%get3A_10, %get3A_11] : memref<1x768xf32, #tpu.memory_space<vmem>>, vector<1x768xf32>
    %mul3A = vector.broadcast %get3A_12 : vector<1x768xf32> to vector<512x768xf32>
    %mul3A_13 = arith.mulf %add3A_9, %mul3A : vector<512x768xf32>
    %reduce_sum3A = arith.constant dense<0.000000e+00> : vector<512xf32>
    %reduce_sum3A_14 = vector.multi_reduction <add>, %mul3A_13, %reduce_sum3A [1] : vector<512x768xf32> to vector<512xf32>
    %broadcast_in_dim3A = vector.shape_cast %reduce_sum3A_14 : vector<512xf32> to vector<512x1xf32>
    %get3A_15 = arith.constant 0 : index
    %get3A_16 = arith.constant 0 : index
    %get3A_17 = vector.load %arg4[%get3A_15, %get3A_16] : memref<1x768xf32, #tpu.memory_space<vmem>>, vector<1x768xf32>
    %get3A_18 = arith.constant 0 : index
    %get3A_19 = arith.constant 0 : index
    %get3A_20 = vector.load %arg5[%get3A_18, %get3A_19] : memref<1x768xf32, #tpu.memory_space<vmem>>, vector<1x768xf32>
    %mul3A_21 = arith.mulf %get3A_17, %get3A_20 : vector<1x768xf32>
    %reduce_sum3A_22 = vector.shape_cast %mul3A_21 : vector<1x768xf32> to vector<1x1x768xf32>
    %reduce_sum3A_23 = arith.constant dense<0.000000e+00> : vector<1xf32>
    %reduce_sum3A_24 = vector.multi_reduction <add>, %reduce_sum3A_22, %reduce_sum3A_23 [1, 2] : vector<1x1x768xf32> to vector<1xf32>
    %reduce_sum3A_25 = vector.shape_cast %reduce_sum3A_24 : vector<1xf32> to vector<1x1x1xf32>
    %reduce_sum3A_26 = vector.extract %reduce_sum3A_25[0, 0, 0] : f32 from vector<1x1x1xf32>
    %sub3A = vector.broadcast %reduce_sum3A_26 : f32 to vector<512x1xf32>
    %sub3A_27 = arith.subf %broadcast_in_dim3A, %sub3A : vector<512x1xf32>
    %logistic3A = arith.negf %sub3A_27 : vector<512x1xf32>
    %logistic3A_28 = math.exp %logistic3A : vector<512x1xf32>
    %logistic3A_29 = arith.constant 1.000000e+00 : f32
    %logistic3A_30 = vector.broadcast %logistic3A_29 : f32 to vector<512x1xf32>
    %logistic3A_31 = arith.addf %logistic3A_30, %logistic3A_28 : vector<512x1xf32>
    %logistic3A_32 = arith.divf %logistic3A_30, %logistic3A_31 : vector<512x1xf32>
    %mul3A_33 = vector.broadcast %logistic3A_32 : vector<512x1xf32> to vector<512x768xf32>
    %mul3A_34 = arith.mulf %mul3A_33, %add3A_9 : vector<512x768xf32>
    %sub3A_35 = arith.constant 1.000000e+00 : f32
    %sub3A_36 = vector.broadcast %sub3A_35 : f32 to vector<512x1xf32>
    %sub3A_37 = arith.subf %sub3A_36, %logistic3A_32 : vector<512x1xf32>
    %get3A_38 = arith.constant 0 : index
    %get3A_39 = arith.constant 0 : index
    %get3A_40 = vector.load %arg4[%get3A_38, %get3A_39] : memref<1x768xf32, #tpu.memory_space<vmem>>, vector<1x768xf32>
    %mul3A_41 = vector.broadcast %sub3A_37 : vector<512x1xf32> to vector<512x768xf32>
    %mul3A_42 = vector.broadcast %get3A_40 : vector<1x768xf32> to vector<512x768xf32>
    %mul3A_43 = arith.mulf %mul3A_41, %mul3A_42 : vector<512x768xf32>
    %add3A_44 = arith.addf %mul3A_34, %mul3A_43 : vector<512x768xf32>
    %convert_element_type3A_45 = arith.truncf %add3A_44 : vector<512x768xf32> to vector<512x768xbf16>
    %get3A_46 = arith.constant 0 : index
    %get3A_47 = arith.constant 0 : index
    %get3A_48 = vector.load %arg6[%get3A_46, %get3A_47] : memref<256x768xbf16, #tpu.memory_space<vmem>>, vector<256x768xbf16>
    %dot_general3A_49 = arith.constant dense<0.000000e+00> : vector<512x256xf32>
    %dot_general3A_50 = tpu.matmul %convert_element_type3A_45, %get3A_48, %dot_general3A_49 {dimension_numbers = #tpu.dot_dimension_numbers<[1], [1], [0], [0], [0, 0, 1, 0], [], []>, transpose_lhs_hint = false} : vector<512x768xbf16>, vector<256x768xbf16>, vector<512x256xf32> -> vector<512x256xf32>
    %get3A_51 = arith.constant 0 : index
    %get3A_52 = arith.constant 0 : index
    %get3A_53 = vector.load %arg7[%get3A_51, %get3A_52] : memref<512x1xf32, #tpu.memory_space<vmem>>, vector<512x1xf32>
    %add3A_54 = arith.constant 1.000000e+00 : f32
    %add3A_55 = vector.broadcast %add3A_54 : f32 to vector<512x1xf32>
    %add3A_56 = arith.addf %get3A_53, %add3A_55 : vector<512x1xf32>
    %rsqrt3A = math.rsqrt %add3A_56 : vector<512x1xf32>
    %mul3A_57 = vector.broadcast %rsqrt3A : vector<512x1xf32> to vector<512x256xf32>
    %mul3A_58 = arith.mulf %dot_general3A_50, %mul3A_57 : vector<512x256xf32>
    %slice3A = vector.extract_strided_slice %mul3A_58 {offsets = [0, 0], sizes = [512, 128], strides = [1, 1]} : vector<512x256xf32> to vector<512x128xf32>
    %swap3A = arith.constant 0 : index
    %swap3A_59 = arith.constant 0 : index
    %swap3A_60 = vector.load %arg8[%swap3A, %swap3A_59] : memref<512x128xf32, #tpu.memory_space<vmem>>, vector<512x128xf32>
    tpu.vector_store %arg8[%swap3A, %swap3A_59], %slice3A {strides = array<i32>} : memref<512x128xf32, #tpu.memory_space<vmem>>, vector<512x128xf32>,
    %slice3A_61 = vector.extract_strided_slice %mul3A_58 {offsets = [0, 128], sizes = [512, 128], strides = [1, 1]} : vector<512x256xf32> to vector<512x128xf32>
    %swap3A_62 = arith.constant 0 : index
    %swap3A_63 = arith.constant 0 : index
    %swap3A_64 = vector.load %arg9[%swap3A_62, %swap3A_63] : memref<512x128xf32, #tpu.memory_space<vmem>>, vector<512x128xf32>
    tpu.vector_store %arg9[%swap3A_62, %swap3A_63], %slice3A_61 {strides = array<i32>} : memref<512x128xf32, #tpu.memory_space<vmem>>, vector<512x128xf32>,
    %swap3A_65 = arith.constant 0 : index
    %swap3A_66 = arith.constant 0 : index
    %swap3A_67 = vector.load %arg10[%swap3A_65, %swap3A_66] : memref<512x1xf32, #tpu.memory_space<vmem>>, vector<512x1xf32>
    tpu.vector_store %arg10[%swap3A_65, %swap3A_66], %rsqrt3A {strides = array<i32>} : memref<512x1xf32, #tpu.memory_space<vmem>>, vector<512x1xf32>,
    return
  }
  func.func @transform_0(%arg0: i32) -> (i32, i32) {
    %c0_i32 = arith.constant 0 : i32
    %c0_i32_0 = arith.constant 0 : i32
    return %arg0, %c0_i32 : i32, i32
  }
  func.func @transform_1(%arg0: i32) -> (i32, i32) {
    %c0_i32 = arith.constant 0 : i32
    %c0_i32_0 = arith.constant 0 : i32
    %c0_i32_1 = arith.constant 0 : i32
    return %c0_i32, %c0_i32_0 : i32, i32
  }
  func.func @transform_2(%arg0: i32) -> (i32, i32) {
    %c0_i32 = arith.constant 0 : i32
    %c0_i32_0 = arith.constant 0 : i32
    %c0_i32_1 = arith.constant 0 : i32
    return %c0_i32, %c0_i32_0 : i32, i32
  }
  func.func @transform_3(%arg0: i32) -> (i32, i32) {
    %c0_i32 = arith.constant 0 : i32
    %c0_i32_0 = arith.constant 0 : i32
    %c0_i32_1 = arith.constant 0 : i32
    return %c0_i32, %c0_i32_0 : i32, i32
  }
  func.func @transform_4(%arg0: i32) -> (i32, i32) {
    %c0_i32 = arith.constant 0 : i32
    %c0_i32_0 = arith.constant 0 : i32
    %c0_i32_1 = arith.constant 0 : i32
    return %c0_i32, %c0_i32_0 : i32, i32
  }
  func.func @transform_5(%arg0: i32) -> (i32, i32) {
    %c0_i32 = arith.constant 0 : i32
    %c0_i32_0 = arith.constant 0 : i32
    %c0_i32_1 = arith.constant 0 : i32
    return %c0_i32, %c0_i32_0 : i32, i32
  }
  func.func @transform_6(%arg0: i32) -> (i32, i32) {
    %c0_i32 = arith.constant 0 : i32
    %c0_i32_0 = arith.constant 0 : i32
    return %arg0, %c0_i32 : i32, i32
  }
  func.func @transform_7(%arg0: i32) -> (i32, i32) {
    %c0_i32 = arith.constant 0 : i32
    %c0_i32_0 = arith.constant 0 : i32
    return %arg0, %c0_i32 : i32, i32
  }
  func.func @transform_8(%arg0: i32) -> (i32, i32) {
    %c0_i32 = arith.constant 0 : i32
    %c0_i32_0 = arith.constant 0 : i32
    return %arg0, %c0_i32 : i32, i32
  }
  func.func @transform_9(%arg0: i32) -> (i32, i32) {
    %c0_i32 = arith.constant 0 : i32
    %c0_i32_0 = arith.constant 0 : i32
    return %arg0, %c0_i32 : i32, i32
  }
}

module attributes {stable_mosaic.version = 14 : i64} {
  func.func @_tc3_body(%arg0: i32, %arg1: memref<400x128xf32, #tpu.memory_space<vmem>>, %arg2: memref<400x128xf32, #tpu.memory_space<vmem>>, %arg3: memref<400x1xf32, #tpu.memory_space<vmem>>, %arg4: memref<1x256xf32, #tpu.memory_space<vmem>>, %arg5: memref<1x1x400xi32, #tpu.memory_space<vmem>>, %arg6: memref<128x256xf32, #tpu.memory_space<vmem>>, %arg7: memref<1x128xf32, #tpu.memory_space<vmem>>, %arg8: memref<5x128xf32, #tpu.memory_space<vmem>>, %arg9: memref<1x5xf32, #tpu.memory_space<vmem>>, %arg10: memref<64x5xf32, #tpu.memory_space<vmem>>, %arg11: memref<64x256xf32, #tpu.memory_space<vmem>>, %arg12: memref<64x1xf32, #tpu.memory_space<vmem>>) attributes {dimension_semantics = [#tpu.dimension_semantics<arbitrary>], iteration_bounds = array<i64: 25>, scalar_prefetch = 0 : i64, scratch_operands = 2 : i64, tpu.core_type = #tpu.core_type<tc>, window_params = [{transform_indices = @transform_0, window_bounds = array<i64: 400, 128>}, {transform_indices = @transform_1, window_bounds = array<i64: 400, 128>}, {transform_indices = @transform_2, window_bounds = array<i64: 400, 1>}, {pipeline_mode = #tpu.pipeline_mode<synchronous>, transform_indices = @transform_3, window_bounds = array<i64: 1, 256>}, {transform_indices = @transform_4, window_bounds = array<i64: 1, 1, 400>}, {pipeline_mode = #tpu.pipeline_mode<synchronous>, transform_indices = @transform_5, window_bounds = array<i64: 128, 256>}, {pipeline_mode = #tpu.pipeline_mode<synchronous>, transform_indices = @transform_6, window_bounds = array<i64: 1, 128>}, {pipeline_mode = #tpu.pipeline_mode<synchronous>, transform_indices = @transform_7, window_bounds = array<i64: 5, 128>}, {pipeline_mode = #tpu.pipeline_mode<synchronous>, transform_indices = @transform_8, window_bounds = array<i64: 1, 5>}, {pipeline_mode = #tpu.pipeline_mode<synchronous>, transform_indices = @transform_9, window_bounds = array<i64: 64, 5>}]} {
    %eq3A = arith.constant 0 : i32
    %eq3A_0 = arith.cmpi eq, %arg0, %eq3A : i32
    %convert_element_type3A = arith.extui %eq3A_0 : i1 to i32
    %cond3A = arith.constant 0 : i32
    %cond3A_1 = arith.cmpi ne, %convert_element_type3A, %cond3A : i32
    scf.if %cond3A_1 {
      %broadcast_in_dim3A_46 = arith.constant 0.000000e+00 : f32
      %broadcast_in_dim3A_47 = vector.broadcast %broadcast_in_dim3A_46 : f32 to vector<64x256xf32>
      %swap3A_48 = arith.constant 0 : index
      %swap3A_49 = arith.constant 0 : index
      %swap3A_50 = vector.load %arg11[%swap3A_48, %swap3A_49] : memref<64x256xf32, #tpu.memory_space<vmem>>, vector<64x256xf32>
      tpu.vector_store %arg11[%swap3A_48, %swap3A_49], %broadcast_in_dim3A_47 {strides = array<i32>} : memref<64x256xf32, #tpu.memory_space<vmem>>, vector<64x256xf32>,
      %broadcast_in_dim3A_51 = arith.constant 0.000000e+00 : f32
      %broadcast_in_dim3A_52 = vector.broadcast %broadcast_in_dim3A_51 : f32 to vector<64x1xf32>
      %swap3A_53 = arith.constant 0 : index
      %swap3A_54 = arith.constant 0 : index
      %swap3A_55 = vector.load %arg12[%swap3A_53, %swap3A_54] : memref<64x1xf32, #tpu.memory_space<vmem>>, vector<64x1xf32>
      tpu.vector_store %arg12[%swap3A_53, %swap3A_54], %broadcast_in_dim3A_52 {strides = array<i32>} : memref<64x1xf32, #tpu.memory_space<vmem>>, vector<64x1xf32>,
    } else {
    }
    %get3A = arith.constant 0 : index
    %get3A_2 = arith.constant 0 : index
    %get3A_3 = vector.load %arg1[%get3A, %get3A_2] : memref<400x128xf32, #tpu.memory_space<vmem>>, vector<400x128xf32>
    %get3A_4 = arith.constant 0 : index
    %get3A_5 = arith.constant 0 : index
    %get3A_6 = vector.load %arg2[%get3A_4, %get3A_5] : memref<400x128xf32, #tpu.memory_space<vmem>>, vector<400x128xf32>
    %concatenate3A = tpu.concatenate %get3A_3, %get3A_6 in 1 : vector<400x128xf32>, vector<400x128xf32> -> vector<400x256xf32>
    %get3A_7 = arith.constant 0 : index
    %get3A_8 = arith.constant 0 : index
    %get3A_9 = vector.load %arg3[%get3A_7, %get3A_8] : memref<400x1xf32, #tpu.memory_space<vmem>>, vector<400x1xf32>
    %mul3A = vector.broadcast %get3A_9 : vector<400x1xf32> to vector<400x256xf32>
    %mul3A_10 = arith.mulf %concatenate3A, %mul3A : vector<400x256xf32>
    %get3A_11 = arith.constant 0 : index
    %get3A_12 = arith.constant 0 : index
    %get3A_13 = vector.load %arg4[%get3A_11, %get3A_12] : memref<1x256xf32, #tpu.memory_space<vmem>>, vector<1x256xf32>
    %add3A = vector.broadcast %get3A_13 : vector<1x256xf32> to vector<400x256xf32>
    %add3A_14 = arith.addf %mul3A_10, %add3A : vector<400x256xf32>
    %max3A = arith.constant 0.000000e+00 : f32
    %max3A_15 = vector.broadcast %max3A : f32 to vector<400x256xf32>
    %max3A_16 = arith.maximumf %add3A_14, %max3A_15 : vector<400x256xf32>
    %get3A_17 = arith.constant 0 : index
    %get3A_18 = arith.constant 0 : index
    %get3A_19 = arith.constant 0 : index
    %get3A_20 = vector.load %arg5[%get3A_17, %get3A_18, %get3A_19] : memref<1x1x400xi32, #tpu.memory_space<vmem>>, vector<1x1x400xi32>
    %get3A_21 = vector.shape_cast %get3A_20 : vector<1x1x400xi32> to vector<1x400xi32>
    %iota3A = tpu.iota {dimensions = array<i32: 0>} : vector<64x400xi32>
    %eq3A_22 = vector.broadcast %get3A_21 : vector<1x400xi32> to vector<64x400xi32>
    %eq3A_23 = arith.cmpi eq, %iota3A, %eq3A_22 : vector<64x400xi32>
    %convert_element_type3A_24 = arith.extui %eq3A_23 : vector<64x400xi1> to vector<64x400xi32>
    %convert_element_type3A_25 = arith.sitofp %convert_element_type3A_24 : vector<64x400xi32> to vector<64x400xf32>
    %get3A_26 = arith.constant 0 : index
    %get3A_27 = arith.constant 0 : index
    %get3A_28 = vector.load %arg11[%get3A_26, %get3A_27] : memref<64x256xf32, #tpu.memory_space<vmem>>, vector<64x256xf32>
    %dot_general3A = arith.constant dense<0.000000e+00> : vector<64x256xf32>
    %dot_general3A_29 = tpu.matmul %convert_element_type3A_25, %max3A_16, %dot_general3A {dimension_numbers = #tpu.dot_dimension_numbers<[1], [0], [0], [1], [0, 0, 1, 1], [], []>, transpose_lhs_hint = false} : vector<64x400xf32>, vector<400x256xf32>, vector<64x256xf32> -> vector<64x256xf32>
    %add3A_30 = arith.addf %get3A_28, %dot_general3A_29 : vector<64x256xf32>
    %swap3A = arith.constant 0 : index
    %swap3A_31 = arith.constant 0 : index
    %swap3A_32 = vector.load %arg11[%swap3A, %swap3A_31] : memref<64x256xf32, #tpu.memory_space<vmem>>, vector<64x256xf32>
    tpu.vector_store %arg11[%swap3A, %swap3A_31], %add3A_30 {strides = array<i32>} : memref<64x256xf32, #tpu.memory_space<vmem>>, vector<64x256xf32>,
    %get3A_33 = arith.constant 0 : index
    %get3A_34 = arith.constant 0 : index
    %get3A_35 = vector.load %arg12[%get3A_33, %get3A_34] : memref<64x1xf32, #tpu.memory_space<vmem>>, vector<64x1xf32>
    %reduce_sum3A = arith.constant dense<0.000000e+00> : vector<64xf32>
    %reduce_sum3A_36 = vector.multi_reduction <add>, %convert_element_type3A_25, %reduce_sum3A [1] : vector<64x400xf32> to vector<64xf32>
    %broadcast_in_dim3A = vector.shape_cast %reduce_sum3A_36 : vector<64xf32> to vector<64x1xf32>
    %add3A_37 = arith.addf %get3A_35, %broadcast_in_dim3A : vector<64x1xf32>
    %swap3A_38 = arith.constant 0 : index
    %swap3A_39 = arith.constant 0 : index
    %swap3A_40 = vector.load %arg12[%swap3A_38, %swap3A_39] : memref<64x1xf32, #tpu.memory_space<vmem>>, vector<64x1xf32>
    tpu.vector_store %arg12[%swap3A_38, %swap3A_39], %add3A_37 {strides = array<i32>} : memref<64x1xf32, #tpu.memory_space<vmem>>, vector<64x1xf32>,
    %eq3A_41 = arith.constant 24 : i32
    %eq3A_42 = arith.cmpi eq, %arg0, %eq3A_41 : i32
    %convert_element_type3A_43 = arith.extui %eq3A_42 : i1 to i32
    %cond3A_44 = arith.constant 0 : i32
    %cond3A_45 = arith.cmpi ne, %convert_element_type3A_43, %cond3A_44 : i32
    scf.if %cond3A_45 {
      %get3A_46 = arith.constant 0 : index
      %get3A_47 = arith.constant 0 : index
      %get3A_48 = vector.load %arg11[%get3A_46, %get3A_47] : memref<64x256xf32, #tpu.memory_space<vmem>>, vector<64x256xf32>
      %get3A_49 = arith.constant 0 : index
      %get3A_50 = arith.constant 0 : index
      %get3A_51 = vector.load %arg12[%get3A_49, %get3A_50] : memref<64x1xf32, #tpu.memory_space<vmem>>, vector<64x1xf32>
      %max3A_52 = arith.constant 1.000000e+00 : f32
      %max3A_53 = vector.broadcast %max3A_52 : f32 to vector<64x1xf32>
      %max3A_54 = arith.maximumf %get3A_51, %max3A_53 : vector<64x1xf32>
      %div3A = vector.broadcast %max3A_54 : vector<64x1xf32> to vector<64x256xf32>
      %div3A_55 = arith.divf %get3A_48, %div3A : vector<64x256xf32>
      %get3A_56 = arith.constant 0 : index
      %get3A_57 = arith.constant 0 : index
      %get3A_58 = vector.load %arg6[%get3A_56, %get3A_57] : memref<128x256xf32, #tpu.memory_space<vmem>>, vector<128x256xf32>
      %dot_general3A_59 = arith.constant dense<0.000000e+00> : vector<64x128xf32>
      %dot_general3A_60 = tpu.matmul %div3A_55, %get3A_58, %dot_general3A_59 {dimension_numbers = #tpu.dot_dimension_numbers<[1], [1], [0], [0], [0, 0, 1, 0], [], []>, transpose_lhs_hint = false} : vector<64x256xf32>, vector<128x256xf32>, vector<64x128xf32> -> vector<64x128xf32>
      %get3A_61 = arith.constant 0 : index
      %get3A_62 = arith.constant 0 : index
      %get3A_63 = vector.load %arg7[%get3A_61, %get3A_62] : memref<1x128xf32, #tpu.memory_space<vmem>>, vector<1x128xf32>
      %add3A_64 = vector.broadcast %get3A_63 : vector<1x128xf32> to vector<64x128xf32>
      %add3A_65 = arith.addf %dot_general3A_60, %add3A_64 : vector<64x128xf32>
      %max3A_66 = arith.constant 0.000000e+00 : f32
      %max3A_67 = vector.broadcast %max3A_66 : f32 to vector<64x128xf32>
      %max3A_68 = arith.maximumf %add3A_65, %max3A_67 : vector<64x128xf32>
      %get3A_69 = arith.constant 0 : index
      %get3A_70 = arith.constant 0 : index
      %get3A_71 = vector.load %arg8[%get3A_69, %get3A_70] : memref<5x128xf32, #tpu.memory_space<vmem>>, vector<5x128xf32>
      %dot_general3A_72 = arith.constant dense<0.000000e+00> : vector<64x5xf32>
      %dot_general3A_73 = tpu.matmul %max3A_68, %get3A_71, %dot_general3A_72 {dimension_numbers = #tpu.dot_dimension_numbers<[1], [1], [0], [0], [0, 0, 1, 0], [], []>, transpose_lhs_hint = false} : vector<64x128xf32>, vector<5x128xf32>, vector<64x5xf32> -> vector<64x5xf32>
      %get3A_74 = arith.constant 0 : index
      %get3A_75 = arith.constant 0 : index
      %get3A_76 = vector.load %arg9[%get3A_74, %get3A_75] : memref<1x5xf32, #tpu.memory_space<vmem>>, vector<1x5xf32>
      %add3A_77 = vector.broadcast %get3A_76 : vector<1x5xf32> to vector<64x5xf32>
      %add3A_78 = arith.addf %dot_general3A_73, %add3A_77 : vector<64x5xf32>
      %swap3A_79 = arith.constant 0 : index
      %swap3A_80 = arith.constant 0 : index
      %swap3A_81 = vector.load %arg10[%swap3A_79, %swap3A_80] : memref<64x5xf32, #tpu.memory_space<vmem>>, vector<64x5xf32>
      tpu.vector_store %arg10[%swap3A_79, %swap3A_80], %add3A_78 {strides = array<i32>} : memref<64x5xf32, #tpu.memory_space<vmem>>, vector<64x5xf32>,
    } else {
    }
    return
  }
  func.func @transform_0(%arg0: i32) -> (i32, i32) {
    %c0_i32 = arith.constant 0 : i32
    %c0_i32_0 = arith.constant 0 : i32
    return %arg0, %c0_i32 : i32, i32
  }
  func.func @transform_1(%arg0: i32) -> (i32, i32) {
    %c0_i32 = arith.constant 0 : i32
    %c0_i32_0 = arith.constant 0 : i32
    return %arg0, %c0_i32 : i32, i32
  }
  func.func @transform_2(%arg0: i32) -> (i32, i32) {
    %c0_i32 = arith.constant 0 : i32
    %c0_i32_0 = arith.constant 0 : i32
    return %arg0, %c0_i32 : i32, i32
  }
  func.func @transform_3(%arg0: i32) -> (i32, i32) {
    %c0_i32 = arith.constant 0 : i32
    %c0_i32_0 = arith.constant 0 : i32
    %c0_i32_1 = arith.constant 0 : i32
    return %c0_i32, %c0_i32_0 : i32, i32
  }
  func.func @transform_4(%arg0: i32) -> (i32, i32, i32) {
    %c0_i32 = arith.constant 0 : i32
    %c0_i32_0 = arith.constant 0 : i32
    %c0_i32_1 = arith.constant 0 : i32
    return %arg0, %c0_i32, %c0_i32_0 : i32, i32, i32
  }
  func.func @transform_5(%arg0: i32) -> (i32, i32) {
    %c0_i32 = arith.constant 0 : i32
    %c0_i32_0 = arith.constant 0 : i32
    %c0_i32_1 = arith.constant 0 : i32
    return %c0_i32, %c0_i32_0 : i32, i32
  }
  func.func @transform_6(%arg0: i32) -> (i32, i32) {
    %c0_i32 = arith.constant 0 : i32
    %c0_i32_0 = arith.constant 0 : i32
    %c0_i32_1 = arith.constant 0 : i32
    return %c0_i32, %c0_i32_0 : i32, i32
  }
  func.func @transform_7(%arg0: i32) -> (i32, i32) {
    %c0_i32 = arith.constant 0 : i32
    %c0_i32_0 = arith.constant 0 : i32
    %c0_i32_1 = arith.constant 0 : i32
    return %c0_i32, %c0_i32_0 : i32, i32
  }
  func.func @transform_8(%arg0: i32) -> (i32, i32) {
    %c0_i32 = arith.constant 0 : i32
    %c0_i32_0 = arith.constant 0 : i32
    %c0_i32_1 = arith.constant 0 : i32
    return %c0_i32, %c0_i32_0 : i32, i32
  }
  func.func @transform_9(%arg0: i32) -> (i32, i32) {
    %c0_i32 = arith.constant 0 : i32
    %c0_i32_0 = arith.constant 0 : i32
    %c0_i32_1 = arith.constant 0 : i32
    return %c0_i32, %c0_i32_0 : i32, i32
  }
}

</mosaic_0001>

<sc_bundles>
// kernel: kernel.11.cloned.1.call-start
scs
__scs_entry_jumppad:
0x0: {  	(pc) =	sbr.rel $0x88, $3  }
0x1: {  	(tag) =	ssettag $0x0;
	lr =	simm.s32 $0x1  }
0x2: {  	[smem:$0x3F92] =	sst lr;
	_ =	strace $0xD0000000  }
0x3: {  	_ = 	snop  }
0x4: {  	_ = 	snop  }
0x5: {  	_ = 	snop  }
0x6: {  	_ = 	snop  }
0x7: {  	_ = 	snop  }
__scs_overlays_trampoline_lowered:
0x8: {  	[smem:$0x3FA1] =	sst s0  }
0x9: {  	[smem:$0x3FA2] =	sst s1  }
0xa: {  	[smem:$0x3FA3] =	sst s2  }
0xb: {  	[smem:$0x3FA4] =	sst s3  }
0xc: {  	[smem:$0x3FA5] =	sst s4  }
0xd: {  	[smem:$0x3FA6] =	sst s5  }
0xe: {  	[smem:$0x3FA7] =	sst s6  }
0xf: {  	[smem:$0x3FA8] =	sst s7  }
0x10: {  	[smem:$0x3FA9] =	sst s8  }
0x11: {  	[smem:$0x3FAA] =	sst s9;
	s0 =	simm.s32 @!p0 $0x0  }
0x12: {  	s1 =	sld [smem:$0x3F90];
	s0 =	simm.s32 @p0 $0x1  }
0x13: {  	[smem:$0x3FAB] =	sst s0;
	s0 =	simm.s32 @!p1 $0x0  }
0x14: {  	s2 =	sld [smem:$0x3F8F];
	s0 =	simm.s32 @p1 $0x1  }
0x15: {  	[smem:$0x3FAC] =	sst s0;
	s0 =	simm.s32 @!p2 $0x0  }
0x16: {  	s3 =	sld [smem:$0x3FDB];
	s0 =	simm.s32 @p2 $0x1  }
0x17: {  	s4 =	simm.s32 $0x1BF5;
	[smem:$0x3FAE] =	sst s0  }
0x18: {  	s0 =	sld [smem:$0x3F91];
	_ =	swait.ge [sflag:s4], $0x0  }
0x19: {  	s7 =	sld [smem:$0x3F92]  }
0x1a: {  	s8 =	sadd.s32 $0xFFFFE003, lr  }
0x1b: {  	s9 =	sadd.s32 $0xFFFFFEF7, lr;
	s5 =	simm.s32 $0xFFFFFFFF;
	p2 =	slt.u32 s8, $0xFFFFF086  }
0x1c: {  	p1 =	slt.u32 s9, $0xF7A;
	s5 =	simm.s32 @!p2 $0x0  }
0x1d: {  	s5 =	simm.s32 @p1 $0x1;
	p0 =	seq.s32 s7, s2  }
0x1e: {  	s7 =	smul.u32 @!p0 $0xF7A, s2;
	p2 =	seq.s32 @!p0 s5, $0x0  }
0x1f: {  	s9 =	smul.u32 $0xF7A, s1;
	s8 =	simm.s32 @!p0 $0x1BF5;
	p2 =	por !p2, p0  }
0x20: {  	[sflag:s8] =	ssyncset.s32 @!p0 $0xFFFFF086;
	s6 =	sadd.s32 @!p0 s3, s7;
	s7 =	simm.s32 @!p0 $0x108  }
0x21: {  	s3 =	sadd.s32 s3, s9;
	s6 =	sadd.s32 @!p0 $0x88, s6;
	s7 =	simm.s32 @p2 $0x1082  }
0x22: {  	[simem:s7], [sflag:s8] =	dma.local @!p0 [hbm:s6], $0xF7A  }
0x23: {  	s9 =	sor.u32 $0xD0000000, s2;
	s6 =	simm.s32 $0x108;
	_ =	swait.ge @!p0 [sflag:s8], $0x0  }
0x24: {  	s3 =	sadd.s32 $0x88, s3;
	s6 =	simm.s32 @!p1 $0x1082;
	[sflag:s4] =	ssyncset.s32 $0xFFFFF086  }
0x25: {  	[simem:s6], [sflag:s4] =	dma.local [hbm:s3], $0xF7A  }
0x26: {  	[smem:$0x3F92] =	sst s1;
	(tag) =	ssettag s2;
	_ =	strace s9  }
0x27: {  	s1 =	sld [smem:$0x3FA2]  }
0x28: {  	s2 =	sld [smem:$0x3FA3]  }
0x29: {  	s4 =	sld [smem:$0x3FA5]  }
0x2a: {  	p0 =	seq.s32 s5, $0x0;
	s5 =	sld [smem:$0x3FA6]  }
0x2b: {  	s6 =	sld [smem:$0x3FA7]  }
0x2c: {  	s7 =	sld [smem:$0x3FA8]  }
0x2d: {  	s3 =	simm.s32 $0x108;
	s8 =	sld [smem:$0x3FA9]  }
0x2e: {  	s3 =	simm.s32 @!p0 $0x1082;
	s9 =	sld [smem:$0x3FAA]  }
0x2f: {  	lr =	sadd.s32 s0, s3;
	s0 =	sld [smem:$0x3FA1]  }
0x30: {  	s3 =	sld [smem:$0x3FA4]  }
0x31: {  	[smem:$0x3FAD] =	sst s10  }
0x32: {  	s10 =	sld [smem:$0x3FAB];
	_ =	sdelay $0x3  }
0x33: {  	p0 =	seq.s32 s10, $0x1;
	s10 =	sld [smem:$0x3FAD];
	_ =	sdelay $0x3  }
0x34: {  	[smem:$0x3FAD] =	sst s10  }
0x35: {  	s10 =	sld [smem:$0x3FAC];
	_ =	sdelay $0x3  }
0x36: {  	p1 =	seq.s32 s10, $0x1;
	s10 =	sld [smem:$0x3FAD];
	_ =	sdelay $0x3  }
0x37: {  	[smem:$0x3FAD] =	sst s10  }
0x38: {  	s10 =	sld [smem:$0x3FAE]  }
0x39: {  	_ = 	snop;
	(pc) =	sbr.ind lr, $3  }
0x3a: {  	_ = 	snop  }
0x3b: {  	_ = 	snop  }
0x3c: {  	p2 =	seq.s32 s10, $0x1;
	s10 =	sld [smem:$0x3FAD]  }
0x3d: {  	_ =	shalt  }
0x3e: {  	_ =	shalt  }
0x3f: {  	_ =	shalt  }
0x40: {  	_ =	shalt  }
0x41: {  	_ =	shalt  }
0x42: {  	_ =	shalt  }
0x43: {  	_ =	shalt  }
0x44: {  	_ =	shalt  }
0x45: {  	_ =	shalt  }
0x46: {  	_ =	shalt  }
0x47: {  	_ =	shalt  }
0x48: {  	_ =	shalt  }
0x49: {  	_ =	shalt  }
0x4a: {  	_ =	shalt  }
0x4b: {  	_ =	shalt  }
0x4c: {  	_ =	shalt  }
0x4d: {  	_ =	shalt  }
0x4e: {  	_ =	shalt  }
0x4f: {  	_ =	shalt  }
0x50: {  	_ =	shalt  }
0x51: {  	_ =	shalt  }
0x52: {  	_ =	shalt  }
0x53: {  	_ =	shalt  }
0x54: {  	_ =	shalt  }
0x55: {  	_ =	shalt  }
0x56: {  	_ =	shalt  }
0x57: {  	_ =	shalt  }
0x58: {  	_ =	shalt  }
0x59: {  	_ =	shalt  }
0x5a: {  	_ =	shalt  }
0x5b: {  	_ =	shalt  }
0x5c: {  	_ =	shalt  }
0x5d: {  	_ =	shalt  }
0x5e: {  	_ =	shalt  }
0x5f: {  	_ =	shalt  }
0x60: {  	_ =	shalt  }
0x61: {  	_ =	shalt  }
0x62: {  	_ =	shalt  }
0x63: {  	_ =	shalt  }
0x64: {  	_ =	shalt  }
0x65: {  	_ =	shalt  }
0x66: {  	_ =	shalt  }
0x67: {  	_ =	shalt  }
0x68: {  	_ =	shalt  }
0x69: {  	_ =	shalt  }
0x6a: {  	_ =	shalt  }
0x6b: {  	_ =	shalt  }
0x6c: {  	_ =	shalt  }
0x6d: {  	_ =	shalt  }
0x6e: {  	_ =	shalt  }
0x6f: {  	_ =	shalt  }
0x70: {  	_ =	shalt  }
0x71: {  	_ =	shalt  }
0x72: {  	_ =	shalt  }
0x73: {  	_ =	shalt  }
0x74: {  	_ =	shalt  }
0x75: {  	_ =	shalt  }
0x76: {  	_ =	shalt  }
0x77: {  	_ =	shalt  }
0x78: {  	_ =	shalt  }
0x79: {  	_ =	shalt  }
0x7a: {  	_ =	shalt  }
0x7b: {  	_ =	shalt  }
0x7c: {  	_ =	shalt  }
0x7d: {  	_ =	shalt  }
0x7e: {  	_ =	shalt  }
0x7f: {  	_ =	shalt  }
0x80: {  	_ =	shalt  }
0x81: {  	_ =	shalt  }
0x82: {  	_ =	shalt  }
0x83: {  	_ =	shalt  }
0x84: {  	_ =	shalt  }
0x85: {  	_ =	shalt  }
0x86: {  	_ =	shalt  }
0x87: {  	_ =	shalt  }
.Lfunc_end0:
.L_simem_size_0:
called_computation.1_lowered:
.L_overlay_start_0:
0x88: {  	s2 =	sld [smem:$0x3FD9]  }
0x89: {  	s3 =	sld [smem:$0x3FFE];
	_ =	sdelay $0x1  }
0x8a: {  	s1 =	srdreg.scid  }
0x8b: {  	s0 =	sand.u32 $0x1, s1  }
0x8c: {  	s16 =	sshll.u32 s0, $0xA;
	s2 =	sadd.s32 s3, s2  }
0x8d: {  	s2 =	sadd.s32 s2, s16  }
0x8e: {  	[smem:$0x3FB9] =	sst s2  }
0x8f: {  	_ = 	snop  }
0x90: {  	(tm) =	ssettm $0x1  }
0x91: {  	s17 =	sld [smem:$0x3FFB];
	_ =	sdelay $0x3  }
0x92: {  	_ =	strace s17  }
0x93: {  	s2 =	sld [smem:$0x3FFC];
	_ =	sdelay $0x3  }
0x94: {  	_ =	strace s2  }
0x95: {  	s2 =	sld [smem:$0x3FFD];
	_ =	sdelay $0x3  }
0x96: {  	_ =	strace s2  }
0x97: {  	_ =	strace $0x8FFFFFFF  }
0x98: {  	s18 =	sld [smem:$0x3FDB];
	_ =	sdelay $0x1  }
0x99: {  	s19 =	simm.s32 $_scs_section_size  }
0x9a: {  	s4 =	simm.s32 $_size__tile_overlayer_lowered;
	s5 =	simm.s32 $_tile_overlayer_lowered  }
0x9b: {  	s22 =	simm.s32 $0x1BFF;
	s21 =	sshll.u32 s5, $0x1;
	s2 =	sadd.s32 s19, s18  }
0x9c: {  	s6 =	simm.s32 $0x0;
	s20 =	sshll.u32 s4, $0x1;
	s4 =	sadd.s32 s21, s2  }
0x9d: {  	[timem:s6], [sflag:s22] =	dma.local [hbm:s4], s20  }
0x9e: {  	_ =	swait.ge [sflag:s22], s20  }
0x9f: {  	s3 =	ssub.s32 $0x0, s20;
	[sflag:s22] =	ssyncset.done $0x0  }
0xa0: {  	[sflag:s22] =	ssyncadd.s32 s3;
	_ =	sdelay $0x1  }
0xa1: {  	s23 =	simm.s32 $0x1B8B  }
0xa2: {  	_ =	swait.ge [sflag:s23], $0x1  }
0xa3: {  	[sflag:s23] =	ssyncset.done $0x0  }
0xa4: {  	s25 =	simm.s32 $0x1B8E;
	s24 =	sld [smem:$0x3FFE];
	[sflag:s23] =	ssyncadd.s32 $0xFFFFFFFF  }
0xa5: {  	s26 =	simm.s32 $execute0_lowered;
	[smem:$0x3FD2] =	sst s25  }
0xa6: {  	s4 =	sshll.u32 s26, $0x1;
	_ =	strace $0x80000049;
	[dreg:$0x1] =	wrdreg $0xFFFFFFFF  }
0xa7: {  	s28 =	simm.s32 $_size_execute0_lowered;
	s2 =	sadd.s32 s2, s4;
	[dreg:$0x0] =	wrdreg $0x0  }
0xa8: {  	s4 =	sshll.u32 s28, $0x1;
	[dreg:$0x2] =	wrdreg s2  }
0xa9: {  	[dreg:$0x3] =	wrdreg s4  }
0xaa: {  	[dreg:$0x4] =	wrdreg $0xC0  }
0xab: {  	_ =	task [dreg:s6], $0x5FFFF  }
0xac: {  	[dreg:$0x1] =	wrdreg $0xFFFFFFFF  }
0xad: {  	[dreg:$0x0] =	wrdreg $0x60  }
0xae: {  	[dreg:$0x2] =	wrdreg s24  }
0xaf: {  	[dreg:$0x3] =	wrdreg $0x0  }
0xb0: {  	[dreg:$0x4] =	wrdreg $0x9  }
0xb1: {  	_ =	task.clear_ibuf [dreg:s6], $0x5FFFF;
	_ =	strace $0x90000049  }
0xb2: {  	s29 =	simm.s32 $0x9;
	_ =	strace $0x8000004B  }
0xb3: {  	_ =	swait.ge [sflag:s29], $0x1  }
0xb4: {  	[sflag:s29] =	ssyncadd.s32 $0xFFFFFFFF  }
0xb5: {  	_ =	strace $0x9000004B  }
0xb6: {  	_ =	sfence  }
0xb7: {  	s30 =	sld [smem:$0x0];
	_ =	sdelay $0x2  }
0xb8: {  	s31 =	sshll.u32 s1, $0xD;
	s1 =	sshrl.u32 s1, $0x2  }
0xb9: {  	s3 =	sand.u32 $0x4000, s31;
	s1 =	sadd.s32 s1, s30  }
0xba: {  	s0 =	sor.u32 s3, s0;
	s1 =	sshll.u32 s1, $0x11  }
0xbb: {  	s0 =	sor.u32 s1, s0  }
0xbc: {  	s0 =	sadd.s32 $0x8F2B, s0  }
0xbd: {  	[sflag:s0] =	ssyncadd.remote.s32 $0x1  }
0xbe: {  	_ =	sfence.sel $0xFFFF  }
0xbf: {  	[dreg:$0x0] =	wrdreg $0xFFFFFFFF;
	(pc) =	sbr.abs _section_cstart, $3  }
0xc0: {  	[dreg:$0x1] =	wrdreg $0xFFFFFFFF  }
0xc1: {  	_ =	task.clear_ibuf [dreg:s6], $0x2FFFF;
	_ =	strace $0x9FFFFFFF  }
0xc2: {  	(tm) =	ssettm $0x7FFFFFFF  }
0xc3: {  	_ =	shalt  }
tec
execute0_lowered:
.L_overlay_start_1:
0x0: {  	(tag) =	ssettag $0x1  }
0x1: {  	s0 =	rddreg [dreg:$0x0]  }
0x2: {  	s1 =	rddreg [dreg:$0x1];
	s2 =	simm.s32 $0x0  }
0x3: {  	s3 =	srdreg.scid;
	s11 =	stileid.u32;
	s28 =	simm.s32 $0x16C00  }
0x4: {  	s29 =	simm.s32 $0x14100;
	s30 =	simm.s32 $0x14180;
	s31 =	simm.s32 $0x14300  }
0x5: {  	s15 =	simm.s32 $0x4;
	[smem:$0x7FF] =	sst s2;
	s4 =	sadd.s32 $0xF000, s0  }
0x6: {  	s5 =	sadd.s32 $0x37000, s0;
	s3 =	sand.u32 $0x1, s3;
	s8 =	smul.u32 $0x50000, s11  }
0x7: {  	s6 =	sadd.s32 $0xA000, s0;
	s9 =	sadd.s32 $0x4400, s0;
	s12 =	smul.u32 $0x2800, s11  }
0x8: {  	s13 =	sadd.s32 $0x87000, s0;
	s0 =	sadd.s32 $0xAF000, s0;
	s24 =	smul.u32 $0x500, s11  }
0x9: {  	s26 =	sshll.u32 s11, $0x6;
	_ =	strace $0x8000004A;
	[dreg:$0x4] =	wrdreg s13  }
0xa: {  	s7 =	ssub.s32 $0x2, s3;
	[dreg:$0x5] =	wrdreg s0;
	p0 =	seq.s32 s3, $0x1  }
0xb: {  	[dreg:$0xc] =	wrdreg s26;
	s13 =	simm.s32 $0x5;
	s10 =	sshrl.u32 s7, $0x1  }
0xc: {  	s20 =	sshrl.u32 s8, $0x2;
	s21 =	sshrl.u32 s12, $0x3;
	s22 =	sadd.s32 s4, s12  }
0xd: {  	[dreg:$0x3] =	wrdreg s12;
	s25 =	sadd.s32 s5, s12;
	s16 =	sadd.s32 s24, s9  }
0xe: {  	s17 =	sadd.s32 s24, s6;
	s24 =	simm.s32 $0x1;
	s12 =	simm.s32 $0x0  }
0xf: {  	s19 =	ssub.s32 s7, s10;
	s3 =	sadd.s32 s20, s1;
	[dreg:$0x6] =	wrdreg s22  }
0x10: {  	s23 =	sadd.s32 s6, s21;
	s7 =	sadd.s32 s9, s21;
	[dreg:$0xa] =	wrdreg s25  }
0x11: {  	s20 =	simm.s32 $0x7;
	s21 =	simm.s32 $0x14000;
	s22 =	simm.s32 $0x14080  }
0x12: {  	s25 =	simm.s32 $0x50;
	s9 =	simm.s32 $0xA0;
	[dreg:$0x7] =	wrdreg s23  }
.Ltmp0:
0x13: {  	s8 =	sadd.s32 $0xA, s23;
	[dreg:$0x9] =	wrdreg s7;
	(pc) =	sbr.rel .LBB2_1-.Ltmp0, $4  }
0x14: {  	s0 =	smax.u32 s19, $0x1;
	s19 =	sshrl.u32 s3, $0x3;
	s23 =	simm.s32 $0x14200  }
0x15: {  	s3 =	simm.s32 $0x2;
	s7 =	simm.s32 $0x19400;
	[dreg:$0x8] =	wrdreg s8  }
0x16: {  	[dreg:$0xb] =	wrdreg s0;
	s0 =	sor.u32 $0x1C07, s26;
	s26 =	simm.s32 $0x14400  }
0x17: {  	s8 =	simm.s32 $0x1BC00;
	[dreg:$0xd] =	wrdreg s0;
	s0 =	simm.s32 $0x3  }
.LBB2_8:
0x18: {  	s6 =	rddreg [dreg:$0x5]  }
0x19: {  	s18 =	rddreg [dreg:$0xd]  }
.LBB2_9:
0x1a: {  	_ =	swait.ge [sflag:s15], $0x2800  }
0x1b: {  	[sflag:s15] =	ssyncset.done $0x0  }
0x1c: {  	[sflag:s15] =	ssyncadd.s32 $0xFFFFD800  }
0x1d: {  	_ =	swait.ge [sflag:s15], $0x2800  }
0x1e: {  	[sflag:s15] =	ssyncset.done $0x0  }
0x1f: {  	s10 =	simm.s32 $0x6;
	[sflag:s15] =	ssyncadd.s32 $0xFFFFD800  }
0x20: {  	[spmem:s1] =	stream.indirect.scatter.add.f32 [tilespmem:s7], [sflag:$0x6], $0x80, s31, s9, $0xb8;
	[tilespmem:$0x1E400] =	vst v63  }
0x21: {  	_ =	swait.ge [sflag:s10], $0x5000  }
0x22: {  	[sflag:s10] =	ssyncset.done $0x0  }
0x23: {  	s14 =	rddreg [dreg:$0x3];
	[sflag:s10] =	ssyncadd.s32 $0xFFFFB000  }
0x24: {  	s6 =	sadd.s32 s6, s14;
	[bflag:$0x0] =	sbarrier.arrive $0xFFFF  }
0x25: {  	[hbm:s6], [sflag:s18] =	dma.local [spmem:s19], $0x2800  }
0x26: {  	_ =	swait.ge [sflag:s20], $0x2800  }
0x27: {  	s12 =	sadd.s32 $0x1, s12;
	s18 =	rddreg [dreg:$0xb]  }
0x28: {  	p1 =	sne.s32 s12, s18  }
.Ltmp1:
0x29: {  	_ = 	snop;
	(pc) =	sbr.rel @!p1 .LBB2_10-.Ltmp1, $3  }
0x2a: {  	_ =	sdelay $0x1  }
0x2b: {  	[sflag:s20] =	ssyncset.done $0x0  }
0x2c: {  	[sflag:s20] =	ssyncadd.s32 $0xFFFFD800  }
.LBB2_1:
.Ltmp2:
0x2d: {  	(pc) =	sbr.rel @!p0 .LBB2_2-.Ltmp2, $1  }
0x2e: {  	_ =	sdelay $0x3  }
0x2f: {  	s6 =	rddreg [dreg:$0xa]  }
0x30: {  	s10 =	rddreg [dreg:$0xd]  }
0x31: {  	[spmem:s19], [sflag:s10] =	dma.local [hbm:s6], $0x2800  }
0x32: {  	_ =	swait.ge [sflag:s20], $0x2800  }
0x33: {  	[sflag:s20] =	ssyncset.done $0x0  }
0x34: {  	[sflag:s20] =	ssyncadd.s32 $0xFFFFD800  }
0x35: {  	[bflag:$0x0] =	sbarrier.arrive $0xFFFF  }
0x36: {  	s10 =	simm.s32 $0x0;
	s11 =	rddreg [dreg:$0x7]  }
0x37: {  	[tilespmem:s21], [sflag:$0x1] =	stream.linear.gather [hbm4b:s11+s10], $0x50, $0x38;
	[tilespmem:$0x1E400] =	vst v63  }
0x38: {  	s14 =	rddreg [dreg:$0x8]  }
0x39: {  	[tilespmem:s22], [sflag:$0x1] =	stream.linear.gather [hbm4b:s14+s10], $0x50, $0x38;
	[tilespmem:$0x1E400] =	vst v63  }
0x3a: {  	s18 =	rddreg [dreg:$0x9]  }
0x3b: {  	[tilespmem:s23], [sflag:$0x1] =	stream.linear.gather [hbm4b:s18+s10], $0xA0, $0x38;
	[tilespmem:$0x1E400] =	vst v63  }
0x3c: {  	_ =	swait.ge [sflag:s24], $0x50  }
0x3d: {  	[sflag:s24] =	ssyncset.done $0x0  }
0x3e: {  	[sflag:s24] =	ssyncadd.s32 $0xFFFFFFB0  }
0x3f: {  	_ =	swait.ge [sflag:s24], $0x50  }
0x40: {  	[sflag:s24] =	ssyncset.done $0x0  }
0x41: {  	[sflag:s24] =	ssyncadd.s32 $0xFFFFFFB0  }
0x42: {  	_ =	swait.ge [sflag:s24], $0xA0  }
0x43: {  	[sflag:s24] =	ssyncset.done $0x0  }
0x44: {  	[sflag:s24] =	ssyncadd.s32 $0xFFFFFF60  }
0x45: {  	[tilespmem:s26], [sflag:$0x3] =	stream.indirect.gather [hbm4b:s5+s25], $0x80, s21, s25, $0xb8;
	[tilespmem:$0x1E400] =	vst v63  }
0x46: {  	_ = 	snop  }
0x47: {  	[tilespmem:s28], [sflag:$0x3] =	stream.indirect.gather [hbm4b:s5+s25], $0x80, s22, s25, $0xb8;
	[tilespmem:$0x1E400] =	vst v63  }
.LBB2_7:
0x48: {  	p1 =	seq.s32 s10, $0x0  }
0x49: {  	s6 =	simm.s32 @!p1 $0x6  }
0x4a: {  	_ =	swait.ge @!p1 [sflag:s6], $0x5000  }
0x4b: {  	s14 =	sadd.s32 s10, s17;
	[sflag:s6] =	ssyncset.done @!p1 $0x0  }
0x4c: {  	s11 =	sadd.s32 $0x14, s14;
	[sflag:s6] =	ssyncadd.s32 @!p1 $0xFFFFB000  }
0x4d: {  	[tilespmem:s29], [sflag:$0x2] =	stream.linear.gather [hbm4b:s11+s2], $0x50, $0x38;
	[tilespmem:$0x1E400] =	vst v63  }
0x4e: {  	s18 =	sadd.s32 $0x1E, s14;
	s6 =	sadd.s32 s10, s16  }
0x4f: {  	[tilespmem:s30], [sflag:$0x2] =	stream.linear.gather [hbm4b:s18+s2], $0x50, $0x38;
	[tilespmem:$0x1E400] =	vst v63  }
0x50: {  	s11 =	sadd.s32 $0x14, s6  }
0x51: {  	[tilespmem:s31], [sflag:$0x2] =	stream.linear.gather [hbm4b:s11+s2], $0xA0, $0x38;
	[tilespmem:$0x1E400] =	vst v63  }
0x52: {  	_ =	swait.ge [sflag:s0], $0x2800  }
0x53: {  	[sflag:s0] =	ssyncset.done $0x0  }
0x54: {  	[sflag:s0] =	ssyncadd.s32 $0xFFFFD800  }
0x55: {  	_ =	swait.ge [sflag:s0], $0x2800  }
0x56: {  	[sflag:s0] =	ssyncset.done $0x0  }
0x57: {  	[sflag:s0] =	ssyncadd.s32 $0xFFFFD800  }
0x58: {  	_ =	swait.ge [sflag:s3], $0x50  }
0x59: {  	[sflag:s3] =	ssyncset.done $0x0  }
0x5a: {  	[sflag:s3] =	ssyncadd.s32 $0xFFFFFFB0  }
0x5b: {  	_ =	swait.ge [sflag:s3], $0x50  }
0x5c: {  	[sflag:s3] =	ssyncset.done $0x0  }
0x5d: {  	[sflag:s3] =	ssyncadd.s32 $0xFFFFFFB0  }
0x5e: {  	_ =	swait.ge [sflag:s3], $0xA0  }
0x5f: {  	[sflag:s3] =	ssyncset.done $0x0  }
0x60: {  	[sflag:s3] =	ssyncadd.s32 $0xFFFFFF60  }
0x61: {  	[tilespmem:s7], [sflag:$0x4] =	stream.indirect.gather [hbm4b:s5+s25], $0x80, s29, s25, $0xb8;
	[tilespmem:$0x1E400] =	vst v63  }
0x62: {  	p1 =	seq.s32 s10, $0x4D8  }
0x63: {  	[tilespmem:s8], [sflag:$0x4] =	stream.indirect.gather [hbm4b:s5+s25], $0x80, s30, s25, $0xb8;
	[tilespmem:$0x1E400] =	vst v63  }
.Ltmp3:
0x64: {  	_ = 	snop;
	(pc) =	sbr.rel @p1 .LBB2_8-.Ltmp3, $4  }
0x65: {  	[spmem:s1] =	stream.indirect.scatter.add.f32 [tilespmem:s26], [sflag:$0x5], $0x80, s23, s9, $0xb8;
	[tilespmem:$0x1E400] =	vst v63  }
0x66: {  	_ =	swait.ge [sflag:s13], $0x5000  }
0x67: {  	[sflag:s13] =	ssyncset.done $0x0  }
0x68: {  	[sflag:s13] =	ssyncadd.s32 $0xFFFFB000  }
0x69: {  	s11 =	sadd.s32 $0x28, s14  }
0x6a: {  	[tilespmem:s21], [sflag:$0x1] =	stream.linear.gather [hbm4b:s11+s2], $0x50, $0x38;
	[tilespmem:$0x1E400] =	vst v63  }
0x6b: {  	s18 =	sadd.s32 $0x32, s14  }
0x6c: {  	[tilespmem:s22], [sflag:$0x1] =	stream.linear.gather [hbm4b:s18+s2], $0x50, $0x38;
	[tilespmem:$0x1E400] =	vst v63  }
0x6d: {  	s6 =	sadd.s32 $0x28, s6  }
0x6e: {  	[tilespmem:s23], [sflag:$0x1] =	stream.linear.gather [hbm4b:s6+s2], $0xA0, $0x38;
	[tilespmem:$0x1E400] =	vst v63  }
0x6f: {  	_ =	swait.ge [sflag:s15], $0x2800  }
0x70: {  	[sflag:s15] =	ssyncset.done $0x0  }
0x71: {  	[sflag:s15] =	ssyncadd.s32 $0xFFFFD800  }
0x72: {  	_ =	swait.ge [sflag:s15], $0x2800  }
0x73: {  	[sflag:s15] =	ssyncset.done $0x0  }
0x74: {  	[sflag:s15] =	ssyncadd.s32 $0xFFFFD800  }
0x75: {  	_ =	swait.ge [sflag:s24], $0x50  }
0x76: {  	[sflag:s24] =	ssyncset.done $0x0  }
0x77: {  	[sflag:s24] =	ssyncadd.s32 $0xFFFFFFB0  }
0x78: {  	_ =	swait.ge [sflag:s24], $0x50  }
0x79: {  	[sflag:s24] =	ssyncset.done $0x0  }
0x7a: {  	[sflag:s24] =	ssyncadd.s32 $0xFFFFFFB0  }
0x7b: {  	_ =	swait.ge [sflag:s24], $0xA0  }
0x7c: {  	[sflag:s24] =	ssyncset.done $0x0  }
0x7d: {  	[sflag:s24] =	ssyncadd.s32 $0xFFFFFF60  }
0x7e: {  	[tilespmem:s26], [sflag:$0x3] =	stream.indirect.gather [hbm4b:s5+s25], $0x80, s21, s25, $0xb8;
	[tilespmem:$0x1E400] =	vst v63  }
.Ltmp4:
0x7f: {  	_ = 	snop;
	(pc) =	sbr.rel .LBB2_7-.Ltmp4, $4  }
0x80: {  	_ = 	snop  }
0x81: {  	[tilespmem:s28], [sflag:$0x3] =	stream.indirect.gather [hbm4b:s5+s25], $0x80, s22, s25, $0xb8;
	[tilespmem:$0x1E400] =	vst v63  }
0x82: {  	s10 =	sadd.s32 $0x28, s10  }
0x83: {  	[spmem:s1] =	stream.indirect.scatter.add.f32 [tilespmem:s7], [sflag:$0x6], $0x80, s31, s9, $0xb8;
	[tilespmem:$0x1E400] =	vst v63  }
.LBB2_2:
0x84: {  	s6 =	rddreg [dreg:$0xc]  }
0x85: {  	s11 =	rddreg [dreg:$0x6];
	s18 =	sor.u32 $0x1C07, s6  }
0x86: {  	[spmem:s19], [sflag:s18] =	dma.local [hbm:s11], $0x2800  }
0x87: {  	_ =	swait.ge [sflag:s20], $0x2800  }
0x88: {  	[sflag:s20] =	ssyncset.done $0x0  }
0x89: {  	[sflag:s20] =	ssyncadd.s32 $0xFFFFD800  }
0x8a: {  	[bflag:$0x0] =	sbarrier.arrive $0xFFFF  }
0x8b: {  	s10 =	simm.s32 $0x0;
	s14 =	rddreg [dreg:$0x7]  }
0x8c: {  	[tilespmem:s21], [sflag:$0x1] =	stream.linear.gather [hbm4b:s14+s10], $0x50, $0x38;
	[tilespmem:$0x1E400] =	vst v63  }
0x8d: {  	s11 =	rddreg [dreg:$0x8]  }
0x8e: {  	[tilespmem:s22], [sflag:$0x1] =	stream.linear.gather [hbm4b:s11+s10], $0x50, $0x38;
	[tilespmem:$0x1E400] =	vst v63  }
0x8f: {  	s14 =	rddreg [dreg:$0x9]  }
0x90: {  	[tilespmem:s23], [sflag:$0x1] =	stream.linear.gather [hbm4b:s14+s10], $0xA0, $0x38;
	[tilespmem:$0x1E400] =	vst v63  }
0x91: {  	_ =	swait.ge [sflag:s24], $0x50  }
0x92: {  	[sflag:s24] =	ssyncset.done $0x0  }
0x93: {  	[sflag:s24] =	ssyncadd.s32 $0xFFFFFFB0  }
0x94: {  	_ =	swait.ge [sflag:s24], $0x50  }
0x95: {  	[sflag:s24] =	ssyncset.done $0x0  }
0x96: {  	[sflag:s24] =	ssyncadd.s32 $0xFFFFFFB0  }
0x97: {  	_ =	swait.ge [sflag:s24], $0xA0  }
0x98: {  	[sflag:s24] =	ssyncset.done $0x0  }
0x99: {  	[sflag:s24] =	ssyncadd.s32 $0xFFFFFF60  }
0x9a: {  	[tilespmem:s26], [sflag:$0x3] =	stream.indirect.gather [hbm4b:s4+s25], $0x80, s21, s25, $0xb8;
	[tilespmem:$0x1E400] =	vst v63  }
0x9b: {  	_ = 	snop  }
0x9c: {  	[tilespmem:s28], [sflag:$0x3] =	stream.indirect.gather [hbm4b:s4+s25], $0x80, s22, s25, $0xb8;
	[tilespmem:$0x1E400] =	vst v63  }
.LBB2_3:
0x9d: {  	p1 =	seq.s32 s10, $0x0  }
0x9e: {  	s6 =	simm.s32 @!p1 $0x6  }
0x9f: {  	_ =	swait.ge @!p1 [sflag:s6], $0x5000  }
0xa0: {  	s14 =	sadd.s32 s10, s17;
	[sflag:s6] =	ssyncset.done @!p1 $0x0  }
0xa1: {  	s11 =	sadd.s32 $0x14, s14;
	[sflag:s6] =	ssyncadd.s32 @!p1 $0xFFFFB000  }
0xa2: {  	[tilespmem:s29], [sflag:$0x2] =	stream.linear.gather [hbm4b:s11+s2], $0x50, $0x38;
	[tilespmem:$0x1E400] =	vst v63  }
0xa3: {  	s6 =	sadd.s32 s10, s16;
	s11 =	sadd.s32 $0x1E, s14  }
0xa4: {  	[tilespmem:s30], [sflag:$0x2] =	stream.linear.gather [hbm4b:s11+s2], $0x50, $0x38;
	[tilespmem:$0x1E400] =	vst v63  }
0xa5: {  	s11 =	sadd.s32 $0x14, s6  }
0xa6: {  	[tilespmem:s31], [sflag:$0x2] =	stream.linear.gather [hbm4b:s11+s2], $0xA0, $0x38;
	[tilespmem:$0x1E400] =	vst v63  }
0xa7: {  	_ =	swait.ge [sflag:s0], $0x2800  }
0xa8: {  	[sflag:s0] =	ssyncset.done $0x0  }
0xa9: {  	[sflag:s0] =	ssyncadd.s32 $0xFFFFD800  }
0xaa: {  	_ =	swait.ge [sflag:s0], $0x2800  }
0xab: {  	[sflag:s0] =	ssyncset.done $0x0  }
0xac: {  	[sflag:s0] =	ssyncadd.s32 $0xFFFFD800  }
0xad: {  	_ =	swait.ge [sflag:s3], $0x50  }
0xae: {  	[sflag:s3] =	ssyncset.done $0x0  }
0xaf: {  	[sflag:s3] =	ssyncadd.s32 $0xFFFFFFB0  }
0xb0: {  	_ =	swait.ge [sflag:s3], $0x50  }
0xb1: {  	[sflag:s3] =	ssyncset.done $0x0  }
0xb2: {  	[sflag:s3] =	ssyncadd.s32 $0xFFFFFFB0  }
0xb3: {  	_ =	swait.ge [sflag:s3], $0xA0  }
0xb4: {  	[sflag:s3] =	ssyncset.done $0x0  }
0xb5: {  	[sflag:s3] =	ssyncadd.s32 $0xFFFFFF60  }
0xb6: {  	[tilespmem:s7], [sflag:$0x4] =	stream.indirect.gather [hbm4b:s4+s25], $0x80, s29, s25, $0xb8;
	[tilespmem:$0x1E400] =	vst v63  }
0xb7: {  	p1 =	seq.s32 s10, $0x4D8  }
0xb8: {  	[tilespmem:s8], [sflag:$0x4] =	stream.indirect.gather [hbm4b:s4+s25], $0x80, s30, s25, $0xb8;
	[tilespmem:$0x1E400] =	vst v63  }
.Ltmp5:
0xb9: {  	_ = 	snop;
	(pc) =	sbr.rel @p1 .LBB2_4-.Ltmp5, $4  }
0xba: {  	[spmem:s1] =	stream.indirect.scatter.add.f32 [tilespmem:s26], [sflag:$0x5], $0x80, s23, s9, $0xb8;
	[tilespmem:$0x1E400] =	vst v63  }
0xbb: {  	_ =	swait.ge [sflag:s13], $0x5000  }
0xbc: {  	[sflag:s13] =	ssyncset.done $0x0  }
0xbd: {  	[sflag:s13] =	ssyncadd.s32 $0xFFFFB000  }
0xbe: {  	s11 =	sadd.s32 $0x28, s14  }
0xbf: {  	[tilespmem:s21], [sflag:$0x1] =	stream.linear.gather [hbm4b:s11+s2], $0x50, $0x38;
	[tilespmem:$0x1E400] =	vst v63  }
0xc0: {  	s14 =	sadd.s32 $0x32, s14  }
0xc1: {  	[tilespmem:s22], [sflag:$0x1] =	stream.linear.gather [hbm4b:s14+s2], $0x50, $0x38;
	[tilespmem:$0x1E400] =	vst v63  }
0xc2: {  	s6 =	sadd.s32 $0x28, s6  }
0xc3: {  	[tilespmem:s23], [sflag:$0x1] =	stream.linear.gather [hbm4b:s6+s2], $0xA0, $0x38;
	[tilespmem:$0x1E400] =	vst v63  }
0xc4: {  	_ =	swait.ge [sflag:s15], $0x2800  }
0xc5: {  	[sflag:s15] =	ssyncset.done $0x0  }
0xc6: {  	[sflag:s15] =	ssyncadd.s32 $0xFFFFD800  }
0xc7: {  	_ =	swait.ge [sflag:s15], $0x2800  }
0xc8: {  	[sflag:s15] =	ssyncset.done $0x0  }
0xc9: {  	[sflag:s15] =	ssyncadd.s32 $0xFFFFD800  }
0xca: {  	_ =	swait.ge [sflag:s24], $0x50  }
0xcb: {  	[sflag:s24] =	ssyncset.done $0x0  }
0xcc: {  	[sflag:s24] =	ssyncadd.s32 $0xFFFFFFB0  }
0xcd: {  	_ =	swait.ge [sflag:s24], $0x50  }
0xce: {  	[sflag:s24] =	ssyncset.done $0x0  }
0xcf: {  	[sflag:s24] =	ssyncadd.s32 $0xFFFFFFB0  }
0xd0: {  	_ =	swait.ge [sflag:s24], $0xA0  }
0xd1: {  	[sflag:s24] =	ssyncset.done $0x0  }
0xd2: {  	[sflag:s24] =	ssyncadd.s32 $0xFFFFFF60  }
0xd3: {  	[tilespmem:s26], [sflag:$0x3] =	stream.indirect.gather [hbm4b:s4+s25], $0x80, s21, s25, $0xb8;
	[tilespmem:$0x1E400] =	vst v63  }
.Ltmp6:
0xd4: {  	_ = 	snop;
	(pc) =	sbr.rel .LBB2_3-.Ltmp6, $4  }
0xd5: {  	_ = 	snop  }
0xd6: {  	[tilespmem:s28], [sflag:$0x3] =	stream.indirect.gather [hbm4b:s4+s25], $0x80, s22, s25, $0xb8;
	[tilespmem:$0x1E400] =	vst v63  }
0xd7: {  	s10 =	sadd.s32 $0x28, s10  }
0xd8: {  	[spmem:s1] =	stream.indirect.scatter.add.f32 [tilespmem:s7], [sflag:$0x6], $0x80, s31, s9, $0xb8;
	[tilespmem:$0x1E400] =	vst v63  }
.LBB2_4:
.Ltmp7:
0xd9: {  	(pc) =	sbr.rel .LBB2_9-.Ltmp7, $2  }
0xda: {  	_ =	sdelay $0x2  }
0xdb: {  	s6 =	rddreg [dreg:$0x4]  }
.LBB2_10:
0xdc: {  	_ =	sfence.sel $0x180000  }
0xdd: {  	[bflag:$0x0] =	sbarrier.arrive $0xFFFF  }
0xde: {  	_ =	strace $0x9000004A  }
0xdf: {  	s0 =	stileid.u32;
	[bflag:$0x2] =	sbarrier.arrive $0xFFFF  }
0xe0: {  	p0 =	sne.s32 s0, $0x0;
	s0 =	rddreg [dreg:$0x2]  }
0xe1: {  	s0 =	sadd.s32 @!p0 $0x100000, s0  }
0xe2: {  	[sflag:s0] =	ssyncadd.tile.s32 @!p0 $0x1;
	_ =	shalt  }
.Lfunc_end2:
_tile_overlayer_lowered:
.L_overlay_start_2:
0xe3: {  	(tag) =	ssettag $0x2  }
0xe4: {  	s0 =	rddreg [dreg:$0x0];
	s2 =	stileid.u32  }
0xe5: {  	s1 =	rddreg [dreg:$0x1];
	p0 =	sne.s32 s2, $0x0  }
0xe6: {  	s3 =	rddreg [dreg:$0x2];
	[bflag:$0x3] =	sbarrier.arrive $0xFFFF;
	s2 =	simm.s32 @!p0 $0x1C07  }
0xe7: {  	[timem:s3], [sflag:s2] =	dma.local @!p0 [hbm:s0], s1  }
0xe8: {  	s0 =	simm.s32 @!p0 $0x7  }
0xe9: {  	_ =	swait.ge @!p0 [sflag:s0], s1  }
0xea: {  	s1 =	ssub.s32 @!p0 $0x0, s1;
	[sflag:s0] =	ssyncset.done @!p0 $0x0  }
0xeb: {  	[sflag:s0] =	ssyncadd.s32 @!p0 s1  }
0xec: {  	[bflag:$0x3] =	sbarrier.arrive $0xFFFF  }
0xed: {  	_ =	shalt  }

// kernel: kernel.14.cloned.1.call-start
scs
__scs_entry_jumppad:
0x0: {  	(pc) =	sbr.rel $0x88, $3  }
0x1: {  	(tag) =	ssettag $0x0;
	lr =	simm.s32 $0x1  }
0x2: {  	[smem:$0x3F92] =	sst lr;
	_ =	strace $0xD0000000  }
0x3: {  	_ = 	snop  }
0x4: {  	_ = 	snop  }
0x5: {  	_ = 	snop  }
0x6: {  	_ = 	snop  }
0x7: {  	_ = 	snop  }
__scs_overlays_trampoline_lowered:
0x8: {  	[smem:$0x3FA1] =	sst s0  }
0x9: {  	[smem:$0x3FA2] =	sst s1  }
0xa: {  	[smem:$0x3FA3] =	sst s2  }
0xb: {  	[smem:$0x3FA4] =	sst s3  }
0xc: {  	[smem:$0x3FA5] =	sst s4  }
0xd: {  	[smem:$0x3FA6] =	sst s5  }
0xe: {  	[smem:$0x3FA7] =	sst s6  }
0xf: {  	[smem:$0x3FA8] =	sst s7  }
0x10: {  	[smem:$0x3FA9] =	sst s8  }
0x11: {  	[smem:$0x3FAA] =	sst s9;
	s0 =	simm.s32 @!p0 $0x0  }
0x12: {  	s1 =	sld [smem:$0x3F90];
	s0 =	simm.s32 @p0 $0x1  }
0x13: {  	[smem:$0x3FAB] =	sst s0;
	s0 =	simm.s32 @!p1 $0x0  }
0x14: {  	s2 =	sld [smem:$0x3F8F];
	s0 =	simm.s32 @p1 $0x1  }
0x15: {  	[smem:$0x3FAC] =	sst s0;
	s0 =	simm.s32 @!p2 $0x0  }
0x16: {  	s3 =	sld [smem:$0x3FDB];
	s0 =	simm.s32 @p2 $0x1  }
0x17: {  	s4 =	simm.s32 $0x1BF5;
	[smem:$0x3FAE] =	sst s0  }
0x18: {  	s0 =	sld [smem:$0x3F91];
	_ =	swait.ge [sflag:s4], $0x0  }
0x19: {  	s7 =	sld [smem:$0x3F92]  }
0x1a: {  	s8 =	sadd.s32 $0xFFFFE003, lr  }
0x1b: {  	s9 =	sadd.s32 $0xFFFFFEF7, lr;
	s5 =	simm.s32 $0xFFFFFFFF;
	p2 =	slt.u32 s8, $0xFFFFF086  }
0x1c: {  	p1 =	slt.u32 s9, $0xF7A;
	s5 =	simm.s32 @!p2 $0x0  }
0x1d: {  	s5 =	simm.s32 @p1 $0x1;
	p0 =	seq.s32 s7, s2  }
0x1e: {  	s7 =	smul.u32 @!p0 $0xF7A, s2;
	p2 =	seq.s32 @!p0 s5, $0x0  }
0x1f: {  	s9 =	smul.u32 $0xF7A, s1;
	s8 =	simm.s32 @!p0 $0x1BF5;
	p2 =	por !p2, p0  }
0x20: {  	[sflag:s8] =	ssyncset.s32 @!p0 $0xFFFFF086;
	s6 =	sadd.s32 @!p0 s3, s7;
	s7 =	simm.s32 @!p0 $0x108  }
0x21: {  	s3 =	sadd.s32 s3, s9;
	s6 =	sadd.s32 @!p0 $0x88, s6;
	s7 =	simm.s32 @p2 $0x1082  }
0x22: {  	[simem:s7], [sflag:s8] =	dma.local @!p0 [hbm:s6], $0xF7A  }
0x23: {  	s9 =	sor.u32 $0xD0000000, s2;
	s6 =	simm.s32 $0x108;
	_ =	swait.ge @!p0 [sflag:s8], $0x0  }
0x24: {  	s3 =	sadd.s32 $0x88, s3;
	s6 =	simm.s32 @!p1 $0x1082;
	[sflag:s4] =	ssyncset.s32 $0xFFFFF086  }
0x25: {  	[simem:s6], [sflag:s4] =	dma.local [hbm:s3], $0xF7A  }
0x26: {  	[smem:$0x3F92] =	sst s1;
	(tag) =	ssettag s2;
	_ =	strace s9  }
0x27: {  	s1 =	sld [smem:$0x3FA2]  }
0x28: {  	s2 =	sld [smem:$0x3FA3]  }
0x29: {  	s4 =	sld [smem:$0x3FA5]  }
0x2a: {  	p0 =	seq.s32 s5, $0x0;
	s5 =	sld [smem:$0x3FA6]  }
0x2b: {  	s6 =	sld [smem:$0x3FA7]  }
0x2c: {  	s7 =	sld [smem:$0x3FA8]  }
0x2d: {  	s3 =	simm.s32 $0x108;
	s8 =	sld [smem:$0x3FA9]  }
0x2e: {  	s3 =	simm.s32 @!p0 $0x1082;
	s9 =	sld [smem:$0x3FAA]  }
0x2f: {  	lr =	sadd.s32 s0, s3;
	s0 =	sld [smem:$0x3FA1]  }
0x30: {  	s3 =	sld [smem:$0x3FA4]  }
0x31: {  	[smem:$0x3FAD] =	sst s10  }
0x32: {  	s10 =	sld [smem:$0x3FAB];
	_ =	sdelay $0x3  }
0x33: {  	p0 =	seq.s32 s10, $0x1;
	s10 =	sld [smem:$0x3FAD];
	_ =	sdelay $0x3  }
0x34: {  	[smem:$0x3FAD] =	sst s10  }
0x35: {  	s10 =	sld [smem:$0x3FAC];
	_ =	sdelay $0x3  }
0x36: {  	p1 =	seq.s32 s10, $0x1;
	s10 =	sld [smem:$0x3FAD];
	_ =	sdelay $0x3  }
0x37: {  	[smem:$0x3FAD] =	sst s10  }
0x38: {  	s10 =	sld [smem:$0x3FAE]  }
0x39: {  	_ = 	snop;
	(pc) =	sbr.ind lr, $3  }
0x3a: {  	_ = 	snop  }
0x3b: {  	_ = 	snop  }
0x3c: {  	p2 =	seq.s32 s10, $0x1;
	s10 =	sld [smem:$0x3FAD]  }
0x3d: {  	_ =	shalt  }
0x3e: {  	_ =	shalt  }
0x3f: {  	_ =	shalt  }
0x40: {  	_ =	shalt  }
0x41: {  	_ =	shalt  }
0x42: {  	_ =	shalt  }
0x43: {  	_ =	shalt  }
0x44: {  	_ =	shalt  }
0x45: {  	_ =	shalt  }
0x46: {  	_ =	shalt  }
0x47: {  	_ =	shalt  }
0x48: {  	_ =	shalt  }
0x49: {  	_ =	shalt  }
0x4a: {  	_ =	shalt  }
0x4b: {  	_ =	shalt  }
0x4c: {  	_ =	shalt  }
0x4d: {  	_ =	shalt  }
0x4e: {  	_ =	shalt  }
0x4f: {  	_ =	shalt  }
0x50: {  	_ =	shalt  }
0x51: {  	_ =	shalt  }
0x52: {  	_ =	shalt  }
0x53: {  	_ =	shalt  }
0x54: {  	_ =	shalt  }
0x55: {  	_ =	shalt  }
0x56: {  	_ =	shalt  }
0x57: {  	_ =	shalt  }
0x58: {  	_ =	shalt  }
0x59: {  	_ =	shalt  }
0x5a: {  	_ =	shalt  }
0x5b: {  	_ =	shalt  }
0x5c: {  	_ =	shalt  }
0x5d: {  	_ =	shalt  }
0x5e: {  	_ =	shalt  }
0x5f: {  	_ =	shalt  }
0x60: {  	_ =	shalt  }
0x61: {  	_ =	shalt  }
0x62: {  	_ =	shalt  }
0x63: {  	_ =	shalt  }
0x64: {  	_ =	shalt  }
0x65: {  	_ =	shalt  }
0x66: {  	_ =	shalt  }
0x67: {  	_ =	shalt  }
0x68: {  	_ =	shalt  }
0x69: {  	_ =	shalt  }
0x6a: {  	_ =	shalt  }
0x6b: {  	_ =	shalt  }
0x6c: {  	_ =	shalt  }
0x6d: {  	_ =	shalt  }
0x6e: {  	_ =	shalt  }
0x6f: {  	_ =	shalt  }
0x70: {  	_ =	shalt  }
0x71: {  	_ =	shalt  }
0x72: {  	_ =	shalt  }
0x73: {  	_ =	shalt  }
0x74: {  	_ =	shalt  }
0x75: {  	_ =	shalt  }
0x76: {  	_ =	shalt  }
0x77: {  	_ =	shalt  }
0x78: {  	_ =	shalt  }
0x79: {  	_ =	shalt  }
0x7a: {  	_ =	shalt  }
0x7b: {  	_ =	shalt  }
0x7c: {  	_ =	shalt  }
0x7d: {  	_ =	shalt  }
0x7e: {  	_ =	shalt  }
0x7f: {  	_ =	shalt  }
0x80: {  	_ =	shalt  }
0x81: {  	_ =	shalt  }
0x82: {  	_ =	shalt  }
0x83: {  	_ =	shalt  }
0x84: {  	_ =	shalt  }
0x85: {  	_ =	shalt  }
0x86: {  	_ =	shalt  }
0x87: {  	_ =	shalt  }
.Lfunc_end0:
.L_simem_size_0:
called_computation.2_lowered:
.L_overlay_start_0:
0x88: {  	s2 =	sld [smem:$0x3FD9]  }
0x89: {  	s3 =	sld [smem:$0x3FFE];
	_ =	sdelay $0x1  }
0x8a: {  	s1 =	srdreg.scid  }
0x8b: {  	s0 =	sand.u32 $0x1, s1  }
0x8c: {  	s16 =	sshll.u32 s0, $0xA;
	s2 =	sadd.s32 s3, s2  }
0x8d: {  	s2 =	sadd.s32 s2, s16  }
0x8e: {  	[smem:$0x3FB9] =	sst s2  }
0x8f: {  	_ = 	snop  }
0x90: {  	(tm) =	ssettm $0x1  }
0x91: {  	s17 =	sld [smem:$0x3FFB];
	_ =	sdelay $0x3  }
0x92: {  	_ =	strace s17  }
0x93: {  	s2 =	sld [smem:$0x3FFC];
	_ =	sdelay $0x3  }
0x94: {  	_ =	strace s2  }
0x95: {  	s2 =	sld [smem:$0x3FFD];
	_ =	sdelay $0x3  }
0x96: {  	_ =	strace s2  }
0x97: {  	_ =	strace $0x8FFFFFFF  }
0x98: {  	s18 =	sld [smem:$0x3FDB];
	_ =	sdelay $0x1  }
0x99: {  	s19 =	simm.s32 $_scs_section_size  }
0x9a: {  	s4 =	simm.s32 $_size__tile_overlayer_lowered;
	s5 =	simm.s32 $_tile_overlayer_lowered  }
0x9b: {  	s22 =	simm.s32 $0x1BFF;
	s21 =	sshll.u32 s5, $0x1;
	s2 =	sadd.s32 s19, s18  }
0x9c: {  	s6 =	simm.s32 $0x0;
	s20 =	sshll.u32 s4, $0x1;
	s4 =	sadd.s32 s21, s2  }
0x9d: {  	[timem:s6], [sflag:s22] =	dma.local [hbm:s4], s20  }
0x9e: {  	_ =	swait.ge [sflag:s22], s20  }
0x9f: {  	s3 =	ssub.s32 $0x0, s20;
	[sflag:s22] =	ssyncset.done $0x0  }
0xa0: {  	[sflag:s22] =	ssyncadd.s32 s3;
	_ =	sdelay $0x1  }
0xa1: {  	s23 =	simm.s32 $0x1B8B  }
0xa2: {  	_ =	swait.ge [sflag:s23], $0x1  }
0xa3: {  	[sflag:s23] =	ssyncset.done $0x0  }
0xa4: {  	s25 =	simm.s32 $0x1B8E;
	s24 =	sld [smem:$0x3FFE];
	[sflag:s23] =	ssyncadd.s32 $0xFFFFFFFF  }
0xa5: {  	s26 =	simm.s32 $execute0_lowered;
	[smem:$0x3FD2] =	sst s25  }
0xa6: {  	s4 =	sshll.u32 s26, $0x1;
	_ =	strace $0x8000004C;
	[dreg:$0x1] =	wrdreg $0xFFFFFFFF  }
0xa7: {  	s28 =	simm.s32 $_size_execute0_lowered;
	s2 =	sadd.s32 s2, s4;
	[dreg:$0x0] =	wrdreg $0x0  }
0xa8: {  	s4 =	sshll.u32 s28, $0x1;
	[dreg:$0x2] =	wrdreg s2  }
0xa9: {  	[dreg:$0x3] =	wrdreg s4  }
0xaa: {  	[dreg:$0x4] =	wrdreg $0xC0  }
0xab: {  	_ =	task [dreg:s6], $0x5FFFF  }
0xac: {  	[dreg:$0x1] =	wrdreg $0xFFFFFFFF  }
0xad: {  	[dreg:$0x0] =	wrdreg $0x60  }
0xae: {  	[dreg:$0x2] =	wrdreg s24  }
0xaf: {  	[dreg:$0x3] =	wrdreg $0x0  }
0xb0: {  	[dreg:$0x4] =	wrdreg $0x9  }
0xb1: {  	_ =	task.clear_ibuf [dreg:s6], $0x5FFFF;
	_ =	strace $0x9000004C  }
0xb2: {  	s29 =	simm.s32 $0x9;
	_ =	strace $0x8000004E  }
0xb3: {  	_ =	swait.ge [sflag:s29], $0x1  }
0xb4: {  	[sflag:s29] =	ssyncadd.s32 $0xFFFFFFFF  }
0xb5: {  	_ =	strace $0x9000004E  }
0xb6: {  	_ =	sfence  }
0xb7: {  	s30 =	sld [smem:$0x0];
	_ =	sdelay $0x2  }
0xb8: {  	s31 =	sshll.u32 s1, $0xD;
	s1 =	sshrl.u32 s1, $0x2  }
0xb9: {  	s3 =	sand.u32 $0x4000, s31;
	s1 =	sadd.s32 s1, s30  }
0xba: {  	s0 =	sor.u32 s3, s0;
	s1 =	sshll.u32 s1, $0x11  }
0xbb: {  	s0 =	sor.u32 s1, s0  }
0xbc: {  	s0 =	sadd.s32 $0x8F2B, s0  }
0xbd: {  	[sflag:s0] =	ssyncadd.remote.s32 $0x1  }
0xbe: {  	_ =	sfence.sel $0xFFFF  }
0xbf: {  	[dreg:$0x0] =	wrdreg $0xFFFFFFFF;
	(pc) =	sbr.abs _section_cstart, $3  }
0xc0: {  	[dreg:$0x1] =	wrdreg $0xFFFFFFFF  }
0xc1: {  	_ =	task.clear_ibuf [dreg:s6], $0x2FFFF;
	_ =	strace $0x9FFFFFFF  }
0xc2: {  	(tm) =	ssettm $0x7FFFFFFF  }
0xc3: {  	_ =	shalt  }
tec
execute0_lowered:
.L_overlay_start_1:
0x0: {  	(tag) =	ssettag $0x1  }
0x1: {  	s0 =	rddreg [dreg:$0x0]  }
0x2: {  	s1 =	rddreg [dreg:$0x1];
	s2 =	simm.s32 $0x0  }
0x3: {  	s3 =	srdreg.scid;
	s11 =	stileid.u32;
	s28 =	simm.s32 $0x16C00  }
0x4: {  	s29 =	simm.s32 $0x14100;
	s30 =	simm.s32 $0x14180;
	s31 =	simm.s32 $0x14300  }
0x5: {  	s15 =	simm.s32 $0x4;
	[smem:$0x7FF] =	sst s2;
	s4 =	sadd.s32 $0xF000, s0  }
0x6: {  	s5 =	sadd.s32 $0x37000, s0;
	s3 =	sand.u32 $0x1, s3;
	s8 =	smul.u32 $0x50000, s11  }
0x7: {  	s6 =	sadd.s32 $0xA000, s0;
	s9 =	sadd.s32 $0x4400, s0;
	s12 =	smul.u32 $0x2800, s11  }
0x8: {  	s13 =	sadd.s32 $0x87000, s0;
	s0 =	sadd.s32 $0xAF000, s0;
	s24 =	smul.u32 $0x500, s11  }
0x9: {  	s26 =	sshll.u32 s11, $0x6;
	_ =	strace $0x8000004D;
	[dreg:$0x4] =	wrdreg s13  }
0xa: {  	s7 =	ssub.s32 $0x2, s3;
	[dreg:$0x5] =	wrdreg s0;
	p0 =	seq.s32 s3, $0x1  }
0xb: {  	[dreg:$0xc] =	wrdreg s26;
	s13 =	simm.s32 $0x5;
	s10 =	sshrl.u32 s7, $0x1  }
0xc: {  	s20 =	sshrl.u32 s8, $0x2;
	s21 =	sshrl.u32 s12, $0x3;
	s22 =	sadd.s32 s4, s12  }
0xd: {  	[dreg:$0x3] =	wrdreg s12;
	s25 =	sadd.s32 s5, s12;
	s16 =	sadd.s32 s24, s9  }
0xe: {  	s17 =	sadd.s32 s24, s6;
	s24 =	simm.s32 $0x1;
	s12 =	simm.s32 $0x0  }
0xf: {  	s19 =	ssub.s32 s7, s10;
	s3 =	sadd.s32 s20, s1;
	[dreg:$0x6] =	wrdreg s22  }
0x10: {  	s23 =	sadd.s32 s6, s21;
	s7 =	sadd.s32 s9, s21;
	[dreg:$0xa] =	wrdreg s25  }
0x11: {  	s20 =	simm.s32 $0x7;
	s21 =	simm.s32 $0x14000;
	s22 =	simm.s32 $0x14080  }
0x12: {  	s25 =	simm.s32 $0x50;
	s9 =	simm.s32 $0xA0;
	[dreg:$0x7] =	wrdreg s23  }
.Ltmp0:
0x13: {  	s8 =	sadd.s32 $0xA, s23;
	[dreg:$0x9] =	wrdreg s7;
	(pc) =	sbr.rel .LBB2_1-.Ltmp0, $4  }
0x14: {  	s0 =	smax.u32 s19, $0x1;
	s19 =	sshrl.u32 s3, $0x3;
	s23 =	simm.s32 $0x14200  }
0x15: {  	s3 =	simm.s32 $0x2;
	s7 =	simm.s32 $0x19400;
	[dreg:$0x8] =	wrdreg s8  }
0x16: {  	[dreg:$0xb] =	wrdreg s0;
	s0 =	sor.u32 $0x1C07, s26;
	s26 =	simm.s32 $0x14400  }
0x17: {  	s8 =	simm.s32 $0x1BC00;
	[dreg:$0xd] =	wrdreg s0;
	s0 =	simm.s32 $0x3  }
.LBB2_8:
0x18: {  	s6 =	rddreg [dreg:$0x5]  }
0x19: {  	s18 =	rddreg [dreg:$0xd]  }
.LBB2_9:
0x1a: {  	_ =	swait.ge [sflag:s15], $0x2800  }
0x1b: {  	[sflag:s15] =	ssyncset.done $0x0  }
0x1c: {  	[sflag:s15] =	ssyncadd.s32 $0xFFFFD800  }
0x1d: {  	_ =	swait.ge [sflag:s15], $0x2800  }
0x1e: {  	[sflag:s15] =	ssyncset.done $0x0  }
0x1f: {  	s10 =	simm.s32 $0x6;
	[sflag:s15] =	ssyncadd.s32 $0xFFFFD800  }
0x20: {  	[spmem:s1] =	stream.indirect.scatter.add.f32 [tilespmem:s7], [sflag:$0x6], $0x80, s31, s9, $0xb8;
	[tilespmem:$0x1E400] =	vst v63  }
0x21: {  	_ =	swait.ge [sflag:s10], $0x5000  }
0x22: {  	[sflag:s10] =	ssyncset.done $0x0  }
0x23: {  	s14 =	rddreg [dreg:$0x3];
	[sflag:s10] =	ssyncadd.s32 $0xFFFFB000  }
0x24: {  	s6 =	sadd.s32 s6, s14;
	[bflag:$0x0] =	sbarrier.arrive $0xFFFF  }
0x25: {  	[hbm:s6], [sflag:s18] =	dma.local [spmem:s19], $0x2800  }
0x26: {  	_ =	swait.ge [sflag:s20], $0x2800  }
0x27: {  	s12 =	sadd.s32 $0x1, s12;
	s18 =	rddreg [dreg:$0xb]  }
0x28: {  	p1 =	sne.s32 s12, s18  }
.Ltmp1:
0x29: {  	_ = 	snop;
	(pc) =	sbr.rel @!p1 .LBB2_10-.Ltmp1, $3  }
0x2a: {  	_ =	sdelay $0x1  }
0x2b: {  	[sflag:s20] =	ssyncset.done $0x0  }
0x2c: {  	[sflag:s20] =	ssyncadd.s32 $0xFFFFD800  }
.LBB2_1:
.Ltmp2:
0x2d: {  	(pc) =	sbr.rel @!p0 .LBB2_2-.Ltmp2, $1  }
0x2e: {  	_ =	sdelay $0x3  }
0x2f: {  	s6 =	rddreg [dreg:$0xa]  }
0x30: {  	s10 =	rddreg [dreg:$0xd]  }
0x31: {  	[spmem:s19], [sflag:s10] =	dma.local [hbm:s6], $0x2800  }
0x32: {  	_ =	swait.ge [sflag:s20], $0x2800  }
0x33: {  	[sflag:s20] =	ssyncset.done $0x0  }
0x34: {  	[sflag:s20] =	ssyncadd.s32 $0xFFFFD800  }
0x35: {  	[bflag:$0x0] =	sbarrier.arrive $0xFFFF  }
0x36: {  	s10 =	simm.s32 $0x0;
	s11 =	rddreg [dreg:$0x7]  }
0x37: {  	[tilespmem:s21], [sflag:$0x1] =	stream.linear.gather [hbm4b:s11+s10], $0x50, $0x38;
	[tilespmem:$0x1E400] =	vst v63  }
0x38: {  	s14 =	rddreg [dreg:$0x8]  }
0x39: {  	[tilespmem:s22], [sflag:$0x1] =	stream.linear.gather [hbm4b:s14+s10], $0x50, $0x38;
	[tilespmem:$0x1E400] =	vst v63  }
0x3a: {  	s18 =	rddreg [dreg:$0x9]  }
0x3b: {  	[tilespmem:s23], [sflag:$0x1] =	stream.linear.gather [hbm4b:s18+s10], $0xA0, $0x38;
	[tilespmem:$0x1E400] =	vst v63  }
0x3c: {  	_ =	swait.ge [sflag:s24], $0x50  }
0x3d: {  	[sflag:s24] =	ssyncset.done $0x0  }
0x3e: {  	[sflag:s24] =	ssyncadd.s32 $0xFFFFFFB0  }
0x3f: {  	_ =	swait.ge [sflag:s24], $0x50  }
0x40: {  	[sflag:s24] =	ssyncset.done $0x0  }
0x41: {  	[sflag:s24] =	ssyncadd.s32 $0xFFFFFFB0  }
0x42: {  	_ =	swait.ge [sflag:s24], $0xA0  }
0x43: {  	[sflag:s24] =	ssyncset.done $0x0  }
0x44: {  	[sflag:s24] =	ssyncadd.s32 $0xFFFFFF60  }
0x45: {  	[tilespmem:s26], [sflag:$0x3] =	stream.indirect.gather [hbm4b:s5+s25], $0x80, s21, s25, $0xb8;
	[tilespmem:$0x1E400] =	vst v63  }
0x46: {  	_ = 	snop  }
0x47: {  	[tilespmem:s28], [sflag:$0x3] =	stream.indirect.gather [hbm4b:s5+s25], $0x80, s22, s25, $0xb8;
	[tilespmem:$0x1E400] =	vst v63  }
.LBB2_7:
0x48: {  	p1 =	seq.s32 s10, $0x0  }
0x49: {  	s6 =	simm.s32 @!p1 $0x6  }
0x4a: {  	_ =	swait.ge @!p1 [sflag:s6], $0x5000  }
0x4b: {  	s14 =	sadd.s32 s10, s17;
	[sflag:s6] =	ssyncset.done @!p1 $0x0  }
0x4c: {  	s11 =	sadd.s32 $0x14, s14;
	[sflag:s6] =	ssyncadd.s32 @!p1 $0xFFFFB000  }
0x4d: {  	[tilespmem:s29], [sflag:$0x2] =	stream.linear.gather [hbm4b:s11+s2], $0x50, $0x38;
	[tilespmem:$0x1E400] =	vst v63  }
0x4e: {  	s18 =	sadd.s32 $0x1E, s14;
	s6 =	sadd.s32 s10, s16  }
0x4f: {  	[tilespmem:s30], [sflag:$0x2] =	stream.linear.gather [hbm4b:s18+s2], $0x50, $0x38;
	[tilespmem:$0x1E400] =	vst v63  }
0x50: {  	s11 =	sadd.s32 $0x14, s6  }
0x51: {  	[tilespmem:s31], [sflag:$0x2] =	stream.linear.gather [hbm4b:s11+s2], $0xA0, $0x38;
	[tilespmem:$0x1E400] =	vst v63  }
0x52: {  	_ =	swait.ge [sflag:s0], $0x2800  }
0x53: {  	[sflag:s0] =	ssyncset.done $0x0  }
0x54: {  	[sflag:s0] =	ssyncadd.s32 $0xFFFFD800  }
0x55: {  	_ =	swait.ge [sflag:s0], $0x2800  }
0x56: {  	[sflag:s0] =	ssyncset.done $0x0  }
0x57: {  	[sflag:s0] =	ssyncadd.s32 $0xFFFFD800  }
0x58: {  	_ =	swait.ge [sflag:s3], $0x50  }
0x59: {  	[sflag:s3] =	ssyncset.done $0x0  }
0x5a: {  	[sflag:s3] =	ssyncadd.s32 $0xFFFFFFB0  }
0x5b: {  	_ =	swait.ge [sflag:s3], $0x50  }
0x5c: {  	[sflag:s3] =	ssyncset.done $0x0  }
0x5d: {  	[sflag:s3] =	ssyncadd.s32 $0xFFFFFFB0  }
0x5e: {  	_ =	swait.ge [sflag:s3], $0xA0  }
0x5f: {  	[sflag:s3] =	ssyncset.done $0x0  }
0x60: {  	[sflag:s3] =	ssyncadd.s32 $0xFFFFFF60  }
0x61: {  	[tilespmem:s7], [sflag:$0x4] =	stream.indirect.gather [hbm4b:s5+s25], $0x80, s29, s25, $0xb8;
	[tilespmem:$0x1E400] =	vst v63  }
0x62: {  	p1 =	seq.s32 s10, $0x4D8  }
0x63: {  	[tilespmem:s8], [sflag:$0x4] =	stream.indirect.gather [hbm4b:s5+s25], $0x80, s30, s25, $0xb8;
	[tilespmem:$0x1E400] =	vst v63  }
.Ltmp3:
0x64: {  	_ = 	snop;
	(pc) =	sbr.rel @p1 .LBB2_8-.Ltmp3, $4  }
0x65: {  	[spmem:s1] =	stream.indirect.scatter.add.f32 [tilespmem:s26], [sflag:$0x5], $0x80, s23, s9, $0xb8;
	[tilespmem:$0x1E400] =	vst v63  }
0x66: {  	_ =	swait.ge [sflag:s13], $0x5000  }
0x67: {  	[sflag:s13] =	ssyncset.done $0x0  }
0x68: {  	[sflag:s13] =	ssyncadd.s32 $0xFFFFB000  }
0x69: {  	s11 =	sadd.s32 $0x28, s14  }
0x6a: {  	[tilespmem:s21], [sflag:$0x1] =	stream.linear.gather [hbm4b:s11+s2], $0x50, $0x38;
	[tilespmem:$0x1E400] =	vst v63  }
0x6b: {  	s18 =	sadd.s32 $0x32, s14  }
0x6c: {  	[tilespmem:s22], [sflag:$0x1] =	stream.linear.gather [hbm4b:s18+s2], $0x50, $0x38;
	[tilespmem:$0x1E400] =	vst v63  }
0x6d: {  	s6 =	sadd.s32 $0x28, s6  }
0x6e: {  	[tilespmem:s23], [sflag:$0x1] =	stream.linear.gather [hbm4b:s6+s2], $0xA0, $0x38;
	[tilespmem:$0x1E400] =	vst v63  }
0x6f: {  	_ =	swait.ge [sflag:s15], $0x2800  }
0x70: {  	[sflag:s15] =	ssyncset.done $0x0  }
0x71: {  	[sflag:s15] =	ssyncadd.s32 $0xFFFFD800  }
0x72: {  	_ =	swait.ge [sflag:s15], $0x2800  }
0x73: {  	[sflag:s15] =	ssyncset.done $0x0  }
0x74: {  	[sflag:s15] =	ssyncadd.s32 $0xFFFFD800  }
0x75: {  	_ =	swait.ge [sflag:s24], $0x50  }
0x76: {  	[sflag:s24] =	ssyncset.done $0x0  }
0x77: {  	[sflag:s24] =	ssyncadd.s32 $0xFFFFFFB0  }
0x78: {  	_ =	swait.ge [sflag:s24], $0x50  }
0x79: {  	[sflag:s24] =	ssyncset.done $0x0  }
0x7a: {  	[sflag:s24] =	ssyncadd.s32 $0xFFFFFFB0  }
0x7b: {  	_ =	swait.ge [sflag:s24], $0xA0  }
0x7c: {  	[sflag:s24] =	ssyncset.done $0x0  }
0x7d: {  	[sflag:s24] =	ssyncadd.s32 $0xFFFFFF60  }
0x7e: {  	[tilespmem:s26], [sflag:$0x3] =	stream.indirect.gather [hbm4b:s5+s25], $0x80, s21, s25, $0xb8;
	[tilespmem:$0x1E400] =	vst v63  }
.Ltmp4:
0x7f: {  	_ = 	snop;
	(pc) =	sbr.rel .LBB2_7-.Ltmp4, $4  }
0x80: {  	_ = 	snop  }
0x81: {  	[tilespmem:s28], [sflag:$0x3] =	stream.indirect.gather [hbm4b:s5+s25], $0x80, s22, s25, $0xb8;
	[tilespmem:$0x1E400] =	vst v63  }
0x82: {  	s10 =	sadd.s32 $0x28, s10  }
0x83: {  	[spmem:s1] =	stream.indirect.scatter.add.f32 [tilespmem:s7], [sflag:$0x6], $0x80, s31, s9, $0xb8;
	[tilespmem:$0x1E400] =	vst v63  }
.LBB2_2:
0x84: {  	s6 =	rddreg [dreg:$0xc]  }
0x85: {  	s11 =	rddreg [dreg:$0x6];
	s18 =	sor.u32 $0x1C07, s6  }
0x86: {  	[spmem:s19], [sflag:s18] =	dma.local [hbm:s11], $0x2800  }
0x87: {  	_ =	swait.ge [sflag:s20], $0x2800  }
0x88: {  	[sflag:s20] =	ssyncset.done $0x0  }
0x89: {  	[sflag:s20] =	ssyncadd.s32 $0xFFFFD800  }
0x8a: {  	[bflag:$0x0] =	sbarrier.arrive $0xFFFF  }
0x8b: {  	s10 =	simm.s32 $0x0;
	s14 =	rddreg [dreg:$0x7]  }
0x8c: {  	[tilespmem:s21], [sflag:$0x1] =	stream.linear.gather [hbm4b:s14+s10], $0x50, $0x38;
	[tilespmem:$0x1E400] =	vst v63  }
0x8d: {  	s11 =	rddreg [dreg:$0x8]  }
0x8e: {  	[tilespmem:s22], [sflag:$0x1] =	stream.linear.gather [hbm4b:s11+s10], $0x50, $0x38;
	[tilespmem:$0x1E400] =	vst v63  }
0x8f: {  	s14 =	rddreg [dreg:$0x9]  }
0x90: {  	[tilespmem:s23], [sflag:$0x1] =	stream.linear.gather [hbm4b:s14+s10], $0xA0, $0x38;
	[tilespmem:$0x1E400] =	vst v63  }
0x91: {  	_ =	swait.ge [sflag:s24], $0x50  }
0x92: {  	[sflag:s24] =	ssyncset.done $0x0  }
0x93: {  	[sflag:s24] =	ssyncadd.s32 $0xFFFFFFB0  }
0x94: {  	_ =	swait.ge [sflag:s24], $0x50  }
0x95: {  	[sflag:s24] =	ssyncset.done $0x0  }
0x96: {  	[sflag:s24] =	ssyncadd.s32 $0xFFFFFFB0  }
0x97: {  	_ =	swait.ge [sflag:s24], $0xA0  }
0x98: {  	[sflag:s24] =	ssyncset.done $0x0  }
0x99: {  	[sflag:s24] =	ssyncadd.s32 $0xFFFFFF60  }
0x9a: {  	[tilespmem:s26], [sflag:$0x3] =	stream.indirect.gather [hbm4b:s4+s25], $0x80, s21, s25, $0xb8;
	[tilespmem:$0x1E400] =	vst v63  }
0x9b: {  	_ = 	snop  }
0x9c: {  	[tilespmem:s28], [sflag:$0x3] =	stream.indirect.gather [hbm4b:s4+s25], $0x80, s22, s25, $0xb8;
	[tilespmem:$0x1E400] =	vst v63  }
.LBB2_3:
0x9d: {  	p1 =	seq.s32 s10, $0x0  }
0x9e: {  	s6 =	simm.s32 @!p1 $0x6  }
0x9f: {  	_ =	swait.ge @!p1 [sflag:s6], $0x5000  }
0xa0: {  	s14 =	sadd.s32 s10, s17;
	[sflag:s6] =	ssyncset.done @!p1 $0x0  }
0xa1: {  	s11 =	sadd.s32 $0x14, s14;
	[sflag:s6] =	ssyncadd.s32 @!p1 $0xFFFFB000  }
0xa2: {  	[tilespmem:s29], [sflag:$0x2] =	stream.linear.gather [hbm4b:s11+s2], $0x50, $0x38;
	[tilespmem:$0x1E400] =	vst v63  }
0xa3: {  	s6 =	sadd.s32 s10, s16;
	s11 =	sadd.s32 $0x1E, s14  }
0xa4: {  	[tilespmem:s30], [sflag:$0x2] =	stream.linear.gather [hbm4b:s11+s2], $0x50, $0x38;
	[tilespmem:$0x1E400] =	vst v63  }
0xa5: {  	s11 =	sadd.s32 $0x14, s6  }
0xa6: {  	[tilespmem:s31], [sflag:$0x2] =	stream.linear.gather [hbm4b:s11+s2], $0xA0, $0x38;
	[tilespmem:$0x1E400] =	vst v63  }
0xa7: {  	_ =	swait.ge [sflag:s0], $0x2800  }
0xa8: {  	[sflag:s0] =	ssyncset.done $0x0  }
0xa9: {  	[sflag:s0] =	ssyncadd.s32 $0xFFFFD800  }
0xaa: {  	_ =	swait.ge [sflag:s0], $0x2800  }
0xab: {  	[sflag:s0] =	ssyncset.done $0x0  }
0xac: {  	[sflag:s0] =	ssyncadd.s32 $0xFFFFD800  }
0xad: {  	_ =	swait.ge [sflag:s3], $0x50  }
0xae: {  	[sflag:s3] =	ssyncset.done $0x0  }
0xaf: {  	[sflag:s3] =	ssyncadd.s32 $0xFFFFFFB0  }
0xb0: {  	_ =	swait.ge [sflag:s3], $0x50  }
0xb1: {  	[sflag:s3] =	ssyncset.done $0x0  }
0xb2: {  	[sflag:s3] =	ssyncadd.s32 $0xFFFFFFB0  }
0xb3: {  	_ =	swait.ge [sflag:s3], $0xA0  }
0xb4: {  	[sflag:s3] =	ssyncset.done $0x0  }
0xb5: {  	[sflag:s3] =	ssyncadd.s32 $0xFFFFFF60  }
0xb6: {  	[tilespmem:s7], [sflag:$0x4] =	stream.indirect.gather [hbm4b:s4+s25], $0x80, s29, s25, $0xb8;
	[tilespmem:$0x1E400] =	vst v63  }
0xb7: {  	p1 =	seq.s32 s10, $0x4D8  }
0xb8: {  	[tilespmem:s8], [sflag:$0x4] =	stream.indirect.gather [hbm4b:s4+s25], $0x80, s30, s25, $0xb8;
	[tilespmem:$0x1E400] =	vst v63  }
.Ltmp5:
0xb9: {  	_ = 	snop;
	(pc) =	sbr.rel @p1 .LBB2_4-.Ltmp5, $4  }
0xba: {  	[spmem:s1] =	stream.indirect.scatter.add.f32 [tilespmem:s26], [sflag:$0x5], $0x80, s23, s9, $0xb8;
	[tilespmem:$0x1E400] =	vst v63  }
0xbb: {  	_ =	swait.ge [sflag:s13], $0x5000  }
0xbc: {  	[sflag:s13] =	ssyncset.done $0x0  }
0xbd: {  	[sflag:s13] =	ssyncadd.s32 $0xFFFFB000  }
0xbe: {  	s11 =	sadd.s32 $0x28, s14  }
0xbf: {  	[tilespmem:s21], [sflag:$0x1] =	stream.linear.gather [hbm4b:s11+s2], $0x50, $0x38;
	[tilespmem:$0x1E400] =	vst v63  }
0xc0: {  	s14 =	sadd.s32 $0x32, s14  }
0xc1: {  	[tilespmem:s22], [sflag:$0x1] =	stream.linear.gather [hbm4b:s14+s2], $0x50, $0x38;
	[tilespmem:$0x1E400] =	vst v63  }
0xc2: {  	s6 =	sadd.s32 $0x28, s6  }
0xc3: {  	[tilespmem:s23], [sflag:$0x1] =	stream.linear.gather [hbm4b:s6+s2], $0xA0, $0x38;
	[tilespmem:$0x1E400] =	vst v63  }
0xc4: {  	_ =	swait.ge [sflag:s15], $0x2800  }
0xc5: {  	[sflag:s15] =	ssyncset.done $0x0  }
0xc6: {  	[sflag:s15] =	ssyncadd.s32 $0xFFFFD800  }
0xc7: {  	_ =	swait.ge [sflag:s15], $0x2800  }
0xc8: {  	[sflag:s15] =	ssyncset.done $0x0  }
0xc9: {  	[sflag:s15] =	ssyncadd.s32 $0xFFFFD800  }
0xca: {  	_ =	swait.ge [sflag:s24], $0x50  }
0xcb: {  	[sflag:s24] =	ssyncset.done $0x0  }
0xcc: {  	[sflag:s24] =	ssyncadd.s32 $0xFFFFFFB0  }
0xcd: {  	_ =	swait.ge [sflag:s24], $0x50  }
0xce: {  	[sflag:s24] =	ssyncset.done $0x0  }
0xcf: {  	[sflag:s24] =	ssyncadd.s32 $0xFFFFFFB0  }
0xd0: {  	_ =	swait.ge [sflag:s24], $0xA0  }
0xd1: {  	[sflag:s24] =	ssyncset.done $0x0  }
0xd2: {  	[sflag:s24] =	ssyncadd.s32 $0xFFFFFF60  }
0xd3: {  	[tilespmem:s26], [sflag:$0x3] =	stream.indirect.gather [hbm4b:s4+s25], $0x80, s21, s25, $0xb8;
	[tilespmem:$0x1E400] =	vst v63  }
.Ltmp6:
0xd4: {  	_ = 	snop;
	(pc) =	sbr.rel .LBB2_3-.Ltmp6, $4  }
0xd5: {  	_ = 	snop  }
0xd6: {  	[tilespmem:s28], [sflag:$0x3] =	stream.indirect.gather [hbm4b:s4+s25], $0x80, s22, s25, $0xb8;
	[tilespmem:$0x1E400] =	vst v63  }
0xd7: {  	s10 =	sadd.s32 $0x28, s10  }
0xd8: {  	[spmem:s1] =	stream.indirect.scatter.add.f32 [tilespmem:s7], [sflag:$0x6], $0x80, s31, s9, $0xb8;
	[tilespmem:$0x1E400] =	vst v63  }
.LBB2_4:
.Ltmp7:
0xd9: {  	(pc) =	sbr.rel .LBB2_9-.Ltmp7, $2  }
0xda: {  	_ =	sdelay $0x2  }
0xdb: {  	s6 =	rddreg [dreg:$0x4]  }
.LBB2_10:
0xdc: {  	_ =	sfence.sel $0x180000  }
0xdd: {  	[bflag:$0x0] =	sbarrier.arrive $0xFFFF  }
0xde: {  	_ =	strace $0x9000004D  }
0xdf: {  	s0 =	stileid.u32;
	[bflag:$0x2] =	sbarrier.arrive $0xFFFF  }
0xe0: {  	p0 =	sne.s32 s0, $0x0;
	s0 =	rddreg [dreg:$0x2]  }
0xe1: {  	s0 =	sadd.s32 @!p0 $0x100000, s0  }
0xe2: {  	[sflag:s0] =	ssyncadd.tile.s32 @!p0 $0x1;
	_ =	shalt  }
.Lfunc_end2:
_tile_overlayer_lowered:
.L_overlay_start_2:
0xe3: {  	(tag) =	ssettag $0x2  }
0xe4: {  	s0 =	rddreg [dreg:$0x0];
	s2 =	stileid.u32  }
0xe5: {  	s1 =	rddreg [dreg:$0x1];
	p0 =	sne.s32 s2, $0x0  }
0xe6: {  	s3 =	rddreg [dreg:$0x2];
	[bflag:$0x3] =	sbarrier.arrive $0xFFFF;
	s2 =	simm.s32 @!p0 $0x1C07  }
0xe7: {  	[timem:s3], [sflag:s2] =	dma.local @!p0 [hbm:s0], s1  }
0xe8: {  	s0 =	simm.s32 @!p0 $0x7  }
0xe9: {  	_ =	swait.ge @!p0 [sflag:s0], s1  }
0xea: {  	s1 =	ssub.s32 @!p0 $0x0, s1;
	[sflag:s0] =	ssyncset.done @!p0 $0x0  }
0xeb: {  	[sflag:s0] =	ssyncadd.s32 @!p0 s1  }
0xec: {  	[bflag:$0x3] =	sbarrier.arrive $0xFFFF  }
0xed: {  	_ =	shalt  }

// kernel: kernel.8.cloned.1.call-start
scs
__scs_entry_jumppad:
0x0: {  	(pc) =	sbr.rel $0x88, $3  }
0x1: {  	(tag) =	ssettag $0x0;
	lr =	simm.s32 $0x1  }
0x2: {  	[smem:$0x3F92] =	sst lr;
	_ =	strace $0xD0000000  }
0x3: {  	_ = 	snop  }
0x4: {  	_ = 	snop  }
0x5: {  	_ = 	snop  }
0x6: {  	_ = 	snop  }
0x7: {  	_ = 	snop  }
__scs_overlays_trampoline_lowered:
0x8: {  	[smem:$0x3FA1] =	sst s0  }
0x9: {  	[smem:$0x3FA2] =	sst s1  }
0xa: {  	[smem:$0x3FA3] =	sst s2  }
0xb: {  	[smem:$0x3FA4] =	sst s3  }
0xc: {  	[smem:$0x3FA5] =	sst s4  }
0xd: {  	[smem:$0x3FA6] =	sst s5  }
0xe: {  	[smem:$0x3FA7] =	sst s6  }
0xf: {  	[smem:$0x3FA8] =	sst s7  }
0x10: {  	[smem:$0x3FA9] =	sst s8  }
0x11: {  	[smem:$0x3FAA] =	sst s9;
	s0 =	simm.s32 @!p0 $0x0  }
0x12: {  	s1 =	sld [smem:$0x3F90];
	s0 =	simm.s32 @p0 $0x1  }
0x13: {  	[smem:$0x3FAB] =	sst s0;
	s0 =	simm.s32 @!p1 $0x0  }
0x14: {  	s2 =	sld [smem:$0x3F8F];
	s0 =	simm.s32 @p1 $0x1  }
0x15: {  	[smem:$0x3FAC] =	sst s0;
	s0 =	simm.s32 @!p2 $0x0  }
0x16: {  	s3 =	sld [smem:$0x3FDB];
	s0 =	simm.s32 @p2 $0x1  }
0x17: {  	s4 =	simm.s32 $0x1BF5;
	[smem:$0x3FAE] =	sst s0  }
0x18: {  	s0 =	sld [smem:$0x3F91];
	_ =	swait.ge [sflag:s4], $0x0  }
0x19: {  	s7 =	sld [smem:$0x3F92]  }
0x1a: {  	s8 =	sadd.s32 $0xFFFFE003, lr  }
0x1b: {  	s9 =	sadd.s32 $0xFFFFFEF7, lr;
	s5 =	simm.s32 $0xFFFFFFFF;
	p2 =	slt.u32 s8, $0xFFFFF086  }
0x1c: {  	p1 =	slt.u32 s9, $0xF7A;
	s5 =	simm.s32 @!p2 $0x0  }
0x1d: {  	s5 =	simm.s32 @p1 $0x1;
	p0 =	seq.s32 s7, s2  }
0x1e: {  	s7 =	smul.u32 @!p0 $0xF7A, s2;
	p2 =	seq.s32 @!p0 s5, $0x0  }
0x1f: {  	s9 =	smul.u32 $0xF7A, s1;
	s8 =	simm.s32 @!p0 $0x1BF5;
	p2 =	por !p2, p0  }
0x20: {  	[sflag:s8] =	ssyncset.s32 @!p0 $0xFFFFF086;
	s6 =	sadd.s32 @!p0 s3, s7;
	s7 =	simm.s32 @!p0 $0x108  }
0x21: {  	s3 =	sadd.s32 s3, s9;
	s6 =	sadd.s32 @!p0 $0x88, s6;
	s7 =	simm.s32 @p2 $0x1082  }
0x22: {  	[simem:s7], [sflag:s8] =	dma.local @!p0 [hbm:s6], $0xF7A  }
0x23: {  	s9 =	sor.u32 $0xD0000000, s2;
	s6 =	simm.s32 $0x108;
	_ =	swait.ge @!p0 [sflag:s8], $0x0  }
0x24: {  	s3 =	sadd.s32 $0x88, s3;
	s6 =	simm.s32 @!p1 $0x1082;
	[sflag:s4] =	ssyncset.s32 $0xFFFFF086  }
0x25: {  	[simem:s6], [sflag:s4] =	dma.local [hbm:s3], $0xF7A  }
0x26: {  	[smem:$0x3F92] =	sst s1;
	(tag) =	ssettag s2;
	_ =	strace s9  }
0x27: {  	s1 =	sld [smem:$0x3FA2]  }
0x28: {  	s2 =	sld [smem:$0x3FA3]  }
0x29: {  	s4 =	sld [smem:$0x3FA5]  }
0x2a: {  	p0 =	seq.s32 s5, $0x0;
	s5 =	sld [smem:$0x3FA6]  }
0x2b: {  	s6 =	sld [smem:$0x3FA7]  }
0x2c: {  	s7 =	sld [smem:$0x3FA8]  }
0x2d: {  	s3 =	simm.s32 $0x108;
	s8 =	sld [smem:$0x3FA9]  }
0x2e: {  	s3 =	simm.s32 @!p0 $0x1082;
	s9 =	sld [smem:$0x3FAA]  }
0x2f: {  	lr =	sadd.s32 s0, s3;
	s0 =	sld [smem:$0x3FA1]  }
0x30: {  	s3 =	sld [smem:$0x3FA4]  }
0x31: {  	[smem:$0x3FAD] =	sst s10  }
0x32: {  	s10 =	sld [smem:$0x3FAB];
	_ =	sdelay $0x3  }
0x33: {  	p0 =	seq.s32 s10, $0x1;
	s10 =	sld [smem:$0x3FAD];
	_ =	sdelay $0x3  }
0x34: {  	[smem:$0x3FAD] =	sst s10  }
0x35: {  	s10 =	sld [smem:$0x3FAC];
	_ =	sdelay $0x3  }
0x36: {  	p1 =	seq.s32 s10, $0x1;
	s10 =	sld [smem:$0x3FAD];
	_ =	sdelay $0x3  }
0x37: {  	[smem:$0x3FAD] =	sst s10  }
0x38: {  	s10 =	sld [smem:$0x3FAE]  }
0x39: {  	_ = 	snop;
	(pc) =	sbr.ind lr, $3  }
0x3a: {  	_ = 	snop  }
0x3b: {  	_ = 	snop  }
0x3c: {  	p2 =	seq.s32 s10, $0x1;
	s10 =	sld [smem:$0x3FAD]  }
0x3d: {  	_ =	shalt  }
0x3e: {  	_ =	shalt  }
0x3f: {  	_ =	shalt  }
0x40: {  	_ =	shalt  }
0x41: {  	_ =	shalt  }
0x42: {  	_ =	shalt  }
0x43: {  	_ =	shalt  }
0x44: {  	_ =	shalt  }
0x45: {  	_ =	shalt  }
0x46: {  	_ =	shalt  }
0x47: {  	_ =	shalt  }
0x48: {  	_ =	shalt  }
0x49: {  	_ =	shalt  }
0x4a: {  	_ =	shalt  }
0x4b: {  	_ =	shalt  }
0x4c: {  	_ =	shalt  }
0x4d: {  	_ =	shalt  }
0x4e: {  	_ =	shalt  }
0x4f: {  	_ =	shalt  }
0x50: {  	_ =	shalt  }
0x51: {  	_ =	shalt  }
0x52: {  	_ =	shalt  }
0x53: {  	_ =	shalt  }
0x54: {  	_ =	shalt  }
0x55: {  	_ =	shalt  }
0x56: {  	_ =	shalt  }
0x57: {  	_ =	shalt  }
0x58: {  	_ =	shalt  }
0x59: {  	_ =	shalt  }
0x5a: {  	_ =	shalt  }
0x5b: {  	_ =	shalt  }
0x5c: {  	_ =	shalt  }
0x5d: {  	_ =	shalt  }
0x5e: {  	_ =	shalt  }
0x5f: {  	_ =	shalt  }
0x60: {  	_ =	shalt  }
0x61: {  	_ =	shalt  }
0x62: {  	_ =	shalt  }
0x63: {  	_ =	shalt  }
0x64: {  	_ =	shalt  }
0x65: {  	_ =	shalt  }
0x66: {  	_ =	shalt  }
0x67: {  	_ =	shalt  }
0x68: {  	_ =	shalt  }
0x69: {  	_ =	shalt  }
0x6a: {  	_ =	shalt  }
0x6b: {  	_ =	shalt  }
0x6c: {  	_ =	shalt  }
0x6d: {  	_ =	shalt  }
0x6e: {  	_ =	shalt  }
0x6f: {  	_ =	shalt  }
0x70: {  	_ =	shalt  }
0x71: {  	_ =	shalt  }
0x72: {  	_ =	shalt  }
0x73: {  	_ =	shalt  }
0x74: {  	_ =	shalt  }
0x75: {  	_ =	shalt  }
0x76: {  	_ =	shalt  }
0x77: {  	_ =	shalt  }
0x78: {  	_ =	shalt  }
0x79: {  	_ =	shalt  }
0x7a: {  	_ =	shalt  }
0x7b: {  	_ =	shalt  }
0x7c: {  	_ =	shalt  }
0x7d: {  	_ =	shalt  }
0x7e: {  	_ =	shalt  }
0x7f: {  	_ =	shalt  }
0x80: {  	_ =	shalt  }
0x81: {  	_ =	shalt  }
0x82: {  	_ =	shalt  }
0x83: {  	_ =	shalt  }
0x84: {  	_ =	shalt  }
0x85: {  	_ =	shalt  }
0x86: {  	_ =	shalt  }
0x87: {  	_ =	shalt  }
.Lfunc_end0:
.L_simem_size_0:
called_computation_lowered:
.L_overlay_start_0:
0x88: {  	s2 =	sld [smem:$0x3FD9]  }
0x89: {  	s3 =	sld [smem:$0x3FFE];
	_ =	sdelay $0x1  }
0x8a: {  	s1 =	srdreg.scid  }
0x8b: {  	s0 =	sand.u32 $0x1, s1  }
0x8c: {  	s16 =	sshll.u32 s0, $0xA;
	s2 =	sadd.s32 s3, s2  }
0x8d: {  	s2 =	sadd.s32 s2, s16  }
0x8e: {  	[smem:$0x3FB9] =	sst s2  }
0x8f: {  	_ = 	snop  }
0x90: {  	(tm) =	ssettm $0x1  }
0x91: {  	s17 =	sld [smem:$0x3FFB];
	_ =	sdelay $0x3  }
0x92: {  	_ =	strace s17  }
0x93: {  	s2 =	sld [smem:$0x3FFC];
	_ =	sdelay $0x3  }
0x94: {  	_ =	strace s2  }
0x95: {  	s2 =	sld [smem:$0x3FFD];
	_ =	sdelay $0x3  }
0x96: {  	_ =	strace s2  }
0x97: {  	_ =	strace $0x8FFFFFFF  }
0x98: {  	s18 =	sld [smem:$0x3FDB];
	_ =	sdelay $0x1  }
0x99: {  	s19 =	simm.s32 $_scs_section_size  }
0x9a: {  	s4 =	simm.s32 $_size__tile_overlayer_lowered;
	s5 =	simm.s32 $_tile_overlayer_lowered  }
0x9b: {  	s22 =	simm.s32 $0x1BFF;
	s21 =	sshll.u32 s5, $0x1;
	s2 =	sadd.s32 s19, s18  }
0x9c: {  	s6 =	simm.s32 $0x0;
	s20 =	sshll.u32 s4, $0x1;
	s4 =	sadd.s32 s21, s2  }
0x9d: {  	[timem:s6], [sflag:s22] =	dma.local [hbm:s4], s20  }
0x9e: {  	_ =	swait.ge [sflag:s22], s20  }
0x9f: {  	s3 =	ssub.s32 $0x0, s20;
	[sflag:s22] =	ssyncset.done $0x0  }
0xa0: {  	[sflag:s22] =	ssyncadd.s32 s3;
	_ =	sdelay $0x1  }
0xa1: {  	s23 =	simm.s32 $0x1B8B  }
0xa2: {  	_ =	swait.ge [sflag:s23], $0x1  }
0xa3: {  	[sflag:s23] =	ssyncset.done $0x0  }
0xa4: {  	s25 =	simm.s32 $0x1B8E;
	s24 =	sld [smem:$0x3FFE];
	[sflag:s23] =	ssyncadd.s32 $0xFFFFFFFF  }
0xa5: {  	s26 =	simm.s32 $execute0_lowered;
	[smem:$0x3FD2] =	sst s25  }
0xa6: {  	s4 =	sshll.u32 s26, $0x1;
	_ =	strace $0x80000046;
	[dreg:$0x1] =	wrdreg $0xFFFFFFFF  }
0xa7: {  	s28 =	simm.s32 $_size_execute0_lowered;
	s2 =	sadd.s32 s2, s4;
	[dreg:$0x0] =	wrdreg $0x0  }
0xa8: {  	s4 =	sshll.u32 s28, $0x1;
	[dreg:$0x2] =	wrdreg s2  }
0xa9: {  	[dreg:$0x3] =	wrdreg s4  }
0xaa: {  	[dreg:$0x4] =	wrdreg $0xC0  }
0xab: {  	_ =	task [dreg:s6], $0x5FFFF  }
0xac: {  	[dreg:$0x1] =	wrdreg $0xFFFFFFFF  }
0xad: {  	[dreg:$0x0] =	wrdreg $0x60  }
0xae: {  	[dreg:$0x2] =	wrdreg s24  }
0xaf: {  	[dreg:$0x3] =	wrdreg $0x0  }
0xb0: {  	[dreg:$0x4] =	wrdreg $0x9  }
0xb1: {  	_ =	task.clear_ibuf [dreg:s6], $0x5FFFF;
	_ =	strace $0x90000046  }
0xb2: {  	s29 =	simm.s32 $0x9;
	_ =	strace $0x80000048  }
0xb3: {  	_ =	swait.ge [sflag:s29], $0x1  }
0xb4: {  	[sflag:s29] =	ssyncadd.s32 $0xFFFFFFFF  }
0xb5: {  	_ =	strace $0x90000048  }
0xb6: {  	_ =	sfence  }
0xb7: {  	s30 =	sld [smem:$0x0];
	_ =	sdelay $0x2  }
0xb8: {  	s31 =	sshll.u32 s1, $0xD;
	s1 =	sshrl.u32 s1, $0x2  }
0xb9: {  	s3 =	sand.u32 $0x4000, s31;
	s1 =	sadd.s32 s1, s30  }
0xba: {  	s0 =	sor.u32 s3, s0;
	s1 =	sshll.u32 s1, $0x11  }
0xbb: {  	s0 =	sor.u32 s1, s0  }
0xbc: {  	s0 =	sadd.s32 $0x8F2B, s0  }
0xbd: {  	[sflag:s0] =	ssyncadd.remote.s32 $0x1  }
0xbe: {  	_ =	sfence.sel $0xFFFF  }
0xbf: {  	[dreg:$0x0] =	wrdreg $0xFFFFFFFF;
	(pc) =	sbr.abs _section_cstart, $3  }
0xc0: {  	[dreg:$0x1] =	wrdreg $0xFFFFFFFF  }
0xc1: {  	_ =	task.clear_ibuf [dreg:s6], $0x2FFFF;
	_ =	strace $0x9FFFFFFF  }
0xc2: {  	(tm) =	ssettm $0x7FFFFFFF  }
0xc3: {  	_ =	shalt  }
tec
execute0_lowered:
.L_overlay_start_1:
0x0: {  	(tag) =	ssettag $0x1  }
0x1: {  	s7 =	rddreg [dreg:$0x0];
	s1 =	stileid.u32  }
0x2: {  	s2 =	rddreg [dreg:$0x1];
	s3 =	smul.u32 $0x500, s1  }
0x3: {  	s0 =	rddreg [dreg:$0x2];
	s6 =	simm.s32 $0x0  }
0x4: {  	s4 =	simm.s32 $0x280;
	[smem:$0x7FF] =	sst s6;
	s3 =	sadd.s32 s3, s7  }
0x5: {  	_ =	strace $0x80000047;
	s8 =	sadd.s32 $0x4400, s3;
	s3 =	simm.s32 $0x1  }
0x6: {  	[tilespmem:s4], [sflag:$0x1] =	stream.linear.gather [hbm4b:s8+s6], $0x2800, $0x38;
	[tilespmem:$0x5500] =	vst v63  }
0x7: {  	_ =	swait.ge [sflag:s3], $0x2800  }
0x8: {  	[sflag:s3] =	ssyncset.done $0x0  }
0x9: {  	s5 =	simm.s32 $0x2A80;
	s11 =	sadd.s32 $0x9400, s7;
	[sflag:s3] =	ssyncadd.s32 $0xFFFFD800  }
0xa: {  	[tilespmem:s5], [sflag:$0x1] =	stream.linear.gather [hbm4b:s11+s6], $0x2800, $0x38;
	[tilespmem:$0x5500] =	vst v63  }
0xb: {  	_ =	swait.ge [sflag:s3], $0x2800  }
0xc: {  	[sflag:s3] =	ssyncset.done $0x0  }
0xd: {  	v0 =	vimm.f32 $0.0e+00;
	[sflag:s3] =	ssyncadd.s32 $0xFFFFD800  }
0xe: {  	[tilespmem:$0x54F0] =	vst v0  }
0xf: {  	s9 =	srdreg.scid;
	[tilespmem:$0x54E0] =	vst v0  }
0x10: {  	s10 =	sand.u32 $0x1, s9;
	[tilespmem:$0x54D0] =	vst v0  }
0x11: {  	s12 =	ssub.s32 $0x2, s10;
	[tilespmem:$0x54C0] =	vst v0  }
0x12: {  	s13 =	sshrl.u32 s12, $0x1;
	[tilespmem:$0x54B0] =	vst v0  }
0x13: {  	s12 =	ssub.s32 s12, s13;
	[tilespmem:$0x54A0] =	vst v0  }
0x14: {  	s12 =	smax.u32 s12, $0x1;
	[tilespmem:$0x5490] =	vst v0  }
0x15: {  	s15 =	sadd.s32 $0xFFFFFFFF, s12;
	[tilespmem:$0x5480] =	vst v0  }
0x16: {  	s31 =	smul.u32 $0x280, s1;
	p1 =	sne.s32 s15, $0x0;
	[tilespmem:$0x5470] =	vst v0  }
.Ltmp0:
0x17: {  	[tilespmem:$0x5460] =	vst v0;
	(pc) =	sbr.rel @!p1 .LBB2_2-.Ltmp0, $4  }
0x18: {  	p0 =	sne.s32 s10, $0x0;
	[tilespmem:$0x5450] =	vst v0  }
0x19: {  	s14 =	sshrl.u32 s31, $0x3;
	s9 =	sadd.s32 s31, s2;
	s10 =	sshll.u32 @!p0 s1, $0x6;
	[tilespmem:$0x5440] =	vst v0  }
0x1a: {  	s7 =	sadd.s32 s14, s7;
	s14 =	simm.s32 $0x5280;
	s13 =	simm.s32 $0x2800;
	[tilespmem:$0x5430] =	vst v0  }
0x1b: {  	s10 =	sor.u32 @!p0 $0x1C01, s10;
	s7 =	sadd.s32 $0x9A00, s7;
	s12 =	sshrl.u32 @!p0 s9, $0x3;
	[tilespmem:$0x5420] =	vst v0  }
.LBB2_1:
0x1c: {  	s15 =	sadd.s32 $0xFFFFFFFF, s15;
	[tilespmem:$0x5410] =	vst v0  }
0x1d: {  	p1 =	sne.s32 s15, $0x0;
	[tilespmem:$0x5400] =	vst v0  }
0x1e: {  	[tilespmem:$0x53F0] =	vst v0  }
0x1f: {  	[tilespmem:$0x53E0] =	vst v0  }
0x20: {  	[tilespmem:$0x53D0] =	vst v0  }
0x21: {  	[tilespmem:$0x53C0] =	vst v0  }
0x22: {  	[tilespmem:$0x53B0] =	vst v0  }
0x23: {  	[tilespmem:$0x53A0] =	vst v0  }
0x24: {  	[tilespmem:$0x5390] =	vst v0  }
0x25: {  	[tilespmem:$0x5380] =	vst v0  }
0x26: {  	[tilespmem:$0x5370] =	vst v0  }
0x27: {  	[tilespmem:$0x5360] =	vst v0  }
0x28: {  	[tilespmem:$0x5350] =	vst v0  }
0x29: {  	[tilespmem:$0x5340] =	vst v0  }
0x2a: {  	[tilespmem:$0x5330] =	vst v0  }
0x2b: {  	[tilespmem:$0x5320] =	vst v0  }
0x2c: {  	[tilespmem:$0x5310] =	vst v0  }
0x2d: {  	[tilespmem:$0x5300] =	vst v0  }
0x2e: {  	[tilespmem:$0x52F0] =	vst v0  }
0x2f: {  	[tilespmem:$0x52E0] =	vst v0  }
0x30: {  	[tilespmem:$0x52D0] =	vst v0  }
0x31: {  	[tilespmem:$0x52C0] =	vst v0  }
0x32: {  	[tilespmem:$0x52B0] =	vst v0  }
0x33: {  	[tilespmem:$0x52A0] =	vst v0  }
0x34: {  	[tilespmem:$0x5280] =	vst v0  }
0x35: {  	[tilespmem:$0x5290] =	vst v0  }
0x36: {  	[spmem:s9] =	stream.linear.scatter [tilespmem:s14], [sflag:$0x1], $0x280, $0x38;
	[tilespmem:$0x5500] =	vst v63  }
0x37: {  	_ =	swait.ge [sflag:s3], $0x280  }
0x38: {  	[sflag:s3] =	ssyncset.done $0x0  }
0x39: {  	[sflag:s3] =	ssyncadd.s32 $0xFFFFFD80  }
0x3a: {  	[bflag:$0x0] =	sbarrier.arrive $0xFFFF  }
0x3b: {  	[spmem:s2] =	stream.indirect.scatter.add.f32 [tilespmem:s5], [sflag:$0x1], $0x1, s4, s13, $0xb8;
	[tilespmem:$0x5500] =	vst v63  }
0x3c: {  	_ =	swait.ge [sflag:s3], $0x2800  }
0x3d: {  	[sflag:s3] =	ssyncset.done $0x0  }
0x3e: {  	[sflag:s3] =	ssyncadd.s32 $0xFFFFD800  }
0x3f: {  	s16 =	simm.s32 @!p0 $0x1;
	[bflag:$0x0] =	sbarrier.arrive $0xFFFF  }
0x40: {  	[hbm:s7], [sflag:s10] =	dma.local @!p0 [spmem:s12], $0x50  }
0x41: {  	_ =	swait.ge @!p0 [sflag:s16], $0x50  }
0x42: {  	[sflag:s16] =	ssyncset.done @!p0 $0x0  }
0x43: {  	[sflag:s16] =	ssyncadd.s32 @!p0 $0xFFFFFFB0  }
0x44: {  	[tilespmem:s4], [sflag:$0x1] =	stream.linear.gather [hbm4b:s8+s6], $0x2800, $0x38;
	[tilespmem:$0x5500] =	vst v63  }
0x45: {  	_ =	swait.ge [sflag:s3], $0x2800  }
0x46: {  	[sflag:s3] =	ssyncset.done $0x0  }
0x47: {  	[sflag:s3] =	ssyncadd.s32 $0xFFFFD800  }
0x48: {  	[tilespmem:s5], [sflag:$0x1] =	stream.linear.gather [hbm4b:s11+s6], $0x2800, $0x38;
	[tilespmem:$0x5500] =	vst v63  }
0x49: {  	_ =	swait.ge [sflag:s3], $0x2800  }
0x4a: {  	[sflag:s3] =	ssyncset.done $0x0  }
0x4b: {  	[sflag:s3] =	ssyncadd.s32 $0xFFFFD800  }
0x4c: {  	[tilespmem:$0x54F0] =	vst v0  }
0x4d: {  	[tilespmem:$0x54E0] =	vst v0  }
0x4e: {  	[tilespmem:$0x54D0] =	vst v0  }
0x4f: {  	[tilespmem:$0x54C0] =	vst v0  }
0x50: {  	[tilespmem:$0x54B0] =	vst v0  }
0x51: {  	[tilespmem:$0x54A0] =	vst v0  }
0x52: {  	[tilespmem:$0x5490] =	vst v0  }
0x53: {  	[tilespmem:$0x5480] =	vst v0  }
0x54: {  	[tilespmem:$0x5470] =	vst v0  }
.Ltmp1:
0x55: {  	[tilespmem:$0x5460] =	vst v0;
	(pc) =	sbr.rel @p1 .LBB2_1-.Ltmp1, $4  }
0x56: {  	[tilespmem:$0x5450] =	vst v0  }
0x57: {  	[tilespmem:$0x5440] =	vst v0  }
0x58: {  	[tilespmem:$0x5430] =	vst v0  }
0x59: {  	[tilespmem:$0x5420] =	vst v0  }
.LBB2_2:
0x5a: {  	[tilespmem:$0x5410] =	vst v0  }
0x5b: {  	[tilespmem:$0x5400] =	vst v0  }
0x5c: {  	[tilespmem:$0x53F0] =	vst v0  }
0x5d: {  	[tilespmem:$0x53E0] =	vst v0  }
0x5e: {  	[tilespmem:$0x53D0] =	vst v0  }
0x5f: {  	[tilespmem:$0x53C0] =	vst v0  }
0x60: {  	[tilespmem:$0x53B0] =	vst v0  }
0x61: {  	[tilespmem:$0x53A0] =	vst v0  }
0x62: {  	[tilespmem:$0x5390] =	vst v0  }
0x63: {  	[tilespmem:$0x5380] =	vst v0  }
0x64: {  	[tilespmem:$0x5370] =	vst v0  }
0x65: {  	[tilespmem:$0x5360] =	vst v0  }
0x66: {  	[tilespmem:$0x5350] =	vst v0  }
0x67: {  	[tilespmem:$0x5340] =	vst v0  }
0x68: {  	[tilespmem:$0x5330] =	vst v0  }
0x69: {  	[tilespmem:$0x5320] =	vst v0  }
0x6a: {  	[tilespmem:$0x5310] =	vst v0  }
0x6b: {  	[tilespmem:$0x5300] =	vst v0  }
0x6c: {  	[tilespmem:$0x52F0] =	vst v0  }
0x6d: {  	[tilespmem:$0x52E0] =	vst v0  }
0x6e: {  	[tilespmem:$0x52D0] =	vst v0  }
0x6f: {  	[tilespmem:$0x52C0] =	vst v0  }
0x70: {  	[tilespmem:$0x52B0] =	vst v0  }
0x71: {  	[tilespmem:$0x52A0] =	vst v0  }
0x72: {  	[tilespmem:$0x5280] =	vst v0  }
0x73: {  	[tilespmem:$0x5290] =	vst v0  }
0x74: {  	[spmem:s9] =	stream.linear.scatter [tilespmem:s14], [sflag:$0x1], $0x280, $0x38;
	[tilespmem:$0x5500] =	vst v63  }
0x75: {  	_ =	swait.ge [sflag:s3], $0x280  }
0x76: {  	[sflag:s3] =	ssyncset.done $0x0  }
0x77: {  	[sflag:s3] =	ssyncadd.s32 $0xFFFFFD80  }
0x78: {  	[bflag:$0x0] =	sbarrier.arrive $0xFFFF  }
0x79: {  	[spmem:s2] =	stream.indirect.scatter.add.f32 [tilespmem:s5], [sflag:$0x1], $0x1, s4, s13, $0xb8;
	[tilespmem:$0x5500] =	vst v63  }
0x7a: {  	_ =	swait.ge [sflag:s3], $0x2800  }
0x7b: {  	[sflag:s3] =	ssyncset.done $0x0  }
0x7c: {  	[sflag:s3] =	ssyncadd.s32 $0xFFFFD800  }
0x7d: {  	s2 =	simm.s32 @!p0 $0x1;
	[bflag:$0x0] =	sbarrier.arrive $0xFFFF  }
0x7e: {  	[hbm:s7], [sflag:s10] =	dma.local @!p0 [spmem:s12], $0x50  }
0x7f: {  	_ =	swait.ge @!p0 [sflag:s2], $0x50  }
0x80: {  	[sflag:s2] =	ssyncset.done @!p0 $0x0  }
0x81: {  	[sflag:s2] =	ssyncadd.s32 @!p0 $0xFFFFFFB0  }
0x82: {  	_ =	sfence.sel $0x180000  }
0x83: {  	[bflag:$0x0] =	sbarrier.arrive $0xFFFF  }
0x84: {  	p0 =	sne.s32 s1, $0x0;
	_ =	strace $0x90000047  }
0x85: {  	s0 =	sadd.s32 @!p0 $0x100000, s0;
	[bflag:$0x2] =	sbarrier.arrive $0xFFFF  }
0x86: {  	[sflag:s0] =	ssyncadd.tile.s32 @!p0 $0x1;
	_ =	shalt  }
.Lfunc_end2:
_tile_overlayer_lowered:
.L_overlay_start_2:
0x87: {  	(tag) =	ssettag $0x2  }
0x88: {  	s0 =	rddreg [dreg:$0x0];
	s2 =	stileid.u32  }
0x89: {  	s1 =	rddreg [dreg:$0x1];
	p0 =	sne.s32 s2, $0x0  }
0x8a: {  	s3 =	rddreg [dreg:$0x2];
	[bflag:$0x3] =	sbarrier.arrive $0xFFFF;
	s2 =	simm.s32 @!p0 $0x1C01  }
0x8b: {  	[timem:s3], [sflag:s2] =	dma.local @!p0 [hbm:s0], s1  }
0x8c: {  	s0 =	simm.s32 @!p0 $0x1  }
0x8d: {  	_ =	swait.ge @!p0 [sflag:s0], s1  }
0x8e: {  	s1 =	ssub.s32 @!p0 $0x0, s1;
	[sflag:s0] =	ssyncset.done @!p0 $0x0  }
0x8f: {  	[sflag:s0] =	ssyncadd.s32 @!p0 s1  }
0x90: {  	[bflag:$0x3] =	sbarrier.arrive $0xFFFF  }
0x91: {  	_ =	shalt  }

</sc_bundles>
